<compile_context>
chip_gen: v7x
topology: tpu7x:2x2x1
jax: 0.10.2.dev20260603
libtpu: 0.0.44.dev20260713+nightly
codegen_flags: <defaults>
</compile_context>

<pallas_src>
import functools

import jax
import jax.numpy as jnp
from jax import lax
from jax.experimental import pallas as pl
from jax.experimental.pallas import tpu as pltpu
from jax.experimental.pallas import tpu_sc as plsc

D = 2048
B = 1024
L = 50
LP = 56
NBAGS = 2 * B
NW = 32
BAGS_PER_W = NBAGS // NW
NLANE = 16
CHUNKS = (16, 16, 16, 2)
STARTS = (0, 16, 32, 48)


def _sc_pool(idx_pad, embedding):
    mesh = plsc.VectorSubcoreMesh(core_axis_name="c", subcore_axis_name="s")

    @functools.partial(
        pl.kernel,
        out_type=jax.ShapeDtypeStruct((NBAGS, D), jnp.float32),
        mesh=mesh,
        scratch_types=[
            pltpu.VMEM((BAGS_PER_W, LP), jnp.int32),
            pltpu.VMEM((16, D), jnp.float32),
            pltpu.VMEM((16, D), jnp.float32),
            pltpu.VMEM((16, D), jnp.float32),
            pltpu.VMEM((2, D), jnp.float32),
            pltpu.VMEM((2, D), jnp.float32),
            pltpu.SemaphoreType.DMA,
            pltpu.SemaphoreType.DMA,
            pltpu.SemaphoreType.DMA,
            pltpu.SemaphoreType.DMA,
            pltpu.SemaphoreType.DMA,
        ],
    )
    def pool(idx_hbm, table_hbm, out_hbm, idx_v, buf0, buf1, buf2, buf3,
             acc_v, gsem0, gsem1, gsem2, gsem3, osem):
        nc = plsc.get_sparse_core_info().num_cores
        wid = lax.axis_index("s") * nc + lax.axis_index("c")
        base = wid * BAGS_PER_W
        pltpu.sync_copy(idx_hbm.at[pl.ds(base, BAGS_PER_W)], idx_v)

        bufs = (buf0, buf1, buf2, buf3)
        gsems = (gsem0, gsem1, gsem2, gsem3)
        BUFMAP = (0, 1, 2, 3)

        def fire(bag, j):
            n = CHUNKS[j]
            m = BUFMAP[j]
            pltpu.async_copy(
                table_hbm.at[idx_v.at[bag, pl.ds(STARTS[j], n)]],
                bufs[m],
                gsems[m],
            )

        for j in range(len(CHUNKS)):
            fire(0, j)

        def bag_body(b, carry):
            arow = b & 1
            for j in range(len(CHUNKS)):
                n = CHUNKS[j]
                m = BUFMAP[j]
                if j == 0:
                    @pl.when(b >= 2)
                    def _():
                        pltpu.make_async_copy(
                            acc_v.at[0], out_hbm.at[base], osem).wait()
                pltpu.make_async_copy(
                    table_hbm.at[idx_v.at[b, pl.ds(STARTS[j], n)]],
                    bufs[m],
                    gsems[m],
                ).wait()
                buf = bufs[m]
                fresh = (j == 0)

                @plsc.parallel_loop(0, D // NLANE, unroll=8)
                def _(d, n=n, buf=buf, fresh=fresh, arow=arow):
                    col = pl.ds(d * NLANE, NLANE)
                    vs = [buf[r, col] for r in range(n)]
                    while len(vs) > 1:
                        nxt = [vs[i] + vs[i + 1]
                               for i in range(0, len(vs) - 1, 2)]
                        if len(vs) % 2:
                            nxt.append(vs[-1])
                        vs = nxt
                    if fresh:
                        acc_v[arow, col] = vs[0]
                    else:
                        plsc.addupdate(acc_v.at[arow, col], vs[0])

                @pl.when(b < BAGS_PER_W - 1)
                def _(j=j):
                    fire(b + 1, j)

            pltpu.async_copy(acc_v.at[arow], out_hbm.at[base + b], osem)
            return carry

        lax.fori_loop(0, BAGS_PER_W, bag_body, 0, unroll=False)
        pltpu.make_async_copy(acc_v.at[0], out_hbm.at[base], osem).wait()
        pltpu.make_async_copy(acc_v.at[0], out_hbm.at[base], osem).wait()

    return pool(idx_pad, embedding)


def _tc_head(pooled, idx_pad, stm2d, e0, W1a, W1b, b1, W2, b2):
    BLK = 256
    grid = (B // BLK,)

    def body(sw_ref, sb_ref, iw_ref, ib_ref, stm_ref, e0_ref,
             w1a_ref, w1b_ref, b1_ref, w2_ref, b2_ref, out_ref):
        valid = lax.broadcasted_iota(jnp.int32, (BLK, LP), 1) < L
        cw = jnp.sum(jnp.where((iw_ref[...] == 0) & valid, 1.0, 0.0),
                     axis=1, keepdims=True)
        cb = jnp.sum(jnp.where((ib_ref[...] == 0) & valid, 1.0, 0.0),
                     axis=1, keepdims=True)
        e0 = e0_ref[...]
        w = sw_ref[...] - cw * e0
        bk = sb_ref[...] - cb * e0
        pick = stm_ref[...] == 1
        u = jnp.where(pick, w, bk)
        v = jnp.where(pick, bk, w)
        h = (jnp.dot(u, w1a_ref[...], preferred_element_type=jnp.float32)
             + jnp.dot(v, w1b_ref[...], preferred_element_type=jnp.float32)
             + b1_ref[...])
        h = jnp.maximum(h, 0.0)
        out_ref[...] = (jnp.dot(h, w2_ref[...],
                                preferred_element_type=jnp.float32)
                        + b2_ref[...])

    nblk = B // BLK
    return pl.pallas_call(
        body,
        grid=grid,
        in_specs=[
            pl.BlockSpec((BLK, D), lambda i: (i, 0)),
            pl.BlockSpec((BLK, D), lambda i, n=nblk: (i + n, 0)),
            pl.BlockSpec((BLK, LP), lambda i: (i, 0)),
            pl.BlockSpec((BLK, LP), lambda i, n=nblk: (i + n, 0)),
            pl.BlockSpec((BLK, 1), lambda i: (i, 0)),
            pl.BlockSpec((1, D), lambda i: (0, 0)),
            pl.BlockSpec((D, 128), lambda i: (0, 0)),
            pl.BlockSpec((D, 128), lambda i: (0, 0)),
            pl.BlockSpec((1, 128), lambda i: (0, 0)),
            pl.BlockSpec((128, 1), lambda i: (0, 0)),
            pl.BlockSpec((1, 1), lambda i: (0, 0)),
        ],
        out_specs=pl.BlockSpec((BLK, 1), lambda i: (i, 0)),
        out_shape=jax.ShapeDtypeStruct((B, 1), jnp.float32),
    )(pooled, pooled, idx_pad, idx_pad, stm2d, e0, W1a, W1b, b1, W2, b2)


def kernel(white, black, stm, embedding, W1, b1, W2, b2):
    idx = jnp.concatenate([white, black], axis=0).astype(jnp.int32)
    idx_pad = jnp.pad(idx, ((0, 0), (0, LP - L)))
    pooled = _sc_pool(idx_pad, embedding)
    stm2d = stm.astype(jnp.int32).reshape(B, 1)
    e0 = embedding[0:1]
    W1a = W1[:D]
    W1b = W1[D:]
    out = _tc_head(pooled, idx_pad, stm2d, e0, W1a, W1b,
                   b1.reshape(1, 128), W2, b2.reshape(1, 1))
    return out

# --- scband reference (transcript-rebuilt; emitter-appended) ---
"""Pipeline reference for scband-nnue-84344567759346 (READ-ONLY COPY).

The authoritative reference and input builder live on the scoring server;
editing this copy changes nothing except your own understanding.
"""

import jax, jax.numpy as jnp
import numpy as np

NUM_FEATURES = 40960
EMB_DIM = 2048
B = 1024
L = 50

def setup_inputs(seed: int = 0) -> dict:
    key = jax.random.key(seed)
    k1, k2, k3, k4, k5, k6, k7, k8 = jax.random.split(key, 8)
    white = jax.random.randint(k1, (B, L), 0, NUM_FEATURES, dtype=jnp.int64 if jax.config.jax_enable_x64 else jnp.int32)
    black = jax.random.randint(k2, (B, L), 0, NUM_FEATURES, dtype=jnp.int64 if jax.config.jax_enable_x64 else jnp.int32)
    stm = jax.random.randint(k3, (B,), 0, 2, dtype=jnp.int64 if jax.config.jax_enable_x64 else jnp.int32)
    embedding = jax.random.normal(k4, (NUM_FEATURES, EMB_DIM), dtype=jnp.float32)
    W1 = jax.random.normal(k5, (2 * EMB_DIM, 128), dtype=jnp.float32) * 0.02
    b1 = jnp.zeros((128,), dtype=jnp.float32)
    W2 = jax.random.normal(k6, (128, 1), dtype=jnp.float32) * 0.02
    b2 = jnp.zeros((1,), dtype=jnp.float32)
    return {"white": white, "black": black, "stm": stm, "embedding": embedding,
            "W1": W1, "b1": b1, "W2": W2, "b2": b2}

def _encode(padded, embedding):
    # padded: [B, L] int indices (already padded; padding_value=0)
    emb = jnp.take(embedding, padded, axis=0)          # [B, L, EMB_DIM] gather
    mask = (padded != 0)[..., None].astype(emb.dtype)  # [B, L, 1]
    return (emb * mask).sum(axis=1)                    # [B, EMB_DIM]

def reference(white, black, stm, embedding, W1, b1, W2, b2):
    w = _encode(white, embedding)
    bk = _encode(black, embedding)
    wb = jnp.concatenate([w, bk], axis=1)
    bw = jnp.concatenate([bk, w], axis=1)
    x = jnp.where((stm[:, None] == 1), wb, bw)
    h = jnp.maximum(x @ W1 + b1, 0.0)
    out = h @ W2 + b2
    return out

if __name__ == "__main__":
    import jax
    _d = setup_inputs()
    print(jax.jit(kernel)(*tuple(_d.values())))

</pallas_src>

<mosaic_0001>
#map = affine_map<(d0, d1) -> (0, 0)>
module attributes {stable_mosaic.version = 14 : i64} {
  func.func @pool(%arg0: i32, %arg1: i32, %arg2: memref<2048x56xi32, #tpu.memory_space<hbm>>, %arg3: memref<40960x2048xf32, #tpu.memory_space<hbm>>, %arg4: memref<2048x2048xf32, #tpu.memory_space<hbm>>, %arg5: memref<64x56xi32, #tpu.memory_space<vmem>>, %arg6: memref<16x2048xf32, #tpu.memory_space<vmem>>, %arg7: memref<16x2048xf32, #tpu.memory_space<vmem>>, %arg8: memref<16x2048xf32, #tpu.memory_space<vmem>>, %arg9: memref<2x2048xf32, #tpu.memory_space<vmem>>, %arg10: memref<2x2048xf32, #tpu.memory_space<vmem>>, %arg11: memref<!tpu.dma_semaphore, #tpu.memory_space<semaphore_mem>>, %arg12: memref<!tpu.dma_semaphore, #tpu.memory_space<semaphore_mem>>, %arg13: memref<!tpu.dma_semaphore, #tpu.memory_space<semaphore_mem>>, %arg14: memref<!tpu.dma_semaphore, #tpu.memory_space<semaphore_mem>>, %arg15: memref<!tpu.dma_semaphore, #tpu.memory_space<semaphore_mem>>) attributes {dimension_semantics = [#tpu.dimension_semantics<core_parallel>, #tpu.dimension_semantics<subcore_parallel>], iteration_bounds = array<i64: 2, 16>, scalar_prefetch = 0 : i64, scratch_operands = 11 : i64, tpu.core_type = #tpu.core_type<sc_vector_subcore>, window_params = [{transform_indices = #map}, {transform_indices = #map}, {transform_indices = #map}]} {
    %mul3A = arith.constant 2 : i32
    %mul3A_0 = arith.muli %arg1, %mul3A : i32
    %add3A = arith.addi %mul3A_0, %arg0 : i32
    %mul3A_1 = arith.constant 64 : i32
    %mul3A_2 = arith.muli %add3A, %mul3A_1 : i32
    "tpu.region"() ({
      %run_scoped3A = tpu.sem_alloc : memref<!tpu.dma_semaphore, #tpu.memory_space<semaphore_mem>>
      %dma_start3A_60 = arith.constant 0 : i32
      %dma_start3A_61 = tpu.memref_slice %arg2[%mul3A_2, %dma_start3A_60] : memref<2048x56xi32, #tpu.memory_space<hbm>> -> memref<64x56xi32, #tpu.memory_space<hbm>>
      %dma_start3A_62 = arith.constant 0 : i32
      %dma_start3A_63 = tpu.memref_slice %arg2[%mul3A_2, %dma_start3A_62] : memref<2048x56xi32, #tpu.memory_space<hbm>> -> memref<64x56xi32, #tpu.memory_space<hbm>>
      tpu.enqueue_dma source(%dma_start3A_63 : memref<64x56xi32, #tpu.memory_space<hbm>>) target(%arg5 : memref<64x56xi32, #tpu.memory_space<vmem>>) target_semaphore(%run_scoped3A : memref<!tpu.dma_semaphore, #tpu.memory_space<semaphore_mem>>)
      %dma_wait3A_64 = arith.constant 0 : i32
      %dma_wait3A_65 = tpu.memref_slice %arg2[%mul3A_2, %dma_wait3A_64] : memref<2048x56xi32, #tpu.memory_space<hbm>> -> memref<64x56xi32, #tpu.memory_space<hbm>>
      %dma_wait3A_66 = arith.constant 0 : i32
      %dma_wait3A_67 = tpu.memref_slice %arg2[%mul3A_2, %dma_wait3A_66] : memref<2048x56xi32, #tpu.memory_space<hbm>> -> memref<64x56xi32, #tpu.memory_space<hbm>>
      tpu.wait_dma2 semaphore(%run_scoped3A : memref<!tpu.dma_semaphore, #tpu.memory_space<semaphore_mem>>) src(%dma_wait3A_67 : memref<64x56xi32, #tpu.memory_space<hbm>>) dst(%arg5 : memref<64x56xi32, #tpu.memory_space<vmem>>)
      tpu.yield
    }) : () -> ()
    %dma_start3A = arith.constant 0 : i32
    %dma_start3A_3 = arith.constant 0 : i32
    %dma_start3A_4 = tpu.memref_slice %arg5[%dma_start3A, %dma_start3A_3] : memref<64x56xi32, #tpu.memory_space<vmem>> -> memref<1x16xi32, #tpu.memory_space<vmem>>
    %dma_start3A_5 = tpu.memref_squeeze %dma_start3A_4 : memref<1x16xi32, #tpu.memory_space<vmem>> -> memref<16xi32, #tpu.memory_space<vmem>>
    %dma_start3A_6 = arith.constant 0 : i32
    %dma_start3A_7 = arith.constant 0 : i32
    %dma_start3A_8 = tpu.memref_slice %arg3[%dma_start3A_6, %dma_start3A_7] : memref<40960x2048xf32, #tpu.memory_space<hbm>> -> memref<40960x2048xf32, #tpu.memory_space<hbm>>
    tpu.enqueue_indirect_dma source(%dma_start3A_8 : memref<40960x2048xf32, #tpu.memory_space<hbm>>) target(%arg6 : memref<16x2048xf32, #tpu.memory_space<vmem>>) offsets(%dma_start3A_5 : memref<16xi32, #tpu.memory_space<vmem>>) semaphore(%arg11 : memref<!tpu.dma_semaphore, #tpu.memory_space<semaphore_mem>>)
    %dma_start3A_9 = arith.constant 0 : i32
    %dma_start3A_10 = arith.constant 16 : i32
    %dma_start3A_11 = tpu.memref_slice %arg5[%dma_start3A_9, %dma_start3A_10] : memref<64x56xi32, #tpu.memory_space<vmem>> -> memref<1x16xi32, #tpu.memory_space<vmem>>
    %dma_start3A_12 = tpu.memref_squeeze %dma_start3A_11 : memref<1x16xi32, #tpu.memory_space<vmem>> -> memref<16xi32, #tpu.memory_space<vmem>>
    %dma_start3A_13 = arith.constant 0 : i32
    %dma_start3A_14 = arith.constant 0 : i32
    %dma_start3A_15 = tpu.memref_slice %arg3[%dma_start3A_13, %dma_start3A_14] : memref<40960x2048xf32, #tpu.memory_space<hbm>> -> memref<40960x2048xf32, #tpu.memory_space<hbm>>
    tpu.enqueue_indirect_dma source(%dma_start3A_15 : memref<40960x2048xf32, #tpu.memory_space<hbm>>) target(%arg7 : memref<16x2048xf32, #tpu.memory_space<vmem>>) offsets(%dma_start3A_12 : memref<16xi32, #tpu.memory_space<vmem>>) semaphore(%arg12 : memref<!tpu.dma_semaphore, #tpu.memory_space<semaphore_mem>>)
    %dma_start3A_16 = arith.constant 0 : i32
    %dma_start3A_17 = arith.constant 32 : i32
    %dma_start3A_18 = tpu.memref_slice %arg5[%dma_start3A_16, %dma_start3A_17] : memref<64x56xi32, #tpu.memory_space<vmem>> -> memref<1x16xi32, #tpu.memory_space<vmem>>
    %dma_start3A_19 = tpu.memref_squeeze %dma_start3A_18 : memref<1x16xi32, #tpu.memory_space<vmem>> -> memref<16xi32, #tpu.memory_space<vmem>>
    %dma_start3A_20 = arith.constant 0 : i32
    %dma_start3A_21 = arith.constant 0 : i32
    %dma_start3A_22 = tpu.memref_slice %arg3[%dma_start3A_20, %dma_start3A_21] : memref<40960x2048xf32, #tpu.memory_space<hbm>> -> memref<40960x2048xf32, #tpu.memory_space<hbm>>
    tpu.enqueue_indirect_dma source(%dma_start3A_22 : memref<40960x2048xf32, #tpu.memory_space<hbm>>) target(%arg8 : memref<16x2048xf32, #tpu.memory_space<vmem>>) offsets(%dma_start3A_19 : memref<16xi32, #tpu.memory_space<vmem>>) semaphore(%arg13 : memref<!tpu.dma_semaphore, #tpu.memory_space<semaphore_mem>>)
    %dma_start3A_23 = arith.constant 0 : i32
    %dma_start3A_24 = arith.constant 48 : i32
    %dma_start3A_25 = tpu.memref_slice %arg5[%dma_start3A_23, %dma_start3A_24] : memref<64x56xi32, #tpu.memory_space<vmem>> -> memref<1x2xi32, #tpu.memory_space<vmem>>
    %dma_start3A_26 = tpu.memref_squeeze %dma_start3A_25 : memref<1x2xi32, #tpu.memory_space<vmem>> -> memref<2xi32, #tpu.memory_space<vmem>>
    %dma_start3A_27 = arith.constant 0 : i32
    %dma_start3A_28 = arith.constant 0 : i32
    %dma_start3A_29 = tpu.memref_slice %arg3[%dma_start3A_27, %dma_start3A_28] : memref<40960x2048xf32, #tpu.memory_space<hbm>> -> memref<40960x2048xf32, #tpu.memory_space<hbm>>
    tpu.enqueue_indirect_dma source(%dma_start3A_29 : memref<40960x2048xf32, #tpu.memory_space<hbm>>) target(%arg9 : memref<2x2048xf32, #tpu.memory_space<vmem>>) offsets(%dma_start3A_26 : memref<2xi32, #tpu.memory_space<vmem>>) semaphore(%arg14 : memref<!tpu.dma_semaphore, #tpu.memory_space<semaphore_mem>>)
    %scan3A = arith.constant 0 : i32
    %scan3A_30 = arith.constant 0 : i32
    %scan3A_31 = arith.constant 64 : i32
    %scan3A_32 = arith.addi %scan3A_30, %scan3A_31 : i32
    %scan3A_33 = arith.constant 1 : i32
    scf.for %scan3A_60 = %scan3A_30 to %scan3A_32 step %scan3A_33  : i32 {
      %and3A = arith.constant 1 : i32
      %and3A_61 = arith.andi %scan3A_60, %and3A : i32
      %ge3A = arith.constant 2 : i32
      %ge3A_62 = arith.cmpi sge, %scan3A_60, %ge3A : i32
      %convert_element_type3A = arith.extui %ge3A_62 : i1 to i32
      %cond3A = arith.constant 0 : i32
      %cond3A_63 = arith.cmpi ne, %convert_element_type3A, %cond3A : i32
      scf.if %cond3A_63 {
        %dma_wait3A_131 = arith.constant 0 : i32
        %dma_wait3A_132 = arith.constant 0 : i32
        %dma_wait3A_133 = tpu.memref_slice %arg10[%dma_wait3A_131, %dma_wait3A_132] : memref<2x2048xf32, #tpu.memory_space<vmem>> -> memref<1x2048xf32, #tpu.memory_space<vmem>>
        %dma_wait3A_134 = tpu.memref_squeeze %dma_wait3A_133 : memref<1x2048xf32, #tpu.memory_space<vmem>> -> memref<2048xf32, #tpu.memory_space<vmem>>
        %dma_wait3A_135 = arith.constant 0 : i32
        %dma_wait3A_136 = tpu.memref_slice %arg4[%mul3A_2, %dma_wait3A_135] : memref<2048x2048xf32, #tpu.memory_space<hbm>> -> memref<1x2048xf32, #tpu.memory_space<hbm>>
        %dma_wait3A_137 = tpu.memref_squeeze %dma_wait3A_136 : memref<1x2048xf32, #tpu.memory_space<hbm>> -> memref<2048xf32, #tpu.memory_space<hbm>>
        %dma_wait3A_138 = arith.constant 0 : i32
        %dma_wait3A_139 = tpu.memref_slice %arg4[%mul3A_2, %dma_wait3A_138] : memref<2048x2048xf32, #tpu.memory_space<hbm>> -> memref<1x2048xf32, #tpu.memory_space<hbm>>
        %dma_wait3A_140 = tpu.memref_squeeze %dma_wait3A_139 : memref<1x2048xf32, #tpu.memory_space<hbm>> -> memref<2048xf32, #tpu.memory_space<hbm>>
        %dma_wait3A_141 = arith.constant 0 : i32
        %dma_wait3A_142 = tpu.memref_slice %arg10[%dma_wait3A_131, %dma_wait3A_141] : memref<2x2048xf32, #tpu.memory_space<vmem>> -> memref<1x2048xf32, #tpu.memory_space<vmem>>
        %dma_wait3A_143 = tpu.memref_squeeze %dma_wait3A_142 : memref<1x2048xf32, #tpu.memory_space<vmem>> -> memref<2048xf32, #tpu.memory_space<vmem>>
        tpu.wait_dma2 semaphore(%arg15 : memref<!tpu.dma_semaphore, #tpu.memory_space<semaphore_mem>>) src(%dma_wait3A_143 : memref<2048xf32, #tpu.memory_space<vmem>>) dst(%dma_wait3A_140 : memref<2048xf32, #tpu.memory_space<hbm>>)
      } else {
      }
      %dma_wait3A_64 = arith.constant 0 : i32
      %dma_wait3A_65 = tpu.memref_slice %arg5[%scan3A_60, %dma_wait3A_64] : memref<64x56xi32, #tpu.memory_space<vmem>> -> memref<1x16xi32, #tpu.memory_space<vmem>>
      %dma_wait3A_66 = tpu.memref_squeeze %dma_wait3A_65 : memref<1x16xi32, #tpu.memory_space<vmem>> -> memref<16xi32, #tpu.memory_space<vmem>>
      %dma_wait3A_67 = arith.constant 0 : i32
      %dma_wait3A_68 = arith.constant 0 : i32
      %dma_wait3A_69 = tpu.memref_slice %arg3[%dma_wait3A_67, %dma_wait3A_68] : memref<40960x2048xf32, #tpu.memory_space<hbm>> -> memref<40960x2048xf32, #tpu.memory_space<hbm>>
      tpu.wait_indirect_dma semaphore(%arg11 : memref<!tpu.dma_semaphore, #tpu.memory_space<semaphore_mem>>) src(%dma_wait3A_69 : memref<40960x2048xf32, #tpu.memory_space<hbm>>) dst(%arg6 : memref<16x2048xf32, #tpu.memory_space<vmem>>)
      %parallel_loop3A = arith.constant 0 : i32
      %parallel_loop3A_70 = arith.constant 128 : i32
      %parallel_loop3A_71 = arith.constant 1 : i32
      scf.for %parallel_loop3A_131 = %parallel_loop3A to %parallel_loop3A_70 step %parallel_loop3A_71  : i32 {
        %parallel_loop3A_132 = arith.constant 16 : i32
        %parallel_loop3A_133 = arith.muli %parallel_loop3A_131, %parallel_loop3A_132 : i32
        %parallel_loop3A_134 = arith.constant 0 : i32
        %parallel_loop3A_135 = arith.index_cast %parallel_loop3A_134 : i32 to index
        %parallel_loop3A_136 = arith.index_cast %parallel_loop3A_133 : i32 to index
        %parallel_loop3A_137 = tpu.vector_load %arg6[%parallel_loop3A_135, %parallel_loop3A_136] {strides = array<i32>} : memref<16x2048xf32, #tpu.memory_space<vmem>>, vector<1x16xf32>,
        %parallel_loop3A_138 = vector.shape_cast %parallel_loop3A_137 : vector<1x16xf32> to vector<16xf32>
        %parallel_loop3A_139 = arith.constant 1 : i32
        %parallel_loop3A_140 = arith.index_cast %parallel_loop3A_139 : i32 to index
        %parallel_loop3A_141 = arith.index_cast %parallel_loop3A_133 : i32 to index
        %parallel_loop3A_142 = tpu.vector_load %arg6[%parallel_loop3A_140, %parallel_loop3A_141] {strides = array<i32>} : memref<16x2048xf32, #tpu.memory_space<vmem>>, vector<1x16xf32>,
        %parallel_loop3A_143 = vector.shape_cast %parallel_loop3A_142 : vector<1x16xf32> to vector<16xf32>
        %parallel_loop3A_144 = arith.constant 2 : i32
        %parallel_loop3A_145 = arith.index_cast %parallel_loop3A_144 : i32 to index
        %parallel_loop3A_146 = arith.index_cast %parallel_loop3A_133 : i32 to index
        %parallel_loop3A_147 = tpu.vector_load %arg6[%parallel_loop3A_145, %parallel_loop3A_146] {strides = array<i32>} : memref<16x2048xf32, #tpu.memory_space<vmem>>, vector<1x16xf32>,
        %parallel_loop3A_148 = vector.shape_cast %parallel_loop3A_147 : vector<1x16xf32> to vector<16xf32>
        %parallel_loop3A_149 = arith.constant 3 : i32
        %parallel_loop3A_150 = arith.index_cast %parallel_loop3A_149 : i32 to index
        %parallel_loop3A_151 = arith.index_cast %parallel_loop3A_133 : i32 to index
        %parallel_loop3A_152 = tpu.vector_load %arg6[%parallel_loop3A_150, %parallel_loop3A_151] {strides = array<i32>} : memref<16x2048xf32, #tpu.memory_space<vmem>>, vector<1x16xf32>,
        %parallel_loop3A_153 = vector.shape_cast %parallel_loop3A_152 : vector<1x16xf32> to vector<16xf32>
        %parallel_loop3A_154 = arith.constant 4 : i32
        %parallel_loop3A_155 = arith.index_cast %parallel_loop3A_154 : i32 to index
        %parallel_loop3A_156 = arith.index_cast %parallel_loop3A_133 : i32 to index
        %parallel_loop3A_157 = tpu.vector_load %arg6[%parallel_loop3A_155, %parallel_loop3A_156] {strides = array<i32>} : memref<16x2048xf32, #tpu.memory_space<vmem>>, vector<1x16xf32>,
        %parallel_loop3A_158 = vector.shape_cast %parallel_loop3A_157 : vector<1x16xf32> to vector<16xf32>
        %parallel_loop3A_159 = arith.constant 5 : i32
        %parallel_loop3A_160 = arith.index_cast %parallel_loop3A_159 : i32 to index
        %parallel_loop3A_161 = arith.index_cast %parallel_loop3A_133 : i32 to index
        %parallel_loop3A_162 = tpu.vector_load %arg6[%parallel_loop3A_160, %parallel_loop3A_161] {strides = array<i32>} : memref<16x2048xf32, #tpu.memory_space<vmem>>, vector<1x16xf32>,
        %parallel_loop3A_163 = vector.shape_cast %parallel_loop3A_162 : vector<1x16xf32> to vector<16xf32>
        %parallel_loop3A_164 = arith.constant 6 : i32
        %parallel_loop3A_165 = arith.index_cast %parallel_loop3A_164 : i32 to index
        %parallel_loop3A_166 = arith.index_cast %parallel_loop3A_133 : i32 to index
        %parallel_loop3A_167 = tpu.vector_load %arg6[%parallel_loop3A_165, %parallel_loop3A_166] {strides = array<i32>} : memref<16x2048xf32, #tpu.memory_space<vmem>>, vector<1x16xf32>,
        %parallel_loop3A_168 = vector.shape_cast %parallel_loop3A_167 : vector<1x16xf32> to vector<16xf32>
        %parallel_loop3A_169 = arith.constant 7 : i32
        %parallel_loop3A_170 = arith.index_cast %parallel_loop3A_169 : i32 to index
        %parallel_loop3A_171 = arith.index_cast %parallel_loop3A_133 : i32 to index
        %parallel_loop3A_172 = tpu.vector_load %arg6[%parallel_loop3A_170, %parallel_loop3A_171] {strides = array<i32>} : memref<16x2048xf32, #tpu.memory_space<vmem>>, vector<1x16xf32>,
        %parallel_loop3A_173 = vector.shape_cast %parallel_loop3A_172 : vector<1x16xf32> to vector<16xf32>
        %parallel_loop3A_174 = arith.constant 8 : i32
        %parallel_loop3A_175 = arith.index_cast %parallel_loop3A_174 : i32 to index
        %parallel_loop3A_176 = arith.index_cast %parallel_loop3A_133 : i32 to index
        %parallel_loop3A_177 = tpu.vector_load %arg6[%parallel_loop3A_175, %parallel_loop3A_176] {strides = array<i32>} : memref<16x2048xf32, #tpu.memory_space<vmem>>, vector<1x16xf32>,
        %parallel_loop3A_178 = vector.shape_cast %parallel_loop3A_177 : vector<1x16xf32> to vector<16xf32>
        %parallel_loop3A_179 = arith.constant 9 : i32
        %parallel_loop3A_180 = arith.index_cast %parallel_loop3A_179 : i32 to index
        %parallel_loop3A_181 = arith.index_cast %parallel_loop3A_133 : i32 to index
        %parallel_loop3A_182 = tpu.vector_load %arg6[%parallel_loop3A_180, %parallel_loop3A_181] {strides = array<i32>} : memref<16x2048xf32, #tpu.memory_space<vmem>>, vector<1x16xf32>,
        %parallel_loop3A_183 = vector.shape_cast %parallel_loop3A_182 : vector<1x16xf32> to vector<16xf32>
        %parallel_loop3A_184 = arith.constant 10 : i32
        %parallel_loop3A_185 = arith.index_cast %parallel_loop3A_184 : i32 to index
        %parallel_loop3A_186 = arith.index_cast %parallel_loop3A_133 : i32 to index
        %parallel_loop3A_187 = tpu.vector_load %arg6[%parallel_loop3A_185, %parallel_loop3A_186] {strides = array<i32>} : memref<16x2048xf32, #tpu.memory_space<vmem>>, vector<1x16xf32>,
        %parallel_loop3A_188 = vector.shape_cast %parallel_loop3A_187 : vector<1x16xf32> to vector<16xf32>
        %parallel_loop3A_189 = arith.constant 11 : i32
        %parallel_loop3A_190 = arith.index_cast %parallel_loop3A_189 : i32 to index
        %parallel_loop3A_191 = arith.index_cast %parallel_loop3A_133 : i32 to index
        %parallel_loop3A_192 = tpu.vector_load %arg6[%parallel_loop3A_190, %parallel_loop3A_191] {strides = array<i32>} : memref<16x2048xf32, #tpu.memory_space<vmem>>, vector<1x16xf32>,
        %parallel_loop3A_193 = vector.shape_cast %parallel_loop3A_192 : vector<1x16xf32> to vector<16xf32>
        %parallel_loop3A_194 = arith.constant 12 : i32
        %parallel_loop3A_195 = arith.index_cast %parallel_loop3A_194 : i32 to index
        %parallel_loop3A_196 = arith.index_cast %parallel_loop3A_133 : i32 to index
        %parallel_loop3A_197 = tpu.vector_load %arg6[%parallel_loop3A_195, %parallel_loop3A_196] {strides = array<i32>} : memref<16x2048xf32, #tpu.memory_space<vmem>>, vector<1x16xf32>,
        %parallel_loop3A_198 = vector.shape_cast %parallel_loop3A_197 : vector<1x16xf32> to vector<16xf32>
        %parallel_loop3A_199 = arith.constant 13 : i32
        %parallel_loop3A_200 = arith.index_cast %parallel_loop3A_199 : i32 to index
        %parallel_loop3A_201 = arith.index_cast %parallel_loop3A_133 : i32 to index
        %parallel_loop3A_202 = tpu.vector_load %arg6[%parallel_loop3A_200, %parallel_loop3A_201] {strides = array<i32>} : memref<16x2048xf32, #tpu.memory_space<vmem>>, vector<1x16xf32>,
        %parallel_loop3A_203 = vector.shape_cast %parallel_loop3A_202 : vector<1x16xf32> to vector<16xf32>
        %parallel_loop3A_204 = arith.constant 14 : i32
        %parallel_loop3A_205 = arith.index_cast %parallel_loop3A_204 : i32 to index
        %parallel_loop3A_206 = arith.index_cast %parallel_loop3A_133 : i32 to index
        %parallel_loop3A_207 = tpu.vector_load %arg6[%parallel_loop3A_205, %parallel_loop3A_206] {strides = array<i32>} : memref<16x2048xf32, #tpu.memory_space<vmem>>, vector<1x16xf32>,
        %parallel_loop3A_208 = vector.shape_cast %parallel_loop3A_207 : vector<1x16xf32> to vector<16xf32>
        %parallel_loop3A_209 = arith.constant 15 : i32
        %parallel_loop3A_210 = arith.index_cast %parallel_loop3A_209 : i32 to index
        %parallel_loop3A_211 = arith.index_cast %parallel_loop3A_133 : i32 to index
        %parallel_loop3A_212 = tpu.vector_load %arg6[%parallel_loop3A_210, %parallel_loop3A_211] {strides = array<i32>} : memref<16x2048xf32, #tpu.memory_space<vmem>>, vector<1x16xf32>,
        %parallel_loop3A_213 = vector.shape_cast %parallel_loop3A_212 : vector<1x16xf32> to vector<16xf32>
        %parallel_loop3A_214 = arith.addf %parallel_loop3A_138, %parallel_loop3A_143 : vector<16xf32>
        %parallel_loop3A_215 = arith.addf %parallel_loop3A_148, %parallel_loop3A_153 : vector<16xf32>
        %parallel_loop3A_216 = arith.addf %parallel_loop3A_158, %parallel_loop3A_163 : vector<16xf32>
        %parallel_loop3A_217 = arith.addf %parallel_loop3A_168, %parallel_loop3A_173 : vector<16xf32>
        %parallel_loop3A_218 = arith.addf %parallel_loop3A_178, %parallel_loop3A_183 : vector<16xf32>
        %parallel_loop3A_219 = arith.addf %parallel_loop3A_188, %parallel_loop3A_193 : vector<16xf32>
        %parallel_loop3A_220 = arith.addf %parallel_loop3A_198, %parallel_loop3A_203 : vector<16xf32>
        %parallel_loop3A_221 = arith.addf %parallel_loop3A_208, %parallel_loop3A_213 : vector<16xf32>
        %parallel_loop3A_222 = arith.addf %parallel_loop3A_214, %parallel_loop3A_215 : vector<16xf32>
        %parallel_loop3A_223 = arith.addf %parallel_loop3A_216, %parallel_loop3A_217 : vector<16xf32>
        %parallel_loop3A_224 = arith.addf %parallel_loop3A_218, %parallel_loop3A_219 : vector<16xf32>
        %parallel_loop3A_225 = arith.addf %parallel_loop3A_220, %parallel_loop3A_221 : vector<16xf32>
        %parallel_loop3A_226 = arith.addf %parallel_loop3A_222, %parallel_loop3A_223 : vector<16xf32>
        %parallel_loop3A_227 = arith.addf %parallel_loop3A_224, %parallel_loop3A_225 : vector<16xf32>
        %parallel_loop3A_228 = arith.addf %parallel_loop3A_226, %parallel_loop3A_227 : vector<16xf32>
        %parallel_loop3A_229 = arith.index_cast %and3A_61 : i32 to index
        %parallel_loop3A_230 = arith.index_cast %parallel_loop3A_133 : i32 to index
        %parallel_loop3A_231 = tpu.vector_load %arg10[%parallel_loop3A_229, %parallel_loop3A_230] {strides = array<i32>} : memref<2x2048xf32, #tpu.memory_space<vmem>>, vector<1x16xf32>,
        %parallel_loop3A_232 = vector.shape_cast %parallel_loop3A_231 : vector<1x16xf32> to vector<16xf32>
        %parallel_loop3A_233 = vector.shape_cast %parallel_loop3A_228 : vector<16xf32> to vector<1x16xf32>
        tpu.vector_store %arg10[%parallel_loop3A_229, %parallel_loop3A_230], %parallel_loop3A_233 {strides = array<i32>} : memref<2x2048xf32, #tpu.memory_space<vmem>>, vector<1x16xf32>,
      } {sc.loop_unroll_factor = 8 : i64, sc.parallel_access}
      %lt3A = arith.constant 63 : i32
      %lt3A_72 = arith.cmpi slt, %scan3A_60, %lt3A : i32
      %convert_element_type3A_73 = arith.extui %lt3A_72 : i1 to i32
      %cond3A_74 = arith.constant 0 : i32
      %cond3A_75 = arith.cmpi ne, %convert_element_type3A_73, %cond3A_74 : i32
      scf.if %cond3A_75 {
        %add3A_131 = arith.constant 1 : i32
        %add3A_132 = arith.addi %scan3A_60, %add3A_131 : i32
        %dma_start3A_133 = arith.constant 0 : i32
        %dma_start3A_134 = tpu.memref_slice %arg5[%add3A_132, %dma_start3A_133] : memref<64x56xi32, #tpu.memory_space<vmem>> -> memref<1x16xi32, #tpu.memory_space<vmem>>
        %dma_start3A_135 = tpu.memref_squeeze %dma_start3A_134 : memref<1x16xi32, #tpu.memory_space<vmem>> -> memref<16xi32, #tpu.memory_space<vmem>>
        %dma_start3A_136 = arith.constant 0 : i32
        %dma_start3A_137 = arith.constant 0 : i32
        %dma_start3A_138 = tpu.memref_slice %arg3[%dma_start3A_136, %dma_start3A_137] : memref<40960x2048xf32, #tpu.memory_space<hbm>> -> memref<40960x2048xf32, #tpu.memory_space<hbm>>
        tpu.enqueue_indirect_dma source(%dma_start3A_138 : memref<40960x2048xf32, #tpu.memory_space<hbm>>) target(%arg6 : memref<16x2048xf32, #tpu.memory_space<vmem>>) offsets(%dma_start3A_135 : memref<16xi32, #tpu.memory_space<vmem>>) semaphore(%arg11 : memref<!tpu.dma_semaphore, #tpu.memory_space<semaphore_mem>>)
      } else {
      }
      %dma_wait3A_76 = arith.constant 16 : i32
      %dma_wait3A_77 = tpu.memref_slice %arg5[%scan3A_60, %dma_wait3A_76] : memref<64x56xi32, #tpu.memory_space<vmem>> -> memref<1x16xi32, #tpu.memory_space<vmem>>
      %dma_wait3A_78 = tpu.memref_squeeze %dma_wait3A_77 : memref<1x16xi32, #tpu.memory_space<vmem>> -> memref<16xi32, #tpu.memory_space<vmem>>
      %dma_wait3A_79 = arith.constant 0 : i32
      %dma_wait3A_80 = arith.constant 0 : i32
      %dma_wait3A_81 = tpu.memref_slice %arg3[%dma_wait3A_79, %dma_wait3A_80] : memref<40960x2048xf32, #tpu.memory_space<hbm>> -> memref<40960x2048xf32, #tpu.memory_space<hbm>>
      tpu.wait_indirect_dma semaphore(%arg12 : memref<!tpu.dma_semaphore, #tpu.memory_space<semaphore_mem>>) src(%dma_wait3A_81 : memref<40960x2048xf32, #tpu.memory_space<hbm>>) dst(%arg7 : memref<16x2048xf32, #tpu.memory_space<vmem>>)
      %parallel_loop3A_82 = arith.constant 0 : i32
      %parallel_loop3A_83 = arith.constant 128 : i32
      %parallel_loop3A_84 = arith.constant 1 : i32
      scf.for %parallel_loop3A_131 = %parallel_loop3A_82 to %parallel_loop3A_83 step %parallel_loop3A_84  : i32 {
        %parallel_loop3A_132 = arith.constant 16 : i32
        %parallel_loop3A_133 = arith.muli %parallel_loop3A_131, %parallel_loop3A_132 : i32
        %parallel_loop3A_134 = arith.constant 0 : i32
        %parallel_loop3A_135 = arith.index_cast %parallel_loop3A_134 : i32 to index
        %parallel_loop3A_136 = arith.index_cast %parallel_loop3A_133 : i32 to index
        %parallel_loop3A_137 = tpu.vector_load %arg7[%parallel_loop3A_135, %parallel_loop3A_136] {strides = array<i32>} : memref<16x2048xf32, #tpu.memory_space<vmem>>, vector<1x16xf32>,
        %parallel_loop3A_138 = vector.shape_cast %parallel_loop3A_137 : vector<1x16xf32> to vector<16xf32>
        %parallel_loop3A_139 = arith.constant 1 : i32
        %parallel_loop3A_140 = arith.index_cast %parallel_loop3A_139 : i32 to index
        %parallel_loop3A_141 = arith.index_cast %parallel_loop3A_133 : i32 to index
        %parallel_loop3A_142 = tpu.vector_load %arg7[%parallel_loop3A_140, %parallel_loop3A_141] {strides = array<i32>} : memref<16x2048xf32, #tpu.memory_space<vmem>>, vector<1x16xf32>,
        %parallel_loop3A_143 = vector.shape_cast %parallel_loop3A_142 : vector<1x16xf32> to vector<16xf32>
        %parallel_loop3A_144 = arith.constant 2 : i32
        %parallel_loop3A_145 = arith.index_cast %parallel_loop3A_144 : i32 to index
        %parallel_loop3A_146 = arith.index_cast %parallel_loop3A_133 : i32 to index
        %parallel_loop3A_147 = tpu.vector_load %arg7[%parallel_loop3A_145, %parallel_loop3A_146] {strides = array<i32>} : memref<16x2048xf32, #tpu.memory_space<vmem>>, vector<1x16xf32>,
        %parallel_loop3A_148 = vector.shape_cast %parallel_loop3A_147 : vector<1x16xf32> to vector<16xf32>
        %parallel_loop3A_149 = arith.constant 3 : i32
        %parallel_loop3A_150 = arith.index_cast %parallel_loop3A_149 : i32 to index
        %parallel_loop3A_151 = arith.index_cast %parallel_loop3A_133 : i32 to index
        %parallel_loop3A_152 = tpu.vector_load %arg7[%parallel_loop3A_150, %parallel_loop3A_151] {strides = array<i32>} : memref<16x2048xf32, #tpu.memory_space<vmem>>, vector<1x16xf32>,
        %parallel_loop3A_153 = vector.shape_cast %parallel_loop3A_152 : vector<1x16xf32> to vector<16xf32>
        %parallel_loop3A_154 = arith.constant 4 : i32
        %parallel_loop3A_155 = arith.index_cast %parallel_loop3A_154 : i32 to index
        %parallel_loop3A_156 = arith.index_cast %parallel_loop3A_133 : i32 to index
        %parallel_loop3A_157 = tpu.vector_load %arg7[%parallel_loop3A_155, %parallel_loop3A_156] {strides = array<i32>} : memref<16x2048xf32, #tpu.memory_space<vmem>>, vector<1x16xf32>,
        %parallel_loop3A_158 = vector.shape_cast %parallel_loop3A_157 : vector<1x16xf32> to vector<16xf32>
        %parallel_loop3A_159 = arith.constant 5 : i32
        %parallel_loop3A_160 = arith.index_cast %parallel_loop3A_159 : i32 to index
        %parallel_loop3A_161 = arith.index_cast %parallel_loop3A_133 : i32 to index
        %parallel_loop3A_162 = tpu.vector_load %arg7[%parallel_loop3A_160, %parallel_loop3A_161] {strides = array<i32>} : memref<16x2048xf32, #tpu.memory_space<vmem>>, vector<1x16xf32>,
        %parallel_loop3A_163 = vector.shape_cast %parallel_loop3A_162 : vector<1x16xf32> to vector<16xf32>
        %parallel_loop3A_164 = arith.constant 6 : i32
        %parallel_loop3A_165 = arith.index_cast %parallel_loop3A_164 : i32 to index
        %parallel_loop3A_166 = arith.index_cast %parallel_loop3A_133 : i32 to index
        %parallel_loop3A_167 = tpu.vector_load %arg7[%parallel_loop3A_165, %parallel_loop3A_166] {strides = array<i32>} : memref<16x2048xf32, #tpu.memory_space<vmem>>, vector<1x16xf32>,
        %parallel_loop3A_168 = vector.shape_cast %parallel_loop3A_167 : vector<1x16xf32> to vector<16xf32>
        %parallel_loop3A_169 = arith.constant 7 : i32
        %parallel_loop3A_170 = arith.index_cast %parallel_loop3A_169 : i32 to index
        %parallel_loop3A_171 = arith.index_cast %parallel_loop3A_133 : i32 to index
        %parallel_loop3A_172 = tpu.vector_load %arg7[%parallel_loop3A_170, %parallel_loop3A_171] {strides = array<i32>} : memref<16x2048xf32, #tpu.memory_space<vmem>>, vector<1x16xf32>,
        %parallel_loop3A_173 = vector.shape_cast %parallel_loop3A_172 : vector<1x16xf32> to vector<16xf32>
        %parallel_loop3A_174 = arith.constant 8 : i32
        %parallel_loop3A_175 = arith.index_cast %parallel_loop3A_174 : i32 to index
        %parallel_loop3A_176 = arith.index_cast %parallel_loop3A_133 : i32 to index
        %parallel_loop3A_177 = tpu.vector_load %arg7[%parallel_loop3A_175, %parallel_loop3A_176] {strides = array<i32>} : memref<16x2048xf32, #tpu.memory_space<vmem>>, vector<1x16xf32>,
        %parallel_loop3A_178 = vector.shape_cast %parallel_loop3A_177 : vector<1x16xf32> to vector<16xf32>
        %parallel_loop3A_179 = arith.constant 9 : i32
        %parallel_loop3A_180 = arith.index_cast %parallel_loop3A_179 : i32 to index
        %parallel_loop3A_181 = arith.index_cast %parallel_loop3A_133 : i32 to index
        %parallel_loop3A_182 = tpu.vector_load %arg7[%parallel_loop3A_180, %parallel_loop3A_181] {strides = array<i32>} : memref<16x2048xf32, #tpu.memory_space<vmem>>, vector<1x16xf32>,
        %parallel_loop3A_183 = vector.shape_cast %parallel_loop3A_182 : vector<1x16xf32> to vector<16xf32>
        %parallel_loop3A_184 = arith.constant 10 : i32
        %parallel_loop3A_185 = arith.index_cast %parallel_loop3A_184 : i32 to index
        %parallel_loop3A_186 = arith.index_cast %parallel_loop3A_133 : i32 to index
        %parallel_loop3A_187 = tpu.vector_load %arg7[%parallel_loop3A_185, %parallel_loop3A_186] {strides = array<i32>} : memref<16x2048xf32, #tpu.memory_space<vmem>>, vector<1x16xf32>,
        %parallel_loop3A_188 = vector.shape_cast %parallel_loop3A_187 : vector<1x16xf32> to vector<16xf32>
        %parallel_loop3A_189 = arith.constant 11 : i32
        %parallel_loop3A_190 = arith.index_cast %parallel_loop3A_189 : i32 to index
        %parallel_loop3A_191 = arith.index_cast %parallel_loop3A_133 : i32 to index
        %parallel_loop3A_192 = tpu.vector_load %arg7[%parallel_loop3A_190, %parallel_loop3A_191] {strides = array<i32>} : memref<16x2048xf32, #tpu.memory_space<vmem>>, vector<1x16xf32>,
        %parallel_loop3A_193 = vector.shape_cast %parallel_loop3A_192 : vector<1x16xf32> to vector<16xf32>
        %parallel_loop3A_194 = arith.constant 12 : i32
        %parallel_loop3A_195 = arith.index_cast %parallel_loop3A_194 : i32 to index
        %parallel_loop3A_196 = arith.index_cast %parallel_loop3A_133 : i32 to index
        %parallel_loop3A_197 = tpu.vector_load %arg7[%parallel_loop3A_195, %parallel_loop3A_196] {strides = array<i32>} : memref<16x2048xf32, #tpu.memory_space<vmem>>, vector<1x16xf32>,
        %parallel_loop3A_198 = vector.shape_cast %parallel_loop3A_197 : vector<1x16xf32> to vector<16xf32>
        %parallel_loop3A_199 = arith.constant 13 : i32
        %parallel_loop3A_200 = arith.index_cast %parallel_loop3A_199 : i32 to index
        %parallel_loop3A_201 = arith.index_cast %parallel_loop3A_133 : i32 to index
        %parallel_loop3A_202 = tpu.vector_load %arg7[%parallel_loop3A_200, %parallel_loop3A_201] {strides = array<i32>} : memref<16x2048xf32, #tpu.memory_space<vmem>>, vector<1x16xf32>,
        %parallel_loop3A_203 = vector.shape_cast %parallel_loop3A_202 : vector<1x16xf32> to vector<16xf32>
        %parallel_loop3A_204 = arith.constant 14 : i32
        %parallel_loop3A_205 = arith.index_cast %parallel_loop3A_204 : i32 to index
        %parallel_loop3A_206 = arith.index_cast %parallel_loop3A_133 : i32 to index
        %parallel_loop3A_207 = tpu.vector_load %arg7[%parallel_loop3A_205, %parallel_loop3A_206] {strides = array<i32>} : memref<16x2048xf32, #tpu.memory_space<vmem>>, vector<1x16xf32>,
        %parallel_loop3A_208 = vector.shape_cast %parallel_loop3A_207 : vector<1x16xf32> to vector<16xf32>
        %parallel_loop3A_209 = arith.constant 15 : i32
        %parallel_loop3A_210 = arith.index_cast %parallel_loop3A_209 : i32 to index
        %parallel_loop3A_211 = arith.index_cast %parallel_loop3A_133 : i32 to index
        %parallel_loop3A_212 = tpu.vector_load %arg7[%parallel_loop3A_210, %parallel_loop3A_211] {strides = array<i32>} : memref<16x2048xf32, #tpu.memory_space<vmem>>, vector<1x16xf32>,
        %parallel_loop3A_213 = vector.shape_cast %parallel_loop3A_212 : vector<1x16xf32> to vector<16xf32>
        %parallel_loop3A_214 = arith.addf %parallel_loop3A_138, %parallel_loop3A_143 : vector<16xf32>
        %parallel_loop3A_215 = arith.addf %parallel_loop3A_148, %parallel_loop3A_153 : vector<16xf32>
        %parallel_loop3A_216 = arith.addf %parallel_loop3A_158, %parallel_loop3A_163 : vector<16xf32>
        %parallel_loop3A_217 = arith.addf %parallel_loop3A_168, %parallel_loop3A_173 : vector<16xf32>
        %parallel_loop3A_218 = arith.addf %parallel_loop3A_178, %parallel_loop3A_183 : vector<16xf32>
        %parallel_loop3A_219 = arith.addf %parallel_loop3A_188, %parallel_loop3A_193 : vector<16xf32>
        %parallel_loop3A_220 = arith.addf %parallel_loop3A_198, %parallel_loop3A_203 : vector<16xf32>
        %parallel_loop3A_221 = arith.addf %parallel_loop3A_208, %parallel_loop3A_213 : vector<16xf32>
        %parallel_loop3A_222 = arith.addf %parallel_loop3A_214, %parallel_loop3A_215 : vector<16xf32>
        %parallel_loop3A_223 = arith.addf %parallel_loop3A_216, %parallel_loop3A_217 : vector<16xf32>
        %parallel_loop3A_224 = arith.addf %parallel_loop3A_218, %parallel_loop3A_219 : vector<16xf32>
        %parallel_loop3A_225 = arith.addf %parallel_loop3A_220, %parallel_loop3A_221 : vector<16xf32>
        %parallel_loop3A_226 = arith.addf %parallel_loop3A_222, %parallel_loop3A_223 : vector<16xf32>
        %parallel_loop3A_227 = arith.addf %parallel_loop3A_224, %parallel_loop3A_225 : vector<16xf32>
        %parallel_loop3A_228 = arith.addf %parallel_loop3A_226, %parallel_loop3A_227 : vector<16xf32>
        %parallel_loop3A_229 = arith.index_cast %and3A_61 : i32 to index
        %parallel_loop3A_230 = arith.index_cast %parallel_loop3A_133 : i32 to index
        %parallel_loop3A_231 = tpu.vector_load %arg10[%parallel_loop3A_229, %parallel_loop3A_230] {strides = array<i32>} : memref<2x2048xf32, #tpu.memory_space<vmem>>, vector<1x16xf32>,
        %parallel_loop3A_232 = vector.shape_cast %parallel_loop3A_231 : vector<1x16xf32> to vector<16xf32>
        %parallel_loop3A_233 = vector.shape_cast %parallel_loop3A_228 : vector<16xf32> to vector<1x16xf32>
        tpu.vector_store %arg10[%parallel_loop3A_229, %parallel_loop3A_230], %parallel_loop3A_233 {add = true, strides = array<i32>} : memref<2x2048xf32, #tpu.memory_space<vmem>>, vector<1x16xf32>,
      } {sc.loop_unroll_factor = 8 : i64, sc.parallel_access}
      %lt3A_85 = arith.constant 63 : i32
      %lt3A_86 = arith.cmpi slt, %scan3A_60, %lt3A_85 : i32
      %convert_element_type3A_87 = arith.extui %lt3A_86 : i1 to i32
      %cond3A_88 = arith.constant 0 : i32
      %cond3A_89 = arith.cmpi ne, %convert_element_type3A_87, %cond3A_88 : i32
      scf.if %cond3A_89 {
        %add3A_131 = arith.constant 1 : i32
        %add3A_132 = arith.addi %scan3A_60, %add3A_131 : i32
        %dma_start3A_133 = arith.constant 16 : i32
        %dma_start3A_134 = tpu.memref_slice %arg5[%add3A_132, %dma_start3A_133] : memref<64x56xi32, #tpu.memory_space<vmem>> -> memref<1x16xi32, #tpu.memory_space<vmem>>
        %dma_start3A_135 = tpu.memref_squeeze %dma_start3A_134 : memref<1x16xi32, #tpu.memory_space<vmem>> -> memref<16xi32, #tpu.memory_space<vmem>>
        %dma_start3A_136 = arith.constant 0 : i32
        %dma_start3A_137 = arith.constant 0 : i32
        %dma_start3A_138 = tpu.memref_slice %arg3[%dma_start3A_136, %dma_start3A_137] : memref<40960x2048xf32, #tpu.memory_space<hbm>> -> memref<40960x2048xf32, #tpu.memory_space<hbm>>
        tpu.enqueue_indirect_dma source(%dma_start3A_138 : memref<40960x2048xf32, #tpu.memory_space<hbm>>) target(%arg7 : memref<16x2048xf32, #tpu.memory_space<vmem>>) offsets(%dma_start3A_135 : memref<16xi32, #tpu.memory_space<vmem>>) semaphore(%arg12 : memref<!tpu.dma_semaphore, #tpu.memory_space<semaphore_mem>>)
      } else {
      }
      %dma_wait3A_90 = arith.constant 32 : i32
      %dma_wait3A_91 = tpu.memref_slice %arg5[%scan3A_60, %dma_wait3A_90] : memref<64x56xi32, #tpu.memory_space<vmem>> -> memref<1x16xi32, #tpu.memory_space<vmem>>
      %dma_wait3A_92 = tpu.memref_squeeze %dma_wait3A_91 : memref<1x16xi32, #tpu.memory_space<vmem>> -> memref<16xi32, #tpu.memory_space<vmem>>
      %dma_wait3A_93 = arith.constant 0 : i32
      %dma_wait3A_94 = arith.constant 0 : i32
      %dma_wait3A_95 = tpu.memref_slice %arg3[%dma_wait3A_93, %dma_wait3A_94] : memref<40960x2048xf32, #tpu.memory_space<hbm>> -> memref<40960x2048xf32, #tpu.memory_space<hbm>>
      tpu.wait_indirect_dma semaphore(%arg13 : memref<!tpu.dma_semaphore, #tpu.memory_space<semaphore_mem>>) src(%dma_wait3A_95 : memref<40960x2048xf32, #tpu.memory_space<hbm>>) dst(%arg8 : memref<16x2048xf32, #tpu.memory_space<vmem>>)
      %parallel_loop3A_96 = arith.constant 0 : i32
      %parallel_loop3A_97 = arith.constant 128 : i32
      %parallel_loop3A_98 = arith.constant 1 : i32
      scf.for %parallel_loop3A_131 = %parallel_loop3A_96 to %parallel_loop3A_97 step %parallel_loop3A_98  : i32 {
        %parallel_loop3A_132 = arith.constant 16 : i32
        %parallel_loop3A_133 = arith.muli %parallel_loop3A_131, %parallel_loop3A_132 : i32
        %parallel_loop3A_134 = arith.constant 0 : i32
        %parallel_loop3A_135 = arith.index_cast %parallel_loop3A_134 : i32 to index
        %parallel_loop3A_136 = arith.index_cast %parallel_loop3A_133 : i32 to index
        %parallel_loop3A_137 = tpu.vector_load %arg8[%parallel_loop3A_135, %parallel_loop3A_136] {strides = array<i32>} : memref<16x2048xf32, #tpu.memory_space<vmem>>, vector<1x16xf32>,
        %parallel_loop3A_138 = vector.shape_cast %parallel_loop3A_137 : vector<1x16xf32> to vector<16xf32>
        %parallel_loop3A_139 = arith.constant 1 : i32
        %parallel_loop3A_140 = arith.index_cast %parallel_loop3A_139 : i32 to index
        %parallel_loop3A_141 = arith.index_cast %parallel_loop3A_133 : i32 to index
        %parallel_loop3A_142 = tpu.vector_load %arg8[%parallel_loop3A_140, %parallel_loop3A_141] {strides = array<i32>} : memref<16x2048xf32, #tpu.memory_space<vmem>>, vector<1x16xf32>,
        %parallel_loop3A_143 = vector.shape_cast %parallel_loop3A_142 : vector<1x16xf32> to vector<16xf32>
        %parallel_loop3A_144 = arith.constant 2 : i32
        %parallel_loop3A_145 = arith.index_cast %parallel_loop3A_144 : i32 to index
        %parallel_loop3A_146 = arith.index_cast %parallel_loop3A_133 : i32 to index
        %parallel_loop3A_147 = tpu.vector_load %arg8[%parallel_loop3A_145, %parallel_loop3A_146] {strides = array<i32>} : memref<16x2048xf32, #tpu.memory_space<vmem>>, vector<1x16xf32>,
        %parallel_loop3A_148 = vector.shape_cast %parallel_loop3A_147 : vector<1x16xf32> to vector<16xf32>
        %parallel_loop3A_149 = arith.constant 3 : i32
        %parallel_loop3A_150 = arith.index_cast %parallel_loop3A_149 : i32 to index
        %parallel_loop3A_151 = arith.index_cast %parallel_loop3A_133 : i32 to index
        %parallel_loop3A_152 = tpu.vector_load %arg8[%parallel_loop3A_150, %parallel_loop3A_151] {strides = array<i32>} : memref<16x2048xf32, #tpu.memory_space<vmem>>, vector<1x16xf32>,
        %parallel_loop3A_153 = vector.shape_cast %parallel_loop3A_152 : vector<1x16xf32> to vector<16xf32>
        %parallel_loop3A_154 = arith.constant 4 : i32
        %parallel_loop3A_155 = arith.index_cast %parallel_loop3A_154 : i32 to index
        %parallel_loop3A_156 = arith.index_cast %parallel_loop3A_133 : i32 to index
        %parallel_loop3A_157 = tpu.vector_load %arg8[%parallel_loop3A_155, %parallel_loop3A_156] {strides = array<i32>} : memref<16x2048xf32, #tpu.memory_space<vmem>>, vector<1x16xf32>,
        %parallel_loop3A_158 = vector.shape_cast %parallel_loop3A_157 : vector<1x16xf32> to vector<16xf32>
        %parallel_loop3A_159 = arith.constant 5 : i32
        %parallel_loop3A_160 = arith.index_cast %parallel_loop3A_159 : i32 to index
        %parallel_loop3A_161 = arith.index_cast %parallel_loop3A_133 : i32 to index
        %parallel_loop3A_162 = tpu.vector_load %arg8[%parallel_loop3A_160, %parallel_loop3A_161] {strides = array<i32>} : memref<16x2048xf32, #tpu.memory_space<vmem>>, vector<1x16xf32>,
        %parallel_loop3A_163 = vector.shape_cast %parallel_loop3A_162 : vector<1x16xf32> to vector<16xf32>
        %parallel_loop3A_164 = arith.constant 6 : i32
        %parallel_loop3A_165 = arith.index_cast %parallel_loop3A_164 : i32 to index
        %parallel_loop3A_166 = arith.index_cast %parallel_loop3A_133 : i32 to index
        %parallel_loop3A_167 = tpu.vector_load %arg8[%parallel_loop3A_165, %parallel_loop3A_166] {strides = array<i32>} : memref<16x2048xf32, #tpu.memory_space<vmem>>, vector<1x16xf32>,
        %parallel_loop3A_168 = vector.shape_cast %parallel_loop3A_167 : vector<1x16xf32> to vector<16xf32>
        %parallel_loop3A_169 = arith.constant 7 : i32
        %parallel_loop3A_170 = arith.index_cast %parallel_loop3A_169 : i32 to index
        %parallel_loop3A_171 = arith.index_cast %parallel_loop3A_133 : i32 to index
        %parallel_loop3A_172 = tpu.vector_load %arg8[%parallel_loop3A_170, %parallel_loop3A_171] {strides = array<i32>} : memref<16x2048xf32, #tpu.memory_space<vmem>>, vector<1x16xf32>,
        %parallel_loop3A_173 = vector.shape_cast %parallel_loop3A_172 : vector<1x16xf32> to vector<16xf32>
        %parallel_loop3A_174 = arith.constant 8 : i32
        %parallel_loop3A_175 = arith.index_cast %parallel_loop3A_174 : i32 to index
        %parallel_loop3A_176 = arith.index_cast %parallel_loop3A_133 : i32 to index
        %parallel_loop3A_177 = tpu.vector_load %arg8[%parallel_loop3A_175, %parallel_loop3A_176] {strides = array<i32>} : memref<16x2048xf32, #tpu.memory_space<vmem>>, vector<1x16xf32>,
        %parallel_loop3A_178 = vector.shape_cast %parallel_loop3A_177 : vector<1x16xf32> to vector<16xf32>
        %parallel_loop3A_179 = arith.constant 9 : i32
        %parallel_loop3A_180 = arith.index_cast %parallel_loop3A_179 : i32 to index
        %parallel_loop3A_181 = arith.index_cast %parallel_loop3A_133 : i32 to index
        %parallel_loop3A_182 = tpu.vector_load %arg8[%parallel_loop3A_180, %parallel_loop3A_181] {strides = array<i32>} : memref<16x2048xf32, #tpu.memory_space<vmem>>, vector<1x16xf32>,
        %parallel_loop3A_183 = vector.shape_cast %parallel_loop3A_182 : vector<1x16xf32> to vector<16xf32>
        %parallel_loop3A_184 = arith.constant 10 : i32
        %parallel_loop3A_185 = arith.index_cast %parallel_loop3A_184 : i32 to index
        %parallel_loop3A_186 = arith.index_cast %parallel_loop3A_133 : i32 to index
        %parallel_loop3A_187 = tpu.vector_load %arg8[%parallel_loop3A_185, %parallel_loop3A_186] {strides = array<i32>} : memref<16x2048xf32, #tpu.memory_space<vmem>>, vector<1x16xf32>,
        %parallel_loop3A_188 = vector.shape_cast %parallel_loop3A_187 : vector<1x16xf32> to vector<16xf32>
        %parallel_loop3A_189 = arith.constant 11 : i32
        %parallel_loop3A_190 = arith.index_cast %parallel_loop3A_189 : i32 to index
        %parallel_loop3A_191 = arith.index_cast %parallel_loop3A_133 : i32 to index
        %parallel_loop3A_192 = tpu.vector_load %arg8[%parallel_loop3A_190, %parallel_loop3A_191] {strides = array<i32>} : memref<16x2048xf32, #tpu.memory_space<vmem>>, vector<1x16xf32>,
        %parallel_loop3A_193 = vector.shape_cast %parallel_loop3A_192 : vector<1x16xf32> to vector<16xf32>
        %parallel_loop3A_194 = arith.constant 12 : i32
        %parallel_loop3A_195 = arith.index_cast %parallel_loop3A_194 : i32 to index
        %parallel_loop3A_196 = arith.index_cast %parallel_loop3A_133 : i32 to index
        %parallel_loop3A_197 = tpu.vector_load %arg8[%parallel_loop3A_195, %parallel_loop3A_196] {strides = array<i32>} : memref<16x2048xf32, #tpu.memory_space<vmem>>, vector<1x16xf32>,
        %parallel_loop3A_198 = vector.shape_cast %parallel_loop3A_197 : vector<1x16xf32> to vector<16xf32>
        %parallel_loop3A_199 = arith.constant 13 : i32
        %parallel_loop3A_200 = arith.index_cast %parallel_loop3A_199 : i32 to index
        %parallel_loop3A_201 = arith.index_cast %parallel_loop3A_133 : i32 to index
        %parallel_loop3A_202 = tpu.vector_load %arg8[%parallel_loop3A_200, %parallel_loop3A_201] {strides = array<i32>} : memref<16x2048xf32, #tpu.memory_space<vmem>>, vector<1x16xf32>,
        %parallel_loop3A_203 = vector.shape_cast %parallel_loop3A_202 : vector<1x16xf32> to vector<16xf32>
        %parallel_loop3A_204 = arith.constant 14 : i32
        %parallel_loop3A_205 = arith.index_cast %parallel_loop3A_204 : i32 to index
        %parallel_loop3A_206 = arith.index_cast %parallel_loop3A_133 : i32 to index
        %parallel_loop3A_207 = tpu.vector_load %arg8[%parallel_loop3A_205, %parallel_loop3A_206] {strides = array<i32>} : memref<16x2048xf32, #tpu.memory_space<vmem>>, vector<1x16xf32>,
        %parallel_loop3A_208 = vector.shape_cast %parallel_loop3A_207 : vector<1x16xf32> to vector<16xf32>
        %parallel_loop3A_209 = arith.constant 15 : i32
        %parallel_loop3A_210 = arith.index_cast %parallel_loop3A_209 : i32 to index
        %parallel_loop3A_211 = arith.index_cast %parallel_loop3A_133 : i32 to index
        %parallel_loop3A_212 = tpu.vector_load %arg8[%parallel_loop3A_210, %parallel_loop3A_211] {strides = array<i32>} : memref<16x2048xf32, #tpu.memory_space<vmem>>, vector<1x16xf32>,
        %parallel_loop3A_213 = vector.shape_cast %parallel_loop3A_212 : vector<1x16xf32> to vector<16xf32>
        %parallel_loop3A_214 = arith.addf %parallel_loop3A_138, %parallel_loop3A_143 : vector<16xf32>
        %parallel_loop3A_215 = arith.addf %parallel_loop3A_148, %parallel_loop3A_153 : vector<16xf32>
        %parallel_loop3A_216 = arith.addf %parallel_loop3A_158, %parallel_loop3A_163 : vector<16xf32>
        %parallel_loop3A_217 = arith.addf %parallel_loop3A_168, %parallel_loop3A_173 : vector<16xf32>
        %parallel_loop3A_218 = arith.addf %parallel_loop3A_178, %parallel_loop3A_183 : vector<16xf32>
        %parallel_loop3A_219 = arith.addf %parallel_loop3A_188, %parallel_loop3A_193 : vector<16xf32>
        %parallel_loop3A_220 = arith.addf %parallel_loop3A_198, %parallel_loop3A_203 : vector<16xf32>
        %parallel_loop3A_221 = arith.addf %parallel_loop3A_208, %parallel_loop3A_213 : vector<16xf32>
        %parallel_loop3A_222 = arith.addf %parallel_loop3A_214, %parallel_loop3A_215 : vector<16xf32>
        %parallel_loop3A_223 = arith.addf %parallel_loop3A_216, %parallel_loop3A_217 : vector<16xf32>
        %parallel_loop3A_224 = arith.addf %parallel_loop3A_218, %parallel_loop3A_219 : vector<16xf32>
        %parallel_loop3A_225 = arith.addf %parallel_loop3A_220, %parallel_loop3A_221 : vector<16xf32>
        %parallel_loop3A_226 = arith.addf %parallel_loop3A_222, %parallel_loop3A_223 : vector<16xf32>
        %parallel_loop3A_227 = arith.addf %parallel_loop3A_224, %parallel_loop3A_225 : vector<16xf32>
        %parallel_loop3A_228 = arith.addf %parallel_loop3A_226, %parallel_loop3A_227 : vector<16xf32>
        %parallel_loop3A_229 = arith.index_cast %and3A_61 : i32 to index
        %parallel_loop3A_230 = arith.index_cast %parallel_loop3A_133 : i32 to index
        %parallel_loop3A_231 = tpu.vector_load %arg10[%parallel_loop3A_229, %parallel_loop3A_230] {strides = array<i32>} : memref<2x2048xf32, #tpu.memory_space<vmem>>, vector<1x16xf32>,
        %parallel_loop3A_232 = vector.shape_cast %parallel_loop3A_231 : vector<1x16xf32> to vector<16xf32>
        %parallel_loop3A_233 = vector.shape_cast %parallel_loop3A_228 : vector<16xf32> to vector<1x16xf32>
        tpu.vector_store %arg10[%parallel_loop3A_229, %parallel_loop3A_230], %parallel_loop3A_233 {add = true, strides = array<i32>} : memref<2x2048xf32, #tpu.memory_space<vmem>>, vector<1x16xf32>,
      } {sc.loop_unroll_factor = 8 : i64, sc.parallel_access}
      %lt3A_99 = arith.constant 63 : i32
      %lt3A_100 = arith.cmpi slt, %scan3A_60, %lt3A_99 : i32
      %convert_element_type3A_101 = arith.extui %lt3A_100 : i1 to i32
      %cond3A_102 = arith.constant 0 : i32
      %cond3A_103 = arith.cmpi ne, %convert_element_type3A_101, %cond3A_102 : i32
      scf.if %cond3A_103 {
        %add3A_131 = arith.constant 1 : i32
        %add3A_132 = arith.addi %scan3A_60, %add3A_131 : i32
        %dma_start3A_133 = arith.constant 32 : i32
        %dma_start3A_134 = tpu.memref_slice %arg5[%add3A_132, %dma_start3A_133] : memref<64x56xi32, #tpu.memory_space<vmem>> -> memref<1x16xi32, #tpu.memory_space<vmem>>
        %dma_start3A_135 = tpu.memref_squeeze %dma_start3A_134 : memref<1x16xi32, #tpu.memory_space<vmem>> -> memref<16xi32, #tpu.memory_space<vmem>>
        %dma_start3A_136 = arith.constant 0 : i32
        %dma_start3A_137 = arith.constant 0 : i32
        %dma_start3A_138 = tpu.memref_slice %arg3[%dma_start3A_136, %dma_start3A_137] : memref<40960x2048xf32, #tpu.memory_space<hbm>> -> memref<40960x2048xf32, #tpu.memory_space<hbm>>
        tpu.enqueue_indirect_dma source(%dma_start3A_138 : memref<40960x2048xf32, #tpu.memory_space<hbm>>) target(%arg8 : memref<16x2048xf32, #tpu.memory_space<vmem>>) offsets(%dma_start3A_135 : memref<16xi32, #tpu.memory_space<vmem>>) semaphore(%arg13 : memref<!tpu.dma_semaphore, #tpu.memory_space<semaphore_mem>>)
      } else {
      }
      %dma_wait3A_104 = arith.constant 48 : i32
      %dma_wait3A_105 = tpu.memref_slice %arg5[%scan3A_60, %dma_wait3A_104] : memref<64x56xi32, #tpu.memory_space<vmem>> -> memref<1x2xi32, #tpu.memory_space<vmem>>
      %dma_wait3A_106 = tpu.memref_squeeze %dma_wait3A_105 : memref<1x2xi32, #tpu.memory_space<vmem>> -> memref<2xi32, #tpu.memory_space<vmem>>
      %dma_wait3A_107 = arith.constant 0 : i32
      %dma_wait3A_108 = arith.constant 0 : i32
      %dma_wait3A_109 = tpu.memref_slice %arg3[%dma_wait3A_107, %dma_wait3A_108] : memref<40960x2048xf32, #tpu.memory_space<hbm>> -> memref<40960x2048xf32, #tpu.memory_space<hbm>>
      tpu.wait_indirect_dma semaphore(%arg14 : memref<!tpu.dma_semaphore, #tpu.memory_space<semaphore_mem>>) src(%dma_wait3A_109 : memref<40960x2048xf32, #tpu.memory_space<hbm>>) dst(%arg9 : memref<2x2048xf32, #tpu.memory_space<vmem>>)
      %parallel_loop3A_110 = arith.constant 0 : i32
      %parallel_loop3A_111 = arith.constant 128 : i32
      %parallel_loop3A_112 = arith.constant 1 : i32
      scf.for %parallel_loop3A_131 = %parallel_loop3A_110 to %parallel_loop3A_111 step %parallel_loop3A_112  : i32 {
        %parallel_loop3A_132 = arith.constant 16 : i32
        %parallel_loop3A_133 = arith.muli %parallel_loop3A_131, %parallel_loop3A_132 : i32
        %parallel_loop3A_134 = arith.constant 0 : i32
        %parallel_loop3A_135 = arith.index_cast %parallel_loop3A_134 : i32 to index
        %parallel_loop3A_136 = arith.index_cast %parallel_loop3A_133 : i32 to index
        %parallel_loop3A_137 = tpu.vector_load %arg9[%parallel_loop3A_135, %parallel_loop3A_136] {strides = array<i32>} : memref<2x2048xf32, #tpu.memory_space<vmem>>, vector<1x16xf32>,
        %parallel_loop3A_138 = vector.shape_cast %parallel_loop3A_137 : vector<1x16xf32> to vector<16xf32>
        %parallel_loop3A_139 = arith.constant 1 : i32
        %parallel_loop3A_140 = arith.index_cast %parallel_loop3A_139 : i32 to index
        %parallel_loop3A_141 = arith.index_cast %parallel_loop3A_133 : i32 to index
        %parallel_loop3A_142 = tpu.vector_load %arg9[%parallel_loop3A_140, %parallel_loop3A_141] {strides = array<i32>} : memref<2x2048xf32, #tpu.memory_space<vmem>>, vector<1x16xf32>,
        %parallel_loop3A_143 = vector.shape_cast %parallel_loop3A_142 : vector<1x16xf32> to vector<16xf32>
        %parallel_loop3A_144 = arith.addf %parallel_loop3A_138, %parallel_loop3A_143 : vector<16xf32>
        %parallel_loop3A_145 = arith.index_cast %and3A_61 : i32 to index
        %parallel_loop3A_146 = arith.index_cast %parallel_loop3A_133 : i32 to index
        %parallel_loop3A_147 = tpu.vector_load %arg10[%parallel_loop3A_145, %parallel_loop3A_146] {strides = array<i32>} : memref<2x2048xf32, #tpu.memory_space<vmem>>, vector<1x16xf32>,
        %parallel_loop3A_148 = vector.shape_cast %parallel_loop3A_147 : vector<1x16xf32> to vector<16xf32>
        %parallel_loop3A_149 = vector.shape_cast %parallel_loop3A_144 : vector<16xf32> to vector<1x16xf32>
        tpu.vector_store %arg10[%parallel_loop3A_145, %parallel_loop3A_146], %parallel_loop3A_149 {add = true, strides = array<i32>} : memref<2x2048xf32, #tpu.memory_space<vmem>>, vector<1x16xf32>,
      } {sc.loop_unroll_factor = 8 : i64, sc.parallel_access}
      %lt3A_113 = arith.constant 63 : i32
      %lt3A_114 = arith.cmpi slt, %scan3A_60, %lt3A_113 : i32
      %convert_element_type3A_115 = arith.extui %lt3A_114 : i1 to i32
      %cond3A_116 = arith.constant 0 : i32
      %cond3A_117 = arith.cmpi ne, %convert_element_type3A_115, %cond3A_116 : i32
      scf.if %cond3A_117 {
        %add3A_131 = arith.constant 1 : i32
        %add3A_132 = arith.addi %scan3A_60, %add3A_131 : i32
        %dma_start3A_133 = arith.constant 48 : i32
        %dma_start3A_134 = tpu.memref_slice %arg5[%add3A_132, %dma_start3A_133] : memref<64x56xi32, #tpu.memory_space<vmem>> -> memref<1x2xi32, #tpu.memory_space<vmem>>
        %dma_start3A_135 = tpu.memref_squeeze %dma_start3A_134 : memref<1x2xi32, #tpu.memory_space<vmem>> -> memref<2xi32, #tpu.memory_space<vmem>>
        %dma_start3A_136 = arith.constant 0 : i32
        %dma_start3A_137 = arith.constant 0 : i32
        %dma_start3A_138 = tpu.memref_slice %arg3[%dma_start3A_136, %dma_start3A_137] : memref<40960x2048xf32, #tpu.memory_space<hbm>> -> memref<40960x2048xf32, #tpu.memory_space<hbm>>
        tpu.enqueue_indirect_dma source(%dma_start3A_138 : memref<40960x2048xf32, #tpu.memory_space<hbm>>) target(%arg9 : memref<2x2048xf32, #tpu.memory_space<vmem>>) offsets(%dma_start3A_135 : memref<2xi32, #tpu.memory_space<vmem>>) semaphore(%arg14 : memref<!tpu.dma_semaphore, #tpu.memory_space<semaphore_mem>>)
      } else {
      }
      %add3A_118 = arith.addi %mul3A_2, %scan3A_60 : i32
      %dma_start3A_119 = arith.constant 0 : i32
      %dma_start3A_120 = tpu.memref_slice %arg10[%and3A_61, %dma_start3A_119] : memref<2x2048xf32, #tpu.memory_space<vmem>> -> memref<1x2048xf32, #tpu.memory_space<vmem>>
      %dma_start3A_121 = tpu.memref_squeeze %dma_start3A_120 : memref<1x2048xf32, #tpu.memory_space<vmem>> -> memref<2048xf32, #tpu.memory_space<vmem>>
      %dma_start3A_122 = arith.constant 0 : i32
      %dma_start3A_123 = tpu.memref_slice %arg4[%add3A_118, %dma_start3A_122] : memref<2048x2048xf32, #tpu.memory_space<hbm>> -> memref<1x2048xf32, #tpu.memory_space<hbm>>
      %dma_start3A_124 = tpu.memref_squeeze %dma_start3A_123 : memref<1x2048xf32, #tpu.memory_space<hbm>> -> memref<2048xf32, #tpu.memory_space<hbm>>
      %dma_start3A_125 = arith.constant 0 : i32
      %dma_start3A_126 = tpu.memref_slice %arg4[%add3A_118, %dma_start3A_125] : memref<2048x2048xf32, #tpu.memory_space<hbm>> -> memref<1x2048xf32, #tpu.memory_space<hbm>>
      %dma_start3A_127 = tpu.memref_squeeze %dma_start3A_126 : memref<1x2048xf32, #tpu.memory_space<hbm>> -> memref<2048xf32, #tpu.memory_space<hbm>>
      %dma_start3A_128 = arith.constant 0 : i32
      %dma_start3A_129 = tpu.memref_slice %arg10[%and3A_61, %dma_start3A_128] : memref<2x2048xf32, #tpu.memory_space<vmem>> -> memref<1x2048xf32, #tpu.memory_space<vmem>>
      %dma_start3A_130 = tpu.memref_squeeze %dma_start3A_129 : memref<1x2048xf32, #tpu.memory_space<vmem>> -> memref<2048xf32, #tpu.memory_space<vmem>>
      tpu.enqueue_dma source(%dma_start3A_130 : memref<2048xf32, #tpu.memory_space<vmem>>) target(%dma_start3A_127 : memref<2048xf32, #tpu.memory_space<hbm>>) target_semaphore(%arg15 : memref<!tpu.dma_semaphore, #tpu.memory_space<semaphore_mem>>)
    }
    %scan3A_34 = arith.constant 64 : i32
    %dma_wait3A = arith.constant 0 : i32
    %dma_wait3A_35 = arith.constant 0 : i32
    %dma_wait3A_36 = tpu.memref_slice %arg10[%dma_wait3A, %dma_wait3A_35] : memref<2x2048xf32, #tpu.memory_space<vmem>> -> memref<1x2048xf32, #tpu.memory_space<vmem>>
    %dma_wait3A_37 = tpu.memref_squeeze %dma_wait3A_36 : memref<1x2048xf32, #tpu.memory_space<vmem>> -> memref<2048xf32, #tpu.memory_space<vmem>>
    %dma_wait3A_38 = arith.constant 0 : i32
    %dma_wait3A_39 = tpu.memref_slice %arg4[%mul3A_2, %dma_wait3A_38] : memref<2048x2048xf32, #tpu.memory_space<hbm>> -> memref<1x2048xf32, #tpu.memory_space<hbm>>
    %dma_wait3A_40 = tpu.memref_squeeze %dma_wait3A_39 : memref<1x2048xf32, #tpu.memory_space<hbm>> -> memref<2048xf32, #tpu.memory_space<hbm>>
    %dma_wait3A_41 = arith.constant 0 : i32
    %dma_wait3A_42 = tpu.memref_slice %arg4[%mul3A_2, %dma_wait3A_41] : memref<2048x2048xf32, #tpu.memory_space<hbm>> -> memref<1x2048xf32, #tpu.memory_space<hbm>>
    %dma_wait3A_43 = tpu.memref_squeeze %dma_wait3A_42 : memref<1x2048xf32, #tpu.memory_space<hbm>> -> memref<2048xf32, #tpu.memory_space<hbm>>
    %dma_wait3A_44 = arith.constant 0 : i32
    %dma_wait3A_45 = tpu.memref_slice %arg10[%dma_wait3A, %dma_wait3A_44] : memref<2x2048xf32, #tpu.memory_space<vmem>> -> memref<1x2048xf32, #tpu.memory_space<vmem>>
    %dma_wait3A_46 = tpu.memref_squeeze %dma_wait3A_45 : memref<1x2048xf32, #tpu.memory_space<vmem>> -> memref<2048xf32, #tpu.memory_space<vmem>>
    tpu.wait_dma2 semaphore(%arg15 : memref<!tpu.dma_semaphore, #tpu.memory_space<semaphore_mem>>) src(%dma_wait3A_46 : memref<2048xf32, #tpu.memory_space<vmem>>) dst(%dma_wait3A_43 : memref<2048xf32, #tpu.memory_space<hbm>>)
    %dma_wait3A_47 = arith.constant 0 : i32
    %dma_wait3A_48 = arith.constant 0 : i32
    %dma_wait3A_49 = tpu.memref_slice %arg10[%dma_wait3A_47, %dma_wait3A_48] : memref<2x2048xf32, #tpu.memory_space<vmem>> -> memref<1x2048xf32, #tpu.memory_space<vmem>>
    %dma_wait3A_50 = tpu.memref_squeeze %dma_wait3A_49 : memref<1x2048xf32, #tpu.memory_space<vmem>> -> memref<2048xf32, #tpu.memory_space<vmem>>
    %dma_wait3A_51 = arith.constant 0 : i32
    %dma_wait3A_52 = tpu.memref_slice %arg4[%mul3A_2, %dma_wait3A_51] : memref<2048x2048xf32, #tpu.memory_space<hbm>> -> memref<1x2048xf32, #tpu.memory_space<hbm>>
    %dma_wait3A_53 = tpu.memref_squeeze %dma_wait3A_52 : memref<1x2048xf32, #tpu.memory_space<hbm>> -> memref<2048xf32, #tpu.memory_space<hbm>>
    %dma_wait3A_54 = arith.constant 0 : i32
    %dma_wait3A_55 = tpu.memref_slice %arg4[%mul3A_2, %dma_wait3A_54] : memref<2048x2048xf32, #tpu.memory_space<hbm>> -> memref<1x2048xf32, #tpu.memory_space<hbm>>
    %dma_wait3A_56 = tpu.memref_squeeze %dma_wait3A_55 : memref<1x2048xf32, #tpu.memory_space<hbm>> -> memref<2048xf32, #tpu.memory_space<hbm>>
    %dma_wait3A_57 = arith.constant 0 : i32
    %dma_wait3A_58 = tpu.memref_slice %arg10[%dma_wait3A_47, %dma_wait3A_57] : memref<2x2048xf32, #tpu.memory_space<vmem>> -> memref<1x2048xf32, #tpu.memory_space<vmem>>
    %dma_wait3A_59 = tpu.memref_squeeze %dma_wait3A_58 : memref<1x2048xf32, #tpu.memory_space<vmem>> -> memref<2048xf32, #tpu.memory_space<vmem>>
    tpu.wait_dma2 semaphore(%arg15 : memref<!tpu.dma_semaphore, #tpu.memory_space<semaphore_mem>>) src(%dma_wait3A_59 : memref<2048xf32, #tpu.memory_space<vmem>>) dst(%dma_wait3A_56 : memref<2048xf32, #tpu.memory_space<hbm>>)
    return
  }
}

module attributes {stable_mosaic.version = 14 : i64} {
  func.func @body(%arg0: i32, %arg1: memref<256x2048xf32, #tpu.memory_space<vmem>>, %arg2: memref<256x2048xf32, #tpu.memory_space<vmem>>, %arg3: memref<256x56xi32, #tpu.memory_space<vmem>>, %arg4: memref<256x56xi32, #tpu.memory_space<vmem>>, %arg5: memref<256x1xi32, #tpu.memory_space<vmem>>, %arg6: memref<1x2048xf32, #tpu.memory_space<vmem>>, %arg7: memref<2048x128xf32, #tpu.memory_space<vmem>>, %arg8: memref<2048x128xf32, #tpu.memory_space<vmem>>, %arg9: memref<1x128xf32, #tpu.memory_space<vmem>>, %arg10: memref<128x1xf32, #tpu.memory_space<vmem>>, %arg11: memref<1x1xf32, #tpu.memory_space<vmem>>, %arg12: memref<256x1xf32, #tpu.memory_space<vmem>>) attributes {dimension_semantics = [#tpu.dimension_semantics<arbitrary>], iteration_bounds = array<i64: 4>, scalar_prefetch = 0 : i64, scratch_operands = 0 : i64, tpu.core_type = #tpu.core_type<tc>, window_params = [{transform_indices = @transform_0, window_bounds = array<i64: 256, 2048>}, {transform_indices = @transform_1, window_bounds = array<i64: 256, 2048>}, {transform_indices = @transform_2, window_bounds = array<i64: 256, 56>}, {transform_indices = @transform_3, window_bounds = array<i64: 256, 56>}, {transform_indices = @transform_4, window_bounds = array<i64: 256, 1>}, {pipeline_mode = #tpu.pipeline_mode<synchronous>, transform_indices = @transform_5, window_bounds = array<i64: 1, 2048>}, {pipeline_mode = #tpu.pipeline_mode<synchronous>, transform_indices = @transform_6, window_bounds = array<i64: 2048, 128>}, {pipeline_mode = #tpu.pipeline_mode<synchronous>, transform_indices = @transform_7, window_bounds = array<i64: 2048, 128>}, {pipeline_mode = #tpu.pipeline_mode<synchronous>, transform_indices = @transform_8, window_bounds = array<i64: 1, 128>}, {pipeline_mode = #tpu.pipeline_mode<synchronous>, transform_indices = @transform_9, window_bounds = array<i64: 128, 1>}, {pipeline_mode = #tpu.pipeline_mode<synchronous>, transform_indices = @transform_10, window_bounds = array<i64: 1, 1>}, {transform_indices = @transform_11, window_bounds = array<i64: 256, 1>}]} {
    %iota3A = tpu.iota {dimensions = array<i32: 1>} : vector<256x56xi32>
    %lt3A = arith.constant 50 : i32
    %lt3A_0 = vector.broadcast %lt3A : i32 to vector<256x56xi32>
    %lt3A_1 = arith.cmpi slt, %iota3A, %lt3A_0 : vector<256x56xi32>
    %get3A = arith.constant 0 : index
    %get3A_2 = arith.constant 0 : index
    %get3A_3 = vector.load %arg3[%get3A, %get3A_2] : memref<256x56xi32, #tpu.memory_space<vmem>>, vector<256x56xi32>
    %eq3A = arith.constant 0 : i32
    %eq3A_4 = vector.broadcast %eq3A : i32 to vector<256x56xi32>
    %eq3A_5 = arith.cmpi eq, %get3A_3, %eq3A_4 : vector<256x56xi32>
    %and3A = arith.andi %eq3A_5, %lt3A_1 : vector<256x56xi1>
    %jit3A = arith.constant 1.000000e+00 : f32
    %jit3A_6 = arith.constant 0.000000e+00 : f32
    %broadcast_in_dim3A = vector.broadcast %jit3A : f32 to vector<256x56xf32>
    %broadcast_in_dim3A_7 = vector.broadcast %jit3A_6 : f32 to vector<256x56xf32>
    %select_n3A = arith.select %and3A, %broadcast_in_dim3A, %broadcast_in_dim3A_7 : vector<256x56xi1>, vector<256x56xf32>
    %reduce_sum3A = arith.constant dense<0.000000e+00> : vector<256xf32>
    %reduce_sum3A_8 = vector.multi_reduction <add>, %select_n3A, %reduce_sum3A [1] : vector<256x56xf32> to vector<256xf32>
    %broadcast_in_dim3A_9 = vector.shape_cast %reduce_sum3A_8 : vector<256xf32> to vector<256x1xf32>
    %get3A_10 = arith.constant 0 : index
    %get3A_11 = arith.constant 0 : index
    %get3A_12 = vector.load %arg4[%get3A_10, %get3A_11] : memref<256x56xi32, #tpu.memory_space<vmem>>, vector<256x56xi32>
    %eq3A_13 = arith.constant 0 : i32
    %eq3A_14 = vector.broadcast %eq3A_13 : i32 to vector<256x56xi32>
    %eq3A_15 = arith.cmpi eq, %get3A_12, %eq3A_14 : vector<256x56xi32>
    %and3A_16 = arith.andi %eq3A_15, %lt3A_1 : vector<256x56xi1>
    %jit3A_17 = arith.constant 1.000000e+00 : f32
    %jit3A_18 = arith.constant 0.000000e+00 : f32
    %broadcast_in_dim3A_19 = vector.broadcast %jit3A_17 : f32 to vector<256x56xf32>
    %broadcast_in_dim3A_20 = vector.broadcast %jit3A_18 : f32 to vector<256x56xf32>
    %select_n3A_21 = arith.select %and3A_16, %broadcast_in_dim3A_19, %broadcast_in_dim3A_20 : vector<256x56xi1>, vector<256x56xf32>
    %reduce_sum3A_22 = arith.constant dense<0.000000e+00> : vector<256xf32>
    %reduce_sum3A_23 = vector.multi_reduction <add>, %select_n3A_21, %reduce_sum3A_22 [1] : vector<256x56xf32> to vector<256xf32>
    %broadcast_in_dim3A_24 = vector.shape_cast %reduce_sum3A_23 : vector<256xf32> to vector<256x1xf32>
    %get3A_25 = arith.constant 0 : index
    %get3A_26 = arith.constant 0 : index
    %get3A_27 = vector.load %arg6[%get3A_25, %get3A_26] : memref<1x2048xf32, #tpu.memory_space<vmem>>, vector<1x2048xf32>
    %get3A_28 = arith.constant 0 : index
    %get3A_29 = arith.constant 0 : index
    %get3A_30 = vector.load %arg1[%get3A_28, %get3A_29] : memref<256x2048xf32, #tpu.memory_space<vmem>>, vector<256x2048xf32>
    %mul3A = vector.broadcast %broadcast_in_dim3A_9 : vector<256x1xf32> to vector<256x2048xf32>
    %mul3A_31 = vector.broadcast %get3A_27 : vector<1x2048xf32> to vector<256x2048xf32>
    %mul3A_32 = arith.mulf %mul3A, %mul3A_31 : vector<256x2048xf32>
    %sub3A = arith.subf %get3A_30, %mul3A_32 : vector<256x2048xf32>
    %get3A_33 = arith.constant 0 : index
    %get3A_34 = arith.constant 0 : index
    %get3A_35 = vector.load %arg2[%get3A_33, %get3A_34] : memref<256x2048xf32, #tpu.memory_space<vmem>>, vector<256x2048xf32>
    %mul3A_36 = vector.broadcast %broadcast_in_dim3A_24 : vector<256x1xf32> to vector<256x2048xf32>
    %mul3A_37 = vector.broadcast %get3A_27 : vector<1x2048xf32> to vector<256x2048xf32>
    %mul3A_38 = arith.mulf %mul3A_36, %mul3A_37 : vector<256x2048xf32>
    %sub3A_39 = arith.subf %get3A_35, %mul3A_38 : vector<256x2048xf32>
    %get3A_40 = arith.constant 0 : index
    %get3A_41 = arith.constant 0 : index
    %get3A_42 = vector.load %arg5[%get3A_40, %get3A_41] : memref<256x1xi32, #tpu.memory_space<vmem>>, vector<256x1xi32>
    %eq3A_43 = arith.constant 1 : i32
    %eq3A_44 = vector.broadcast %eq3A_43 : i32 to vector<256x1xi32>
    %eq3A_45 = arith.cmpi eq, %get3A_42, %eq3A_44 : vector<256x1xi32>
    %broadcast_in_dim3A_46 = vector.shape_cast %eq3A_45 : vector<256x1xi1> to vector<256x1xi1>
    %broadcast_in_dim3A_47 = vector.broadcast %broadcast_in_dim3A_46 : vector<256x1xi1> to vector<256x2048xi1>
    %select_n3A_48 = arith.select %broadcast_in_dim3A_47, %sub3A, %sub3A_39 : vector<256x2048xi1>, vector<256x2048xf32>
    %broadcast_in_dim3A_49 = vector.shape_cast %eq3A_45 : vector<256x1xi1> to vector<256x1xi1>
    %broadcast_in_dim3A_50 = vector.broadcast %broadcast_in_dim3A_49 : vector<256x1xi1> to vector<256x2048xi1>
    %select_n3A_51 = arith.select %broadcast_in_dim3A_50, %sub3A_39, %sub3A : vector<256x2048xi1>, vector<256x2048xf32>
    %get3A_52 = arith.constant 0 : index
    %get3A_53 = arith.constant 0 : index
    %get3A_54 = vector.load %arg7[%get3A_52, %get3A_53] : memref<2048x128xf32, #tpu.memory_space<vmem>>, vector<2048x128xf32>
    %dot_general3A = arith.constant dense<0.000000e+00> : vector<256x128xf32>
    %dot_general3A_55 = tpu.matmul %select_n3A_48, %get3A_54, %dot_general3A {dimension_numbers = #tpu.dot_dimension_numbers<[1], [0], [0], [1], [0, 0, 1, 1], [], []>, transpose_lhs_hint = false} : vector<256x2048xf32>, vector<2048x128xf32>, vector<256x128xf32> -> vector<256x128xf32>
    %get3A_56 = arith.constant 0 : index
    %get3A_57 = arith.constant 0 : index
    %get3A_58 = vector.load %arg8[%get3A_56, %get3A_57] : memref<2048x128xf32, #tpu.memory_space<vmem>>, vector<2048x128xf32>
    %dot_general3A_59 = arith.constant dense<0.000000e+00> : vector<256x128xf32>
    %dot_general3A_60 = tpu.matmul %select_n3A_51, %get3A_58, %dot_general3A_59 {dimension_numbers = #tpu.dot_dimension_numbers<[1], [0], [0], [1], [0, 0, 1, 1], [], []>, transpose_lhs_hint = false} : vector<256x2048xf32>, vector<2048x128xf32>, vector<256x128xf32> -> vector<256x128xf32>
    %add3A = arith.addf %dot_general3A_55, %dot_general3A_60 : vector<256x128xf32>
    %get3A_61 = arith.constant 0 : index
    %get3A_62 = arith.constant 0 : index
    %get3A_63 = vector.load %arg9[%get3A_61, %get3A_62] : memref<1x128xf32, #tpu.memory_space<vmem>>, vector<1x128xf32>
    %add3A_64 = vector.broadcast %get3A_63 : vector<1x128xf32> to vector<256x128xf32>
    %add3A_65 = arith.addf %add3A, %add3A_64 : vector<256x128xf32>
    %max3A = arith.constant 0.000000e+00 : f32
    %max3A_66 = vector.broadcast %max3A : f32 to vector<256x128xf32>
    %max3A_67 = arith.maximumf %add3A_65, %max3A_66 : vector<256x128xf32>
    %get3A_68 = arith.constant 0 : index
    %get3A_69 = arith.constant 0 : index
    %get3A_70 = vector.load %arg10[%get3A_68, %get3A_69] : memref<128x1xf32, #tpu.memory_space<vmem>>, vector<128x1xf32>
    %dot_general3A_71 = arith.constant dense<0.000000e+00> : vector<256x1xf32>
    %dot_general3A_72 = tpu.matmul %max3A_67, %get3A_70, %dot_general3A_71 {dimension_numbers = #tpu.dot_dimension_numbers<[1], [0], [0], [1], [0, 0, 1, 1], [], []>, transpose_lhs_hint = false} : vector<256x128xf32>, vector<128x1xf32>, vector<256x1xf32> -> vector<256x1xf32>
    %get3A_73 = arith.constant 0 : index
    %get3A_74 = arith.constant 0 : index
    %get3A_75 = vector.load %arg11[%get3A_73, %get3A_74] : memref<1x1xf32, #tpu.memory_space<vmem>>, vector<1x1xf32>
    %add3A_76 = vector.broadcast %get3A_75 : vector<1x1xf32> to vector<256x1xf32>
    %add3A_77 = arith.addf %dot_general3A_72, %add3A_76 : vector<256x1xf32>
    %swap3A = arith.constant 0 : index
    %swap3A_78 = arith.constant 0 : index
    %swap3A_79 = vector.load %arg12[%swap3A, %swap3A_78] : memref<256x1xf32, #tpu.memory_space<vmem>>, vector<256x1xf32>
    tpu.vector_store %arg12[%swap3A, %swap3A_78], %add3A_77 {strides = array<i32>} : memref<256x1xf32, #tpu.memory_space<vmem>>, vector<256x1xf32>,
    return
  }
  func.func @transform_0(%arg0: i32) -> (i32, i32) {
    %c0_i32 = arith.constant 0 : i32
    %c0_i32_0 = arith.constant 0 : i32
    return %arg0, %c0_i32 : i32, i32
  }
  func.func @transform_1(%arg0: i32) -> (i32, i32) {
    %add3A = arith.constant 4 : i32
    %add3A_0 = arith.addi %arg0, %add3A : i32
    %c0_i32 = arith.constant 0 : i32
    %c0_i32_1 = arith.constant 0 : i32
    return %add3A_0, %c0_i32 : i32, i32
  }
  func.func @transform_2(%arg0: i32) -> (i32, i32) {
    %c0_i32 = arith.constant 0 : i32
    %c0_i32_0 = arith.constant 0 : i32
    return %arg0, %c0_i32 : i32, i32
  }
  func.func @transform_3(%arg0: i32) -> (i32, i32) {
    %add3A = arith.constant 4 : i32
    %add3A_0 = arith.addi %arg0, %add3A : i32
    %c0_i32 = arith.constant 0 : i32
    %c0_i32_1 = arith.constant 0 : i32
    return %add3A_0, %c0_i32 : i32, i32
  }
  func.func @transform_4(%arg0: i32) -> (i32, i32) {
    %c0_i32 = arith.constant 0 : i32
    %c0_i32_0 = arith.constant 0 : i32
    return %arg0, %c0_i32 : i32, i32
  }
  func.func @transform_5(%arg0: i32) -> (i32, i32) {
    %c0_i32 = arith.constant 0 : i32
    %c0_i32_0 = arith.constant 0 : i32
    %c0_i32_1 = arith.constant 0 : i32
    return %c0_i32, %c0_i32_0 : i32, i32
  }
  func.func @transform_6(%arg0: i32) -> (i32, i32) {
    %c0_i32 = arith.constant 0 : i32
    %c0_i32_0 = arith.constant 0 : i32
    %c0_i32_1 = arith.constant 0 : i32
    return %c0_i32, %c0_i32_0 : i32, i32
  }
  func.func @transform_7(%arg0: i32) -> (i32, i32) {
    %c0_i32 = arith.constant 0 : i32
    %c0_i32_0 = arith.constant 0 : i32
    %c0_i32_1 = arith.constant 0 : i32
    return %c0_i32, %c0_i32_0 : i32, i32
  }
  func.func @transform_8(%arg0: i32) -> (i32, i32) {
    %c0_i32 = arith.constant 0 : i32
    %c0_i32_0 = arith.constant 0 : i32
    %c0_i32_1 = arith.constant 0 : i32
    return %c0_i32, %c0_i32_0 : i32, i32
  }
  func.func @transform_9(%arg0: i32) -> (i32, i32) {
    %c0_i32 = arith.constant 0 : i32
    %c0_i32_0 = arith.constant 0 : i32
    %c0_i32_1 = arith.constant 0 : i32
    return %c0_i32, %c0_i32_0 : i32, i32
  }
  func.func @transform_10(%arg0: i32) -> (i32, i32) {
    %c0_i32 = arith.constant 0 : i32
    %c0_i32_0 = arith.constant 0 : i32
    %c0_i32_1 = arith.constant 0 : i32
    return %c0_i32, %c0_i32_0 : i32, i32
  }
  func.func @transform_11(%arg0: i32) -> (i32, i32) {
    %c0_i32 = arith.constant 0 : i32
    %c0_i32_0 = arith.constant 0 : i32
    return %arg0, %c0_i32 : i32, i32
  }
}

</mosaic_0001>

<sc_bundles>
// kernel: kernel.4.cloned.1.call-start
scs
__scs_entry_jumppad:
0x0: {  	(pc) =	sbr.rel $0x88, $3  }
0x1: {  	(tag) =	ssettag $0x0;
	lr =	simm.s32 $0x1  }
0x2: {  	[smem:$0x3F99] =	sst lr;
	_ =	strace $0xD0000000  }
0x3: {  	_ = 	snop  }
0x4: {  	_ = 	snop  }
0x5: {  	_ = 	snop  }
0x6: {  	_ = 	snop  }
0x7: {  	_ = 	snop  }
__scs_overlays_trampoline_lowered:
0x8: {  	[smem:$0x3FA8] =	sst s0  }
0x9: {  	[smem:$0x3FA9] =	sst s1  }
0xa: {  	[smem:$0x3FAA] =	sst s2  }
0xb: {  	[smem:$0x3FAB] =	sst s3  }
0xc: {  	[smem:$0x3FAC] =	sst s4  }
0xd: {  	[smem:$0x3FAD] =	sst s5  }
0xe: {  	[smem:$0x3FAE] =	sst s6  }
0xf: {  	[smem:$0x3FAF] =	sst s7  }
0x10: {  	[smem:$0x3FB0] =	sst s8  }
0x11: {  	[smem:$0x3FB1] =	sst s9;
	s0 =	simm.s32 @!p0 $0x0  }
0x12: {  	s1 =	sld [smem:$0x3F97];
	s0 =	simm.s32 @p0 $0x1  }
0x13: {  	[smem:$0x3FB2] =	sst s0;
	s0 =	simm.s32 @!p1 $0x0  }
0x14: {  	s2 =	sld [smem:$0x3F96];
	s0 =	simm.s32 @p1 $0x1  }
0x15: {  	[smem:$0x3FB3] =	sst s0;
	s0 =	simm.s32 @!p2 $0x0  }
0x16: {  	s3 =	sld [smem:$0x3FDB];
	s0 =	simm.s32 @p2 $0x1  }
0x17: {  	s4 =	simm.s32 $0x1BF5;
	[smem:$0x3FB5] =	sst s0  }
0x18: {  	s0 =	sld [smem:$0x3F98];
	_ =	swait.ge [sflag:s4], $0x0  }
0x19: {  	s7 =	sld [smem:$0x3F99]  }
0x1a: {  	s8 =	sadd.s32 $0xFFFFE003, lr  }
0x1b: {  	s9 =	sadd.s32 $0xFFFFFEF7, lr;
	s5 =	simm.s32 $0xFFFFFFFF;
	p2 =	slt.u32 s8, $0xFFFFF086  }
0x1c: {  	p1 =	slt.u32 s9, $0xF7A;
	s5 =	simm.s32 @!p2 $0x0  }
0x1d: {  	s5 =	simm.s32 @p1 $0x1;
	p0 =	seq.s32 s7, s2  }
0x1e: {  	s7 =	smul.u32 @!p0 $0xF7A, s2;
	p2 =	seq.s32 @!p0 s5, $0x0  }
0x1f: {  	s9 =	smul.u32 $0xF7A, s1;
	s8 =	simm.s32 @!p0 $0x1BF5;
	p2 =	por !p2, p0  }
0x20: {  	[sflag:s8] =	ssyncset.s32 @!p0 $0xFFFFF086;
	s6 =	sadd.s32 @!p0 s3, s7;
	s7 =	simm.s32 @!p0 $0x108  }
0x21: {  	s3 =	sadd.s32 s3, s9;
	s6 =	sadd.s32 @!p0 $0x88, s6;
	s7 =	simm.s32 @p2 $0x1082  }
0x22: {  	[simem:s7], [sflag:s8] =	dma.local @!p0 [hbm:s6], $0xF7A  }
0x23: {  	s9 =	sor.u32 $0xD0000000, s2;
	s6 =	simm.s32 $0x108;
	_ =	swait.ge @!p0 [sflag:s8], $0x0  }
0x24: {  	s3 =	sadd.s32 $0x88, s3;
	s6 =	simm.s32 @!p1 $0x1082;
	[sflag:s4] =	ssyncset.s32 $0xFFFFF086  }
0x25: {  	[simem:s6], [sflag:s4] =	dma.local [hbm:s3], $0xF7A  }
0x26: {  	[smem:$0x3F99] =	sst s1;
	(tag) =	ssettag s2;
	_ =	strace s9  }
0x27: {  	s1 =	sld [smem:$0x3FA9]  }
0x28: {  	s2 =	sld [smem:$0x3FAA]  }
0x29: {  	s4 =	sld [smem:$0x3FAC]  }
0x2a: {  	p0 =	seq.s32 s5, $0x0;
	s5 =	sld [smem:$0x3FAD]  }
0x2b: {  	s6 =	sld [smem:$0x3FAE]  }
0x2c: {  	s7 =	sld [smem:$0x3FAF]  }
0x2d: {  	s3 =	simm.s32 $0x108;
	s8 =	sld [smem:$0x3FB0]  }
0x2e: {  	s3 =	simm.s32 @!p0 $0x1082;
	s9 =	sld [smem:$0x3FB1]  }
0x2f: {  	lr =	sadd.s32 s0, s3;
	s0 =	sld [smem:$0x3FA8]  }
0x30: {  	s3 =	sld [smem:$0x3FAB]  }
0x31: {  	[smem:$0x3FB4] =	sst s10  }
0x32: {  	s10 =	sld [smem:$0x3FB2];
	_ =	sdelay $0x3  }
0x33: {  	p0 =	seq.s32 s10, $0x1;
	s10 =	sld [smem:$0x3FB4];
	_ =	sdelay $0x3  }
0x34: {  	[smem:$0x3FB4] =	sst s10  }
0x35: {  	s10 =	sld [smem:$0x3FB3];
	_ =	sdelay $0x3  }
0x36: {  	p1 =	seq.s32 s10, $0x1;
	s10 =	sld [smem:$0x3FB4];
	_ =	sdelay $0x3  }
0x37: {  	[smem:$0x3FB4] =	sst s10  }
0x38: {  	s10 =	sld [smem:$0x3FB5]  }
0x39: {  	_ = 	snop;
	(pc) =	sbr.ind lr, $3  }
0x3a: {  	_ = 	snop  }
0x3b: {  	_ = 	snop  }
0x3c: {  	p2 =	seq.s32 s10, $0x1;
	s10 =	sld [smem:$0x3FB4]  }
0x3d: {  	_ =	shalt  }
0x3e: {  	_ =	shalt  }
0x3f: {  	_ =	shalt  }
0x40: {  	_ =	shalt  }
0x41: {  	_ =	shalt  }
0x42: {  	_ =	shalt  }
0x43: {  	_ =	shalt  }
0x44: {  	_ =	shalt  }
0x45: {  	_ =	shalt  }
0x46: {  	_ =	shalt  }
0x47: {  	_ =	shalt  }
0x48: {  	_ =	shalt  }
0x49: {  	_ =	shalt  }
0x4a: {  	_ =	shalt  }
0x4b: {  	_ =	shalt  }
0x4c: {  	_ =	shalt  }
0x4d: {  	_ =	shalt  }
0x4e: {  	_ =	shalt  }
0x4f: {  	_ =	shalt  }
0x50: {  	_ =	shalt  }
0x51: {  	_ =	shalt  }
0x52: {  	_ =	shalt  }
0x53: {  	_ =	shalt  }
0x54: {  	_ =	shalt  }
0x55: {  	_ =	shalt  }
0x56: {  	_ =	shalt  }
0x57: {  	_ =	shalt  }
0x58: {  	_ =	shalt  }
0x59: {  	_ =	shalt  }
0x5a: {  	_ =	shalt  }
0x5b: {  	_ =	shalt  }
0x5c: {  	_ =	shalt  }
0x5d: {  	_ =	shalt  }
0x5e: {  	_ =	shalt  }
0x5f: {  	_ =	shalt  }
0x60: {  	_ =	shalt  }
0x61: {  	_ =	shalt  }
0x62: {  	_ =	shalt  }
0x63: {  	_ =	shalt  }
0x64: {  	_ =	shalt  }
0x65: {  	_ =	shalt  }
0x66: {  	_ =	shalt  }
0x67: {  	_ =	shalt  }
0x68: {  	_ =	shalt  }
0x69: {  	_ =	shalt  }
0x6a: {  	_ =	shalt  }
0x6b: {  	_ =	shalt  }
0x6c: {  	_ =	shalt  }
0x6d: {  	_ =	shalt  }
0x6e: {  	_ =	shalt  }
0x6f: {  	_ =	shalt  }
0x70: {  	_ =	shalt  }
0x71: {  	_ =	shalt  }
0x72: {  	_ =	shalt  }
0x73: {  	_ =	shalt  }
0x74: {  	_ =	shalt  }
0x75: {  	_ =	shalt  }
0x76: {  	_ =	shalt  }
0x77: {  	_ =	shalt  }
0x78: {  	_ =	shalt  }
0x79: {  	_ =	shalt  }
0x7a: {  	_ =	shalt  }
0x7b: {  	_ =	shalt  }
0x7c: {  	_ =	shalt  }
0x7d: {  	_ =	shalt  }
0x7e: {  	_ =	shalt  }
0x7f: {  	_ =	shalt  }
0x80: {  	_ =	shalt  }
0x81: {  	_ =	shalt  }
0x82: {  	_ =	shalt  }
0x83: {  	_ =	shalt  }
0x84: {  	_ =	shalt  }
0x85: {  	_ =	shalt  }
0x86: {  	_ =	shalt  }
0x87: {  	_ =	shalt  }
.Lfunc_end0:
.L_simem_size_0:
called_computation_lowered:
.L_overlay_start_0:
0x88: {  	s2 =	sld [smem:$0x3FD9]  }
0x89: {  	s3 =	sld [smem:$0x3FFE];
	_ =	sdelay $0x1  }
0x8a: {  	s1 =	srdreg.scid  }
0x8b: {  	s0 =	sand.u32 $0x1, s1  }
0x8c: {  	s17 =	sshll.u32 s0, $0xA;
	s2 =	sadd.s32 s3, s2  }
0x8d: {  	s2 =	sadd.s32 s2, s17  }
0x8e: {  	[smem:$0x3FC0] =	sst s2  }
0x8f: {  	_ = 	snop  }
0x90: {  	s2 =	sld [smem:$0x3FC6];
	(tm) =	ssettm $0x1  }
0x91: {  	s18 =	sld [smem:$0x3FFB];
	_ =	sdelay $0x3  }
0x92: {  	_ =	strace s18  }
0x93: {  	s3 =	sld [smem:$0x3FFC];
	_ =	sdelay $0x3  }
0x94: {  	_ =	strace s3  }
0x95: {  	s3 =	sld [smem:$0x3FFD];
	_ =	sdelay $0x3  }
0x96: {  	_ =	strace s3  }
0x97: {  	_ =	strace $0x8FFFFFFF  }
0x98: {  	s19 =	sld [smem:$0x3FDB];
	_ =	sdelay $0x1  }
0x99: {  	s4 =	simm.s32 $_scs_section_size  }
0x9a: {  	s5 =	simm.s32 $_size__tile_overlayer_lowered;
	s6 =	simm.s32 $_tile_overlayer_lowered  }
0x9b: {  	s22 =	simm.s32 $0x1BFF;
	s21 =	sshll.u32 s6, $0x1;
	s3 =	sadd.s32 s4, s19  }
0x9c: {  	s7 =	simm.s32 $0x0;
	s20 =	sshll.u32 s5, $0x1;
	s5 =	sadd.s32 s21, s3  }
0x9d: {  	[timem:s7], [sflag:s22] =	dma.local [hbm:s5], s20  }
0x9e: {  	_ =	swait.ge [sflag:s22], s20  }
0x9f: {  	s4 =	ssub.s32 $0x0, s20;
	[sflag:s22] =	ssyncset.done $0x0  }
0xa0: {  	[sflag:s22] =	ssyncadd.s32 s4;
	_ =	sdelay $0x1  }
0xa1: {  	s23 =	simm.s32 $0x1B8B  }
0xa2: {  	_ =	swait.ge [sflag:s23], $0x1  }
0xa3: {  	[sflag:s23] =	ssyncset.done $0x0  }
0xa4: {  	s25 =	simm.s32 $0x1B8E;
	s24 =	sld [smem:$0x3FFE];
	[sflag:s23] =	ssyncadd.s32 $0xFFFFFFFF  }
0xa5: {  	s26 =	simm.s32 $execute0_lowered;
	[smem:$0x3FD2] =	sst s25  }
0xa6: {  	s5 =	sshll.u32 s26, $0x1;
	_ =	strace $0x80000046;
	[dreg:$0x1] =	wrdreg $0xFFFFFFFF  }
0xa7: {  	s28 =	simm.s32 $_size_execute0_lowered;
	s3 =	sadd.s32 s3, s5;
	[dreg:$0x0] =	wrdreg $0x0  }
0xa8: {  	s5 =	sshll.u32 s28, $0x1;
	[dreg:$0x2] =	wrdreg s3  }
0xa9: {  	[dreg:$0x3] =	wrdreg s5  }
0xaa: {  	[dreg:$0x4] =	wrdreg $0xC0  }
0xab: {  	_ =	task [dreg:s7], $0x5FFFF  }
0xac: {  	[dreg:$0x1] =	wrdreg $0xFFFFFFFF  }
0xad: {  	[dreg:$0x0] =	wrdreg $0x60  }
0xae: {  	[dreg:$0x2] =	wrdreg s24  }
0xaf: {  	[dreg:$0x3] =	wrdreg s2  }
0xb0: {  	[dreg:$0x4] =	wrdreg $0x9  }
0xb1: {  	_ =	task.clear_ibuf [dreg:s7], $0x5FFFF;
	_ =	strace $0x90000046  }
0xb2: {  	s29 =	simm.s32 $0x9;
	_ =	strace $0x80000048  }
0xb3: {  	_ =	swait.ge [sflag:s29], $0x1  }
0xb4: {  	[sflag:s29] =	ssyncadd.s32 $0xFFFFFFFF  }
0xb5: {  	_ =	strace $0x90000048  }
0xb6: {  	_ =	sfence  }
0xb7: {  	s30 =	sld [smem:$0x0];
	_ =	sdelay $0x2  }
0xb8: {  	s31 =	sshll.u32 s1, $0xD;
	s1 =	sshrl.u32 s1, $0x2  }
0xb9: {  	s3 =	sand.u32 $0x4000, s31;
	s1 =	sadd.s32 s1, s30  }
0xba: {  	s0 =	sor.u32 s3, s0;
	s1 =	sshll.u32 s1, $0x11  }
0xbb: {  	s0 =	sor.u32 s1, s0  }
0xbc: {  	s0 =	sadd.s32 $0x8F2B, s0  }
0xbd: {  	[sflag:s0] =	ssyncadd.remote.s32 $0x1  }
0xbe: {  	_ =	sfence.sel $0xFFFF  }
0xbf: {  	[dreg:$0x0] =	wrdreg $0xFFFFFFFF;
	(pc) =	sbr.abs _section_cstart, $3  }
0xc0: {  	[dreg:$0x1] =	wrdreg $0xFFFFFFFF  }
0xc1: {  	_ =	task.clear_ibuf [dreg:s7], $0x2FFFF;
	_ =	strace $0x9FFFFFFF  }
0xc2: {  	(tm) =	ssettm $0x7FFFFFFF  }
0xc3: {  	_ =	shalt  }
tec
execute0_lowered:
.L_overlay_start_1:
0x0: {  	(tag) =	ssettag $0x1  }
0x1: {  	s0 =	rddreg [dreg:$0x0]  }
0x2: {  	s2 =	rddreg [dreg:$0x1]  }
0x3: {  	s1 =	srdreg.scid;
	s4 =	stileid.u32  }
0x4: {  	s3 =	simm.s32 $0x0;
	s15 =	simm.s32 $0x6;
	s16 =	simm.s32 $0x2  }
0x5: {  	s17 =	simm.s32 $0x3;
	s18 =	simm.s32 $0x4;
	s19 =	simm.s32 $0x5  }
0x6: {  	s20 =	simm.s32 $0x0;
	s1 =	sand.u32 $0x1, s1;
	s4 =	sshll.u32 s4, $0x7  }
0x7: {  	v3 =	vlaneseq.u32;
	[smem:$0x7FF] =	sst s3;
	s8 =	sadd.s32 $0x200, s2;
	s9 =	sadd.s32 $0x300, s2  }
0x8: {  	s10 =	sadd.s32 $0x400, s2;
	s11 =	sadd.s32 $0x500, s2;
	s12 =	sadd.s32 $0x600, s2;
	v0 =	vand.u32 $0x7, v3  }
0x9: {  	v1 =	vshrl.u32 v3, $0x3;
	v61 =	vor.u32 $0x8, v3;
	s5 =	sshll.u32 s1, $0x6;
	s1 =	ssub.s32 $0x2, s1;
	_ =	strace $0x80000047;
	[tilespmem:$0x1FFB0] =	vst v0  }
0xa: {  	s13 =	sadd.s32 $0x700, s2;
	v4 =	vshrl.u32 v3, $0x1;
	v62 =	vand.u32 $0x1, v3;
	v60 =	vmul.u32 $0x8, v1;
	[tilespmem:$0x1FFD0] =	vst v61;
	s4 =	sor.u32 s5, s4;
	s6 =	sshrl.u32 s1, $0x1  }
0xb: {  	[tilespmem:$0x1FFE0] =	vst v62;
	v63 =	vmul.u32 $0x8, v4;
	s5 =	sshll.u32 s4, $0x4;
	s31 =	ssub.s32 s1, s6;
	s1 =	simm.s32 $0x1  }
0xc: {  	[tilespmem:$0x1FFC0] =	vst v60;
	s7 =	sadd.s32 s5, s0;
	s5 =	sadd.s32 $0x9200, s0;
	s14 =	smax.u32 s31, $0x1  }
0xd: {  	vm0 =	vmmov $0xffff;
	[tilespmem:$0x1FFF0] =	vst v63;
	s0 =	simm.s32 $0x1A800;
	s6 =	sadd.s32 $0x1200, s7;
	s7 =	sadd.s32 $0x100, s2  }
.LBB2_1:
0xe: {  	[tilespmem:s3], [sflag:$0x6] =	stream.linear.gather [hbm4b:s6+s3], $0x2000, $0x38;
	[tilespmem:$0x1C000] =	vst v63  }
0xf: {  	_ =	swait.ge [sflag:s15], $0x2000  }
0x10: {  	[sflag:s15] =	ssyncset.done $0x0  }
0x11: {  	[sflag:s15] =	ssyncadd.s32 $0xFFFFE000  }
0x12: {  	v5 =	vld [tilespmem:$0x0];
	_ =	sdelay $0x2  }
0x13: {  	v0 =	vld [tilespmem:$0x1FFB0];
	_ =	sdelay $0x1  }
0x14: {  	v1 =	vld [tilespmem:$0x1FFC0];
	v6 =	vshll.u32 v5, $0x4  }
0x15: {  	v5 =	vand.u32 $0x7, v5;
	v6 =	vand.u32 $0xFFFFFF80, v6  }
0x16: {  	v5 =	vor.u32 v5, v6  }
0x17: {  	v6 =	vperm.xlane v5, v0;
	_ =	sdelay $0x1  }
0x18: {  	v6 =	vadd.s32 v1, v6;
	_ =	sdelay $0x3  }
0x19: {  	s21 =	simm.s32 $0x2000  }
0x1a: {  	[tilespmem:s21], [sflag:$0x1] =	stream.indirect_vreg.gather [hbm4b:s2+s3], $0x80, v6, vm0, $0xb8;
	[tilespmem:$0x1C000] =	vst v63  }
0x1b: {  	s29 =	simm.s32 $0x2800  }
0x1c: {  	[tilespmem:s29], [sflag:$0x1] =	stream.indirect_vreg.gather [hbm4b:s7+s3], $0x80, v6, vm0, $0xb8;
	[tilespmem:$0x1C000] =	vst v63  }
0x1d: {  	s30 =	simm.s32 $0x3000  }
0x1e: {  	v2 =	vld [tilespmem:$0x1FFD0];
	[tilespmem:s30], [sflag:$0x1] =	stream.indirect_vreg.gather [hbm4b:s8+s3], $0x80, v6, vm0, $0xb8  }
0x1f: {  	s31 =	simm.s32 $0x3800  }
0x20: {  	[tilespmem:s31], [sflag:$0x1] =	stream.indirect_vreg.gather [hbm4b:s9+s3], $0x80, v6, vm0, $0xb8;
	[tilespmem:$0x1C000] =	vst v63  }
0x21: {  	s22 =	simm.s32 $0x4000  }
0x22: {  	[tilespmem:s22], [sflag:$0x1] =	stream.indirect_vreg.gather [hbm4b:s10+s3], $0x80, v6, vm0, $0xb8;
	[tilespmem:$0x1C000] =	vst v63  }
0x23: {  	s23 =	simm.s32 $0x4800;
	v5 =	vperm.xlane v5, v2  }
0x24: {  	[tilespmem:s23], [sflag:$0x1] =	stream.indirect_vreg.gather [hbm4b:s11+s3], $0x80, v6, vm0, $0xb8;
	[tilespmem:$0x1C000] =	vst v63  }
0x25: {  	s24 =	simm.s32 $0x5000;
	v5 =	vadd.s32 v1, v5  }
0x26: {  	[tilespmem:s24], [sflag:$0x1] =	stream.indirect_vreg.gather [hbm4b:s12+s3], $0x80, v6, vm0, $0xb8;
	[tilespmem:$0x1C000] =	vst v63  }
0x27: {  	s25 =	simm.s32 $0x5800  }
0x28: {  	[tilespmem:s25], [sflag:$0x1] =	stream.indirect_vreg.gather [hbm4b:s13+s3], $0x80, v6, vm0, $0xb8;
	[tilespmem:$0x1C000] =	vst v63  }
0x29: {  	s26 =	simm.s32 $0x6000  }
0x2a: {  	[tilespmem:s26], [sflag:$0x1] =	stream.indirect_vreg.gather [hbm4b:s2+s3], $0x80, v5, vm0, $0xb8;
	[tilespmem:$0x1C000] =	vst v63  }
0x2b: {  	s28 =	simm.s32 $0x6800  }
0x2c: {  	[tilespmem:s28], [sflag:$0x1] =	stream.indirect_vreg.gather [hbm4b:s7+s3], $0x80, v5, vm0, $0xb8;
	[tilespmem:$0x1C000] =	vst v63  }
0x2d: {  	s29 =	simm.s32 $0x7000  }
0x2e: {  	[tilespmem:s29], [sflag:$0x1] =	stream.indirect_vreg.gather [hbm4b:s8+s3], $0x80, v5, vm0, $0xb8;
	[tilespmem:$0x1C000] =	vst v63  }
0x2f: {  	s30 =	simm.s32 $0x7800  }
0x30: {  	[tilespmem:s30], [sflag:$0x1] =	stream.indirect_vreg.gather [hbm4b:s9+s3], $0x80, v5, vm0, $0xb8;
	[tilespmem:$0x1C000] =	vst v63  }
0x31: {  	s31 =	simm.s32 $0x8000  }
0x32: {  	[tilespmem:s31], [sflag:$0x1] =	stream.indirect_vreg.gather [hbm4b:s10+s3], $0x80, v5, vm0, $0xb8;
	[tilespmem:$0x1C000] =	vst v63  }
0x33: {  	s22 =	simm.s32 $0x8800  }
0x34: {  	[tilespmem:s22], [sflag:$0x1] =	stream.indirect_vreg.gather [hbm4b:s11+s3], $0x80, v5, vm0, $0xb8;
	[tilespmem:$0x1C000] =	vst v63  }
0x35: {  	s23 =	simm.s32 $0x9000  }
0x36: {  	[tilespmem:s23], [sflag:$0x1] =	stream.indirect_vreg.gather [hbm4b:s12+s3], $0x80, v5, vm0, $0xb8;
	[tilespmem:$0x1C000] =	vst v63  }
0x37: {  	s24 =	simm.s32 $0x9800  }
0x38: {  	[tilespmem:s24], [sflag:$0x1] =	stream.indirect_vreg.gather [hbm4b:s13+s3], $0x80, v5, vm0, $0xb8;
	[tilespmem:$0x1C000] =	vst v63  }
0x39: {  	v5 =	vld [tilespmem:$0x10];
	_ =	sdelay $0x4  }
0x3a: {  	v59 =	vshll.u32 v5, $0x4  }
0x3b: {  	v5 =	vand.u32 $0x7, v5;
	v6 =	vand.u32 $0xFFFFFF80, v59  }
0x3c: {  	v5 =	vor.u32 v5, v6  }
0x3d: {  	v6 =	vperm.xlane v5, v0;
	_ =	sdelay $0x1  }
0x3e: {  	v6 =	vadd.s32 v1, v6;
	_ =	sdelay $0x3  }
0x3f: {  	s25 =	simm.s32 $0xA000  }
0x40: {  	[tilespmem:s25], [sflag:$0x2] =	stream.indirect_vreg.gather [hbm4b:s2+s3], $0x80, v6, vm0, $0xb8;
	[tilespmem:$0x1C000] =	vst v63  }
0x41: {  	s26 =	simm.s32 $0xA800  }
0x42: {  	[tilespmem:s26], [sflag:$0x2] =	stream.indirect_vreg.gather [hbm4b:s7+s3], $0x80, v6, vm0, $0xb8;
	[tilespmem:$0x1C000] =	vst v63  }
0x43: {  	s28 =	simm.s32 $0xB000  }
0x44: {  	[tilespmem:s28], [sflag:$0x2] =	stream.indirect_vreg.gather [hbm4b:s8+s3], $0x80, v6, vm0, $0xb8;
	[tilespmem:$0x1C000] =	vst v63  }
0x45: {  	s29 =	simm.s32 $0xB800  }
0x46: {  	[tilespmem:s29], [sflag:$0x2] =	stream.indirect_vreg.gather [hbm4b:s9+s3], $0x80, v6, vm0, $0xb8;
	[tilespmem:$0x1C000] =	vst v63  }
0x47: {  	s30 =	simm.s32 $0xC000  }
0x48: {  	[tilespmem:s30], [sflag:$0x2] =	stream.indirect_vreg.gather [hbm4b:s10+s3], $0x80, v6, vm0, $0xb8;
	[tilespmem:$0x1C000] =	vst v63  }
0x49: {  	s31 =	simm.s32 $0xC800;
	v5 =	vperm.xlane v5, v2  }
0x4a: {  	[tilespmem:s31], [sflag:$0x2] =	stream.indirect_vreg.gather [hbm4b:s11+s3], $0x80, v6, vm0, $0xb8;
	[tilespmem:$0x1C000] =	vst v63  }
0x4b: {  	s22 =	simm.s32 $0xD000;
	v5 =	vadd.s32 v1, v5  }
0x4c: {  	[tilespmem:s22], [sflag:$0x2] =	stream.indirect_vreg.gather [hbm4b:s12+s3], $0x80, v6, vm0, $0xb8;
	[tilespmem:$0x1C000] =	vst v63  }
0x4d: {  	s23 =	simm.s32 $0xD800  }
0x4e: {  	[tilespmem:s23], [sflag:$0x2] =	stream.indirect_vreg.gather [hbm4b:s13+s3], $0x80, v6, vm0, $0xb8;
	[tilespmem:$0x1C000] =	vst v63  }
0x4f: {  	s24 =	simm.s32 $0xE000  }
0x50: {  	[tilespmem:s24], [sflag:$0x2] =	stream.indirect_vreg.gather [hbm4b:s2+s3], $0x80, v5, vm0, $0xb8;
	[tilespmem:$0x1C000] =	vst v63  }
0x51: {  	s25 =	simm.s32 $0xE800  }
0x52: {  	[tilespmem:s25], [sflag:$0x2] =	stream.indirect_vreg.gather [hbm4b:s7+s3], $0x80, v5, vm0, $0xb8;
	[tilespmem:$0x1C000] =	vst v63  }
0x53: {  	s26 =	simm.s32 $0xF000  }
0x54: {  	[tilespmem:s26], [sflag:$0x2] =	stream.indirect_vreg.gather [hbm4b:s8+s3], $0x80, v5, vm0, $0xb8;
	[tilespmem:$0x1C000] =	vst v63  }
0x55: {  	s28 =	simm.s32 $0xF800  }
0x56: {  	[tilespmem:s28], [sflag:$0x2] =	stream.indirect_vreg.gather [hbm4b:s9+s3], $0x80, v5, vm0, $0xb8;
	[tilespmem:$0x1C000] =	vst v63  }
0x57: {  	s29 =	simm.s32 $0x10000  }
0x58: {  	[tilespmem:s29], [sflag:$0x2] =	stream.indirect_vreg.gather [hbm4b:s10+s3], $0x80, v5, vm0, $0xb8;
	[tilespmem:$0x1C000] =	vst v63  }
0x59: {  	s30 =	simm.s32 $0x10800  }
0x5a: {  	[tilespmem:s30], [sflag:$0x2] =	stream.indirect_vreg.gather [hbm4b:s11+s3], $0x80, v5, vm0, $0xb8;
	[tilespmem:$0x1C000] =	vst v63  }
0x5b: {  	s31 =	simm.s32 $0x11000  }
0x5c: {  	[tilespmem:s31], [sflag:$0x2] =	stream.indirect_vreg.gather [hbm4b:s12+s3], $0x80, v5, vm0, $0xb8;
	[tilespmem:$0x1C000] =	vst v63  }
0x5d: {  	s22 =	simm.s32 $0x11800  }
0x5e: {  	[tilespmem:s22], [sflag:$0x2] =	stream.indirect_vreg.gather [hbm4b:s13+s3], $0x80, v5, vm0, $0xb8;
	[tilespmem:$0x1C000] =	vst v63  }
0x5f: {  	v5 =	vld [tilespmem:$0x20];
	_ =	sdelay $0x4  }
0x60: {  	v60 =	vshll.u32 v5, $0x4  }
0x61: {  	v5 =	vand.u32 $0x7, v5;
	v6 =	vand.u32 $0xFFFFFF80, v60  }
0x62: {  	v5 =	vor.u32 v5, v6  }
0x63: {  	v6 =	vperm.xlane v5, v0;
	_ =	sdelay $0x1  }
0x64: {  	v6 =	vadd.s32 v1, v6;
	_ =	sdelay $0x3  }
0x65: {  	s23 =	simm.s32 $0x12000  }
0x66: {  	[tilespmem:s23], [sflag:$0x3] =	stream.indirect_vreg.gather [hbm4b:s2+s3], $0x80, v6, vm0, $0xb8;
	[tilespmem:$0x1C000] =	vst v63  }
0x67: {  	s24 =	simm.s32 $0x12800  }
0x68: {  	[tilespmem:s24], [sflag:$0x3] =	stream.indirect_vreg.gather [hbm4b:s7+s3], $0x80, v6, vm0, $0xb8;
	[tilespmem:$0x1C000] =	vst v63  }
0x69: {  	s25 =	simm.s32 $0x13000  }
0x6a: {  	[tilespmem:s25], [sflag:$0x3] =	stream.indirect_vreg.gather [hbm4b:s8+s3], $0x80, v6, vm0, $0xb8;
	[tilespmem:$0x1C000] =	vst v63  }
0x6b: {  	s26 =	simm.s32 $0x13800  }
0x6c: {  	[tilespmem:s26], [sflag:$0x3] =	stream.indirect_vreg.gather [hbm4b:s9+s3], $0x80, v6, vm0, $0xb8;
	[tilespmem:$0x1C000] =	vst v63  }
0x6d: {  	s28 =	simm.s32 $0x14000  }
0x6e: {  	[tilespmem:s28], [sflag:$0x3] =	stream.indirect_vreg.gather [hbm4b:s10+s3], $0x80, v6, vm0, $0xb8;
	[tilespmem:$0x1C000] =	vst v63  }
0x6f: {  	s29 =	simm.s32 $0x14800;
	v5 =	vperm.xlane v5, v2  }
0x70: {  	[tilespmem:s29], [sflag:$0x3] =	stream.indirect_vreg.gather [hbm4b:s11+s3], $0x80, v6, vm0, $0xb8;
	[tilespmem:$0x1C000] =	vst v63  }
0x71: {  	s30 =	simm.s32 $0x15000;
	v5 =	vadd.s32 v1, v5  }
0x72: {  	[tilespmem:s30], [sflag:$0x3] =	stream.indirect_vreg.gather [hbm4b:s12+s3], $0x80, v6, vm0, $0xb8;
	[tilespmem:$0x1C000] =	vst v63  }
0x73: {  	s31 =	simm.s32 $0x15800  }
0x74: {  	[tilespmem:s31], [sflag:$0x3] =	stream.indirect_vreg.gather [hbm4b:s13+s3], $0x80, v6, vm0, $0xb8;
	[tilespmem:$0x1C000] =	vst v63  }
0x75: {  	s22 =	simm.s32 $0x16000  }
0x76: {  	[tilespmem:s22], [sflag:$0x3] =	stream.indirect_vreg.gather [hbm4b:s2+s3], $0x80, v5, vm0, $0xb8;
	[tilespmem:$0x1C000] =	vst v63  }
0x77: {  	s23 =	simm.s32 $0x16800  }
0x78: {  	[tilespmem:s23], [sflag:$0x3] =	stream.indirect_vreg.gather [hbm4b:s7+s3], $0x80, v5, vm0, $0xb8;
	[tilespmem:$0x1C000] =	vst v63  }
0x79: {  	s24 =	simm.s32 $0x17000  }
0x7a: {  	[tilespmem:s24], [sflag:$0x3] =	stream.indirect_vreg.gather [hbm4b:s8+s3], $0x80, v5, vm0, $0xb8;
	[tilespmem:$0x1C000] =	vst v63  }
0x7b: {  	s25 =	simm.s32 $0x17800  }
0x7c: {  	[tilespmem:s25], [sflag:$0x3] =	stream.indirect_vreg.gather [hbm4b:s9+s3], $0x80, v5, vm0, $0xb8;
	[tilespmem:$0x1C000] =	vst v63  }
0x7d: {  	s26 =	simm.s32 $0x18000  }
0x7e: {  	[tilespmem:s26], [sflag:$0x3] =	stream.indirect_vreg.gather [hbm4b:s10+s3], $0x80, v5, vm0, $0xb8;
	[tilespmem:$0x1C000] =	vst v63  }
0x7f: {  	s28 =	simm.s32 $0x18800  }
0x80: {  	[tilespmem:s28], [sflag:$0x3] =	stream.indirect_vreg.gather [hbm4b:s11+s3], $0x80, v5, vm0, $0xb8;
	[tilespmem:$0x1C000] =	vst v63  }
0x81: {  	s29 =	simm.s32 $0x19000  }
0x82: {  	[tilespmem:s29], [sflag:$0x3] =	stream.indirect_vreg.gather [hbm4b:s12+s3], $0x80, v5, vm0, $0xb8;
	[tilespmem:$0x1C000] =	vst v63  }
0x83: {  	s30 =	simm.s32 $0x19800  }
0x84: {  	[tilespmem:s30], [sflag:$0x3] =	stream.indirect_vreg.gather [hbm4b:s13+s3], $0x80, v5, vm0, $0xb8;
	[tilespmem:$0x1C000] =	vst v63  }
0x85: {  	v5 =	vld.msk [tilespmem:$0x30], $0x3;
	_ =	sdelay $0x2  }
0x86: {  	v62 =	vld [tilespmem:$0x1FFE0];
	_ =	sdelay $0x1  }
0x87: {  	v63 =	vld [tilespmem:$0x1FFF0];
	v61 =	vshll.u32 v5, $0x4  }
0x88: {  	v5 =	vand.u32 $0x7, v5;
	v6 =	vand.u32 $0xFFFFFF80, v61  }
0x89: {  	v5 =	vor.u32 v5, v6  }
0x8a: {  	v5 =	vperm.xlane v5, v62;
	_ =	sdelay $0x1  }
0x8b: {  	v5 =	vadd.s32 v63, v5;
	_ =	sdelay $0x3  }
0x8c: {  	s31 =	simm.s32 $0x1A000  }
0x8d: {  	[tilespmem:s31], [sflag:$0x4] =	stream.indirect_vreg.gather [hbm4b:s2+s3], $0x80, v5, vm0, $0xb8;
	[tilespmem:$0x1C000] =	vst v63  }
0x8e: {  	p0 =	por $0x0, $0x0;
	s21 =	simm.s32 $0x0  }
0x8f: {  	[tilespmem:s0], [sflag:$0x4] =	stream.indirect_vreg.gather [hbm4b:s10+s3], $0x80, v5, vm0, $0xb8;
	[tilespmem:$0x1C000] =	vst v63  }
.LBB2_2:
0x90: {  	p1 =	slt.u32 s21, $0x2  }
0x91: {  	s22 =	simm.s32 @!p1 $0x5  }
0x92: {  	_ =	swait.ge @!p1 [sflag:s22], $0x800  }
0x93: {  	[sflag:s22] =	ssyncset.done @!p1 $0x0  }
0x94: {  	[sflag:s22] =	ssyncadd.s32 @!p1 $0xFFFFF800  }
0x95: {  	_ =	swait.ge [sflag:s1], $0x8000  }
0x96: {  	[sflag:s1] =	ssyncset.done $0x0  }
0x97: {  	s29 =	simm.s32 $0x63F0;
	[sflag:s1] =	ssyncadd.s32 $0xFFFF8000  }
0x98: {  	v6 =	vld [tilespmem:s29+$0xFFFFBC80]  }
0x99: {  	v7 =	vld [tilespmem:s29+$0xFFFFBD00]  }
0x9a: {  	v8 =	vld [tilespmem:s29+$0xFFFFBD80]  }
0x9b: {  	v9 =	vld [tilespmem:s29+$0xFFFFBE00]  }
0x9c: {  	v10 =	vld [tilespmem:s29+$0xFFFFBE80]  }
0x9d: {  	v11 =	vld [tilespmem:s29+$0xFFFFBF00]  }
0x9e: {  	v12 =	vld [tilespmem:s29+$0xFFFFBF80]  }
0x9f: {  	v13 =	vld [tilespmem:s29+$0xFFFFC000]  }
0xa0: {  	v14 =	vld [tilespmem:s29+$0xFFFFFC80]  }
0xa1: {  	v15 =	vld [tilespmem:s29+$0xFFFFFD00]  }
0xa2: {  	v16 =	vld [tilespmem:s29+$0xFFFFFD80]  }
0xa3: {  	v17 =	vld [tilespmem:s29+$0xFFFFFE00]  }
0xa4: {  	v18 =	vld [tilespmem:s29+$0xFFFFFE80]  }
0xa5: {  	v19 =	vld [tilespmem:s29+$0xFFFFFF00]  }
0xa6: {  	v20 =	vld [tilespmem:s29+$0xFFFFFF80]  }
0xa7: {  	v21 =	vld [tilespmem:s29+$0x0]  }
0xa8: {  	v5 =	vld [tilespmem:s29+$0xFFFFBC90]  }
0xa9: {  	v22 =	vld [tilespmem:s29+$0xFFFFBD10]  }
0xaa: {  	v23 =	vld [tilespmem:s29+$0xFFFFBD90]  }
0xab: {  	v24 =	vld [tilespmem:s29+$0xFFFFBE10]  }
0xac: {  	v25 =	vld [tilespmem:s29+$0xFFFFBE90]  }
0xad: {  	v26 =	vld [tilespmem:s29+$0xFFFFBF10]  }
0xae: {  	v27 =	vld [tilespmem:s29+$0xFFFFBF90]  }
0xaf: {  	v28 =	vld [tilespmem:s29+$0xFFFFFC10]  }
0xb0: {  	v29 =	vld [tilespmem:s29+$0xFFFFFC90]  }
0xb1: {  	v30 =	vld [tilespmem:s29+$0xFFFFFD10]  }
0xb2: {  	v31 =	vld [tilespmem:s29+$0xFFFFFD90]  }
0xb3: {  	v32 =	vld [tilespmem:s29+$0xFFFFFE10]  }
0xb4: {  	v33 =	vld [tilespmem:s29+$0xFFFFFE90]  }
0xb5: {  	v34 =	vld [tilespmem:s29+$0xFFFFFF10]  }
0xb6: {  	v35 =	vld [tilespmem:s29+$0xFFFFFF90]  }
0xb7: {  	v36 =	vld [tilespmem:s29+$0xFFFFBC20]  }
0xb8: {  	v37 =	vld [tilespmem:s29+$0xFFFFBCA0]  }
0xb9: {  	v38 =	vld [tilespmem:s29+$0xFFFFBD20]  }
0xba: {  	v39 =	vld [tilespmem:s29+$0xFFFFBDA0]  }
0xbb: {  	v40 =	vld [tilespmem:s29+$0xFFFFBE20]  }
0xbc: {  	v41 =	vld [tilespmem:s29+$0xFFFFBEA0]  }
0xbd: {  	v42 =	vld [tilespmem:s29+$0xFFFFBF20]  }
0xbe: {  	v43 =	vld [tilespmem:s29+$0xFFFFBFA0]  }
0xbf: {  	v44 =	vld [tilespmem:s29+$0xFFFFFC20]  }
0xc0: {  	v45 =	vld [tilespmem:s29+$0xFFFFFCA0]  }
0xc1: {  	v46 =	vld [tilespmem:s29+$0xFFFFFD20]  }
0xc2: {  	v47 =	vld [tilespmem:s29+$0xFFFFFDA0]  }
0xc3: {  	v48 =	vld [tilespmem:s29+$0xFFFFFE20]  }
0xc4: {  	v49 =	vld [tilespmem:s29+$0xFFFFFEA0]  }
0xc5: {  	v50 =	vld [tilespmem:s29+$0xFFFFFF20]  }
0xc6: {  	v51 =	vld [tilespmem:s29+$0xFFFFFFA0]  }
0xc7: {  	v52 =	vld [tilespmem:s29+$0xFFFFBC30]  }
0xc8: {  	v53 =	vld [tilespmem:s29+$0xFFFFBCB0]  }
0xc9: {  	v54 =	vld [tilespmem:s29+$0xFFFFBD30]  }
0xca: {  	v55 =	vld [tilespmem:s29+$0xFFFFBDB0]  }
0xcb: {  	v56 =	vld [tilespmem:s29+$0xFFFFBE30]  }
0xcc: {  	v57 =	vld [tilespmem:s29+$0xFFFFBEB0]  }
0xcd: {  	v58 =	vld [tilespmem:s29+$0xFFFFBF30]  }
0xce: {  	v59 =	vld [tilespmem:s29+$0xFFFFBFB0]  }
0xcf: {  	v60 =	vld [tilespmem:s29+$0xFFFFFC30]  }
0xd0: {  	v61 =	vld [tilespmem:s29+$0xFFFFFCB0]  }
0xd1: {  	v62 =	vld [tilespmem:s29+$0xFFFFFD30]  }
0xd2: {  	v1 =	vld [tilespmem:s29+$0xFFFFBC40]  }
0xd3: {  	v63 =	vld [tilespmem:s29+$0xFFFFFDB0]  }
0xd4: {  	v3 =	vld [tilespmem:s29+$0xFFFFFE30]  }
0xd5: {  	v4 =	vld [tilespmem:s29+$0xFFFFFEB0]  }
0xd6: {  	v0 =	vld [tilespmem:s29+$0xFFFFFF30]  }
0xd7: {  	v2 =	vld [tilespmem:s29+$0xFFFFFFB0];
	[tilespmem:$0x1FF20] =	vst v1  }
0xd8: {  	v1 =	vld [tilespmem:s29+$0xFFFFBCC0];
	_ =	sdelay $0x4  }
0xd9: {  	[tilespmem:$0x1FF30] =	vst v1  }
0xda: {  	v1 =	vld [tilespmem:s29+$0xFFFFBD40];
	_ =	sdelay $0x4  }
0xdb: {  	[tilespmem:$0x1FF40] =	vst v1  }
0xdc: {  	v1 =	vld [tilespmem:s29+$0xFFFFBDC0];
	_ =	sdelay $0x4  }
0xdd: {  	[tilespmem:$0x1FF50] =	vst v1  }
0xde: {  	v1 =	vld [tilespmem:s29+$0xFFFFBE40];
	_ =	sdelay $0x4  }
0xdf: {  	[tilespmem:$0x1FF60] =	vst v1  }
0xe0: {  	v1 =	vld [tilespmem:s29+$0xFFFFBEC0];
	_ =	sdelay $0x4  }
0xe1: {  	[tilespmem:$0x1FF70] =	vst v1  }
0xe2: {  	v1 =	vld [tilespmem:s29+$0xFFFFBF40];
	_ =	sdelay $0x4  }
0xe3: {  	[tilespmem:$0x1FF80] =	vst v1  }
0xe4: {  	v1 =	vld [tilespmem:s29+$0xFFFFBFC0]  }
0xe5: {  	v36 =	vadd.f32 v37, v36  }
0xe6: {  	v37 =	vadd.f32 v39, v38;
	v38 =	vadd.f32 v41, v40  }
0xe7: {  	v41 =	vadd.f32 v47, v46;
	v47 =	vadd.f32 v55, v54;
	v54 =	vld [tilespmem:$0x1FF20]  }
0xe8: {  	v39 =	vadd.f32 v43, v42;
	v55 =	vld [tilespmem:$0x1FF30]  }
0xe9: {  	v42 =	vadd.f32 v49, v48;
	v48 =	vadd.f32 v57, v56;
	v56 =	vld [tilespmem:$0x1FF40];
	[tilespmem:$0x1FF90] =	vst v1  }
0xea: {  	v1 =	vld [tilespmem:s29+$0xFFFFFC40]  }
0xeb: {  	v57 =	vld [tilespmem:$0x1FF50]  }
0xec: {  	v49 =	vadd.f32 v59, v58;
	v59 =	vld [tilespmem:$0x1FF60]  }
0xed: {  	v43 =	vadd.f32 v51, v50;
	v50 =	vadd.f32 v61, v60;
	v60 =	vld [tilespmem:$0x1FF70]  }
0xee: {  	v61 =	vld [tilespmem:$0x1FF80]  }
0xef: {  	v51 =	vadd.f32 v63, v62;
	v62 =	vld [tilespmem:$0x1FF90];
	[tilespmem:$0x1FFA0] =	vst v1  }
0xf0: {  	v6 =	vadd.f32 v7, v6;
	v7 =	vadd.f32 v9, v8;
	v9 =	vld [tilespmem:s29+$0xFFFFFCC0]  }
0xf1: {  	v8 =	vadd.f32 v11, v10;
	v10 =	vadd.f32 v13, v12;
	v11 =	vld [tilespmem:s29+$0xFFFFFD40]  }
0xf2: {  	v12 =	vadd.f32 v15, v14;
	v13 =	vadd.f32 v17, v16;
	v14 =	vld [tilespmem:s29+$0xFFFFFDC0]  }
0xf3: {  	v15 =	vadd.f32 v19, v18;
	v16 =	vadd.f32 v21, v20;
	v17 =	vld [tilespmem:s29+$0xFFFFFE40]  }
0xf4: {  	v6 =	vadd.f32 v7, v6;
	v7 =	vadd.f32 v10, v8;
	v10 =	vld [tilespmem:s29+$0xFFFFFEC0]  }
0xf5: {  	v8 =	vadd.f32 v13, v12;
	v12 =	vadd.f32 v16, v15;
	v13 =	vld [tilespmem:s29+$0xFFFFFF40]  }
0xf6: {  	v15 =	vld [tilespmem:s29+$0xFFFFFFC0]  }
0xf7: {  	v8 =	vadd.f32 v12, v8;
	v12 =	vld [tilespmem:s29+$0xFFFFBC50]  }
0xf8: {  	v18 =	vld [tilespmem:s29+$0xFFFFBCD0]  }
0xf9: {  	v20 =	vld [tilespmem:s29+$0xFFFFBD50]  }
0xfa: {  	v7 =	vadd.f32 v7, v6;
	v6 =	vadd.f32 v23, v22;
	v22 =	vld [tilespmem:s29+$0xFFFFBDD0]  }
0xfb: {  	v31 =	vadd.f32 v31, v30;
	v23 =	vld [tilespmem:s29+$0xFFFFBE50]  }
0xfc: {  	v16 =	vadd.f32 v25, v24;
	v19 =	vadd.f32 v8, v7;
	v24 =	vld [tilespmem:s29+$0xFFFFBED0]  }
0xfd: {  	v7 =	vadd.f32 v27, v26;
	v8 =	vadd.f32 v29, v28;
	v27 =	vld [tilespmem:s29+$0xFFFFBF50]  }
0xfe: {  	v25 =	vadd.f32 v37, v36;
	v30 =	vld [tilespmem:s29+$0xFFFFBFD0]  }
0xff: {  	v28 =	vadd.f32 v39, v38;
	v8 =	vadd.f32 v31, v8;
	v31 =	vld [tilespmem:s29+$0xFFFFFC50]  }
0x100: {  	v7 =	vadd.f32 v7, v16;
	v16 =	vadd.f32 v33, v32;
	v32 =	vld [tilespmem:s29+$0xFFFFFCD0]  }
0x101: {  	v1 =	vadd.f32 v35, v34;
	v35 =	vld [tilespmem:s29+$0xFFFFFD50]  }
0x102: {  	v40 =	vadd.f32 v45, v44;
	v44 =	vadd.f32 v28, v25;
	v25 =	vld [tilespmem:s29+$0xFFFFFDD0]  }
0x103: {  	v29 =	vld [tilespmem:s29+$0xFFFFFE50]  }
0x104: {  	v36 =	vld [tilespmem:s29+$0xFFFFFED0]  }
0x105: {  	v45 =	vadd.f32 v43, v42;
	v26 =	vadd.f32 v41, v40;
	v37 =	vld [tilespmem:s29+$0xFFFFFF50]  }
0x106: {  	v3 =	vadd.f32 v4, v3;
	v38 =	vld [tilespmem:s29+$0xFFFFFFD0]  }
0x107: {  	v0 =	vadd.f32 v2, v0;
	v26 =	vadd.f32 v45, v26;
	v41 =	vld [tilespmem:s29+$0xFFFFBC60]  }
0x108: {  	v46 =	vadd.f32 v53, v52;
	v53 =	vadd.f32 v51, v50;
	v2 =	vld [tilespmem:s29+$0xFFFFBCE0]  }
0x109: {  	v0 =	vadd.f32 v0, v3;
	v4 =	vadd.f32 v26, v44;
	v26 =	vld [tilespmem:s29+$0xFFFFBD60]  }
0x10a: {  	v52 =	vadd.f32 v49, v48;
	v33 =	vadd.f32 v47, v46;
	v3 =	vld [tilespmem:s29+$0xFFFFBDE0]  }
0x10b: {  	v0 =	vadd.f32 v0, v53;
	v43 =	vld [tilespmem:$0x1FFA0]  }
0x10c: {  	v21 =	vadd.f32 v52, v33;
	v28 =	vadd.f32 v57, v56;
	v33 =	vld [tilespmem:s29+$0xFFFFBE60]  }
0x10d: {  	v39 =	vadd.f32 v60, v59;
	v40 =	vadd.f32 v62, v61;
	v58 =	vld [tilespmem:s29+$0xFFFFBEE0]  }
0x10e: {  	v63 =	vld [tilespmem:s29+$0xFFFFBF60];
	v16 =	vadd.f32 v1, v16;
	v1 =	vadd.f32 v55, v54  }
0x10f: {  	v0 =	vadd.f32 v0, v21;
	v44 =	vld [tilespmem:s29+$0xFFFFBFE0];
	v39 =	vadd.f32 v40, v39  }
0x110: {  	v45 =	vld [tilespmem:s29+$0xFFFFFEE0];
	v1 =	vadd.f32 v28, v1;
	v9 =	vadd.f32 v9, v43  }
0x111: {  	v46 =	vld [tilespmem:s29+$0xFFFFFF60];
	v11 =	vadd.f32 v14, v11;
	v10 =	vadd.f32 v10, v17  }
0x112: {  	v49 =	vld [tilespmem:s29+$0xFFFFFFE0];
	v13 =	vadd.f32 v15, v13;
	v1 =	vadd.f32 v39, v1  }
0x113: {  	v52 =	vld [tilespmem:s29+$0xFFFFBC70];
	v12 =	vadd.f32 v18, v12;
	v47 =	vadd.f32 v32, v31  }
0x114: {  	v59 =	vld [tilespmem:s29+$0xFFFFBFF0];
	v48 =	vadd.f32 v25, v35;
	v50 =	vadd.f32 v36, v29  }
0x115: {  	v54 =	vld [tilespmem:s29+$0xFFFFBD70];
	v51 =	vadd.f32 v38, v37;
	v2 =	vadd.f32 v2, v41  }
0x116: {  	v14 =	vld [tilespmem:s29+$0xFFFFFC60];
	v3 =	vadd.f32 v3, v26;
	v56 =	vadd.f32 v58, v33  }
0x117: {  	v15 =	vld [tilespmem:s29+$0xFFFFFCE0];
	v9 =	vadd.f32 v11, v9;
	v10 =	vadd.f32 v13, v10  }
0x118: {  	v17 =	vld [tilespmem:s29+$0xFFFFFD60];
	v57 =	vadd.f32 v44, v63;
	v13 =	vadd.f32 v22, v20  }
0x119: {  	v11 =	vld [tilespmem:s29+$0xFFFFFDE0];
	v9 =	vadd.f32 v10, v9;
	v10 =	vadd.f32 v24, v23  }
0x11a: {  	v18 =	vld [tilespmem:s29+$0xFFFFFE60];
	v12 =	vadd.f32 v13, v12;
	v13 =	vadd.f32 v30, v27  }
0x11b: {  	v55 =	vld [tilespmem:s29+$0xFFFFBE70];
	v53 =	vadd.f32 v51, v50;
	v2 =	vadd.f32 v3, v2  }
0x11c: {  	v58 =	vld [tilespmem:s29+$0xFFFFBEF0];
	v1 =	vadd.f32 v9, v1;
	v9 =	vadd.f32 v13, v10  }
0x11d: {  	v3 =	vadd.f32 v57, v56;
	v14 =	vadd.f32 v15, v14;
	v10 =	vld [tilespmem:s29+$0xFFFFBCF0]  }
0x11e: {  	v11 =	vadd.f32 v11, v17;
	v12 =	vadd.f32 v9, v12;
	v9 =	vld [tilespmem:s29+$0xFFFFBDF0]  }
0x11f: {  	s22 =	simm.s32 $0x1;
	v15 =	vld [tilespmem:s29+$0xFFFFBF70];
	v17 =	vadd.f32 v45, v18;
	v18 =	vadd.f32 v49, v46  }
0x120: {  	s22 =	simm.s32 @!p0 $0x0;
	v60 =	vld [tilespmem:s29+$0xFFFFFC70];
	v2 =	vadd.f32 v3, v2;
	v13 =	vadd.f32 v48, v47  }
0x121: {  	s22 =	sshll.u32 s22, $0x7;
	v11 =	vadd.f32 v11, v14;
	v14 =	vadd.f32 v18, v17;
	v17 =	vld [tilespmem:s29+$0xFFFFFCF0]  }
0x122: {  	s26 =	sor.u32 $0x1B040, s22;
	v13 =	vadd.f32 v53, v13;
	v18 =	vld [tilespmem:s29+$0xFFFFFDF0];
	v3 =	vadd.f32 v10, v52  }
0x123: {  	[tilespmem:s26+$0x30] =	vst v19;
	v10 =	vld [tilespmem:s29+$0xFFFFFD70];
	v14 =	vadd.f32 v14, v11;
	v11 =	vadd.f32 v9, v54  }
0x124: {  	[tilespmem:s26+$0xFFFFFFD0] =	vst v4;
	v4 =	vadd.f32 v58, v55;
	v15 =	vadd.f32 v59, v15;
	v9 =	vld [tilespmem:s29+$0xFFFFFE70]  }
0x125: {  	[tilespmem:s26+$0xFFFFFFE0] =	vst v0;
	v61 =	vadd.f32 v13, v12;
	v3 =	vadd.f32 v11, v3;
	v11 =	vld [tilespmem:s29+$0xFFFFFEF0]  }
0x126: {  	s23 =	sshll.u32 s21, $0x7;
	s28 =	sshll.u32 s21, $0x9;
	[tilespmem:s26+$0xFFFFFFF0] =	vst v1;
	v12 =	vld [tilespmem:s29+$0xFFFFFF70];
	v63 =	vadd.f32 v15, v4;
	v62 =	vadd.f32 v14, v2  }
0x127: {  	s24 =	sor.u32 $0x1B000, s22;
	s31 =	sor.u32 $0x1B070, s22;
	s22 =	sand.u32 $0x80, s23;
	v8 =	vadd.f32 v16, v8;
	[tilespmem:s26+$0x0] =	vst v61;
	v14 =	vld [tilespmem:s29+$0xFFFFFFF0];
	v13 =	vadd.f32 v17, v60  }
0x128: {  	s25 =	simm.s32 $0x0;
	s23 =	sor.u32 $0x1B000, s22;
	v15 =	vld [tilespmem:s29+$0xFFFFBC10];
	[tilespmem:s26+$0x10] =	vst v62;
	s29 =	simm.s32 $0x67F0;
	v16 =	vadd.f32 v18, v10;
	v10 =	vadd.f32 v63, v3  }
.LBB2_3:
0x129: {  	v0 =	vld [tilespmem:s29+$0xFFFFBC80]  }
0x12a: {  	v1 =	vld [tilespmem:s29+$0xFFFFBD00];
	v2 =	vadd.f32 v11, v9;
	v3 =	vadd.f32 v16, v13  }
0x12b: {  	v4 =	vld [tilespmem:s29+$0xFFFFBD80]  }
0x12c: {  	v9 =	vld [tilespmem:s29+$0xFFFFBE00];
	v11 =	vadd.f32 v14, v12  }
0x12d: {  	v12 =	vld [tilespmem:s29+$0xFFFFBE80];
	v5 =	vadd.f32 v5, v15  }
0x12e: {  	v13 =	vld [tilespmem:s29+$0xFFFFBF00];
	v2 =	vadd.f32 v11, v2  }
0x12f: {  	v11 =	vld [tilespmem:s29+$0xFFFFBF80];
	v5 =	vadd.f32 v6, v5  }
0x130: {  	v6 =	vld [tilespmem:s29+$0xFFFFC000];
	v2 =	vadd.f32 v2, v3  }
0x131: {  	v3 =	vld [tilespmem:s29+$0xFFFFFC80];
	v5 =	vadd.f32 v7, v5  }
0x132: {  	v7 =	vld [tilespmem:s29+$0xFFFFFD00];
	v2 =	vadd.f32 v2, v10  }
0x133: {  	v10 =	vld [tilespmem:s29+$0xFFFFFD80];
	v5 =	vadd.f32 v8, v5  }
0x134: {  	v8 =	vld [tilespmem:s29+$0xFFFFFE00];
	[tilespmem:s26+$0x20] =	vst v2  }
0x135: {  	v2 =	vld [tilespmem:s29+$0xFFFFFE80];
	[tilespmem:s26+$0xFFFFFFC0] =	vst v5  }
0x136: {  	v14 =	vld [tilespmem:s29+$0xFFFFFF00]  }
0x137: {  	v15 =	vld [tilespmem:s29+$0xFFFFFF80]  }
0x138: {  	s25 =	sadd.s32 $0x8, s25;
	v16 =	vld [tilespmem:s29+$0x0]  }
0x139: {  	p1 =	slt.u32 s25, $0x78;
	v5 =	vld [tilespmem:s29+$0xFFFFBC90]  }
0x13a: {  	v0 =	vadd.f32 v1, v0;
	v1 =	vadd.f32 v9, v4;
	v17 =	vld [tilespmem:s29+$0xFFFFBD10]  }
0x13b: {  	v9 =	vadd.f32 v13, v12;
	v6 =	vadd.f32 v6, v11;
	v4 =	vld [tilespmem:s29+$0xFFFFBD90]  }
0x13c: {  	v3 =	vadd.f32 v7, v3;
	v7 =	vadd.f32 v8, v10;
	v11 =	vld [tilespmem:s29+$0xFFFFBE10]  }
0x13d: {  	v2 =	vadd.f32 v14, v2;
	v8 =	vld [tilespmem:s29+$0xFFFFBE90];
	v10 =	vadd.f32 v16, v15  }
0x13e: {  	v0 =	vadd.f32 v1, v0;
	v1 =	vadd.f32 v6, v9;
	v12 =	vld [tilespmem:s29+$0xFFFFBF10]  }
0x13f: {  	v3 =	vadd.f32 v7, v3;
	v9 =	vld [tilespmem:s29+$0xFFFFBF90];
	v2 =	vadd.f32 v10, v2  }
0x140: {  	v7 =	vld [tilespmem:s29+$0xFFFFFC10];
	v6 =	vadd.f32 v4, v17  }
0x141: {  	v0 =	vadd.f32 v1, v0;
	v4 =	vld [tilespmem:s29+$0xFFFFFC90];
	v1 =	vadd.f32 v2, v3  }
0x142: {  	v2 =	vld [tilespmem:s29+$0xFFFFFD10];
	v3 =	vadd.f32 v8, v11  }
0x143: {  	v8 =	vld [tilespmem:s29+$0xFFFFFD90];
	v0 =	vadd.f32 v1, v0  }
0x144: {  	s26 =	sadd.s32 $0x100, s26;
	v1 =	vld [tilespmem:s29+$0xFFFFFE10];
	v9 =	vadd.f32 v9, v12  }
0x145: {  	v10 =	vld [tilespmem:s29+$0xFFFFFE90];
	[tilespmem:s26+$0x30] =	vst v0  }
0x146: {  	v0 =	vld [tilespmem:s29+$0xFFFFFF10];
	v4 =	vadd.f32 v4, v7;
	v7 =	vadd.f32 v9, v3  }
0x147: {  	v3 =	vld [tilespmem:s29+$0xFFFFFF90]  }
0x148: {  	v2 =	vadd.f32 v8, v2;
	v8 =	vld [tilespmem:s29+$0xFFFFBC20]  }
0x149: {  	v9 =	vld [tilespmem:s29+$0xFFFFBCA0]  }
0x14a: {  	v1 =	vadd.f32 v10, v1;
	v2 =	vadd.f32 v2, v4;
	v4 =	vld [tilespmem:s29+$0xFFFFBD20]  }
0x14b: {  	v10 =	vld [tilespmem:s29+$0xFFFFBDA0]  }
0x14c: {  	v0 =	vadd.f32 v3, v0;
	v3 =	vld [tilespmem:s29+$0xFFFFBE20]  }
0x14d: {  	v11 =	vld [tilespmem:s29+$0xFFFFBEA0]  }
0x14e: {  	v0 =	vadd.f32 v0, v1;
	v1 =	vld [tilespmem:s29+$0xFFFFBF20];
	v9 =	vadd.f32 v9, v8  }
0x14f: {  	v12 =	vld [tilespmem:s29+$0xFFFFBFA0]  }
0x150: {  	v8 =	vadd.f32 v0, v2;
	v0 =	vld [tilespmem:s29+$0xFFFFFC20];
	v2 =	vadd.f32 v10, v4  }
0x151: {  	v4 =	vld [tilespmem:s29+$0xFFFFFCA0]  }
0x152: {  	v10 =	vld [tilespmem:s29+$0xFFFFFD20];
	v3 =	vadd.f32 v11, v3;
	v2 =	vadd.f32 v2, v9  }
0x153: {  	v9 =	vld [tilespmem:s29+$0xFFFFFDA0]  }
0x154: {  	v11 =	vld [tilespmem:s29+$0xFFFFFE20];
	v1 =	vadd.f32 v12, v1  }
0x155: {  	v12 =	vld [tilespmem:s29+$0xFFFFFEA0]  }
0x156: {  	v13 =	vld [tilespmem:s29+$0xFFFFFF20];
	v0 =	vadd.f32 v4, v0;
	v1 =	vadd.f32 v1, v3  }
0x157: {  	v3 =	vld [tilespmem:s29+$0xFFFFFFA0]  }
0x158: {  	v4 =	vadd.f32 v9, v10;
	v1 =	vadd.f32 v1, v2;
	v2 =	vld [tilespmem:s29+$0xFFFFBC30]  }
0x159: {  	v9 =	vld [tilespmem:s29+$0xFFFFBCB0]  }
0x15a: {  	v10 =	vadd.f32 v12, v11;
	v0 =	vadd.f32 v4, v0;
	v4 =	vld [tilespmem:s29+$0xFFFFBD30]  }
0x15b: {  	v11 =	vld [tilespmem:s29+$0xFFFFBDB0]  }
0x15c: {  	v3 =	vadd.f32 v3, v13;
	v12 =	vld [tilespmem:s29+$0xFFFFBE30]  }
0x15d: {  	v13 =	vld [tilespmem:s29+$0xFFFFBEB0]  }
0x15e: {  	v3 =	vadd.f32 v3, v10;
	v10 =	vld [tilespmem:s29+$0xFFFFBF30];
	v2 =	vadd.f32 v9, v2  }
0x15f: {  	v9 =	vld [tilespmem:s29+$0xFFFFBFB0]  }
0x160: {  	v0 =	vadd.f32 v3, v0;
	v3 =	vld [tilespmem:s29+$0xFFFFFC30];
	v4 =	vadd.f32 v11, v4  }
0x161: {  	v11 =	vld [tilespmem:s29+$0xFFFFFCB0]  }
0x162: {  	v14 =	vld [tilespmem:s29+$0xFFFFFD30];
	v12 =	vadd.f32 v13, v12;
	v2 =	vadd.f32 v4, v2  }
0x163: {  	v0 =	vadd.f32 v0, v1;
	v1 =	vld [tilespmem:s29+$0xFFFFFDB0]  }
0x164: {  	v4 =	vld [tilespmem:s29+$0xFFFFFE30];
	v9 =	vadd.f32 v9, v10  }
0x165: {  	[tilespmem:s26+$0xFFFFFFD0] =	vst v0;
	v0 =	vld [tilespmem:s29+$0xFFFFFEB0]  }
0x166: {  	v10 =	vld [tilespmem:s29+$0xFFFFFF30];
	v3 =	vadd.f32 v11, v3;
	v9 =	vadd.f32 v9, v12  }
0x167: {  	v11 =	vld [tilespmem:s29+$0xFFFFFFB0]  }
0x168: {  	v1 =	vadd.f32 v1, v14;
	v2 =	vadd.f32 v9, v2;
	v9 =	vld [tilespmem:s29+$0xFFFFBC40]  }
0x169: {  	v12 =	vld [tilespmem:s29+$0xFFFFBCC0]  }
0x16a: {  	v0 =	vadd.f32 v0, v4;
	v1 =	vadd.f32 v1, v3;
	v3 =	vld [tilespmem:s29+$0xFFFFBD40]  }
0x16b: {  	v4 =	vld [tilespmem:s29+$0xFFFFBDC0]  }
0x16c: {  	v10 =	vadd.f32 v11, v10;
	v11 =	vld [tilespmem:s29+$0xFFFFBE40]  }
0x16d: {  	v13 =	vld [tilespmem:s29+$0xFFFFBEC0]  }
0x16e: {  	v0 =	vadd.f32 v10, v0;
	v10 =	vld [tilespmem:s29+$0xFFFFBF40];
	v9 =	vadd.f32 v12, v9  }
0x16f: {  	v12 =	vld [tilespmem:s29+$0xFFFFBFC0]  }
0x170: {  	v0 =	vadd.f32 v0, v1;
	v1 =	vld [tilespmem:s29+$0xFFFFFC40];
	v3 =	vadd.f32 v4, v3  }
0x171: {  	v4 =	vld [tilespmem:s29+$0xFFFFFCC0]  }
0x172: {  	v14 =	vld [tilespmem:s29+$0xFFFFFD40];
	v11 =	vadd.f32 v13, v11;
	v3 =	vadd.f32 v3, v9  }
0x173: {  	v0 =	vadd.f32 v0, v2;
	v2 =	vld [tilespmem:s29+$0xFFFFFDC0]  }
0x174: {  	v9 =	vld [tilespmem:s29+$0xFFFFFE40];
	v10 =	vadd.f32 v12, v10  }
0x175: {  	[tilespmem:s26+$0xFFFFFFE0] =	vst v0;
	v0 =	vld [tilespmem:s29+$0xFFFFFEC0]  }
0x176: {  	v12 =	vld [tilespmem:s29+$0xFFFFFF40];
	v1 =	vadd.f32 v4, v1;
	v4 =	vadd.f32 v10, v11  }
0x177: {  	v10 =	vld [tilespmem:s29+$0xFFFFFFC0]  }
0x178: {  	v2 =	vadd.f32 v2, v14;
	v3 =	vadd.f32 v4, v3;
	v4 =	vld [tilespmem:s29+$0xFFFFBC50]  }
0x179: {  	v11 =	vld [tilespmem:s29+$0xFFFFBCD0]  }
0x17a: {  	v0 =	vadd.f32 v0, v9;
	v1 =	vadd.f32 v2, v1;
	v2 =	vld [tilespmem:s29+$0xFFFFBD50]  }
0x17b: {  	v9 =	vld [tilespmem:s29+$0xFFFFBDD0]  }
0x17c: {  	v10 =	vadd.f32 v10, v12;
	v12 =	vld [tilespmem:s29+$0xFFFFBE50]  }
0x17d: {  	v13 =	vld [tilespmem:s29+$0xFFFFBED0]  }
0x17e: {  	v0 =	vadd.f32 v10, v0;
	v10 =	vld [tilespmem:s29+$0xFFFFBF50];
	v4 =	vadd.f32 v11, v4  }
0x17f: {  	v11 =	vld [tilespmem:s29+$0xFFFFBFD0]  }
0x180: {  	v0 =	vadd.f32 v0, v1;
	v1 =	vld [tilespmem:s29+$0xFFFFFC50];
	v2 =	vadd.f32 v9, v2  }
0x181: {  	v9 =	vld [tilespmem:s29+$0xFFFFFCD0]  }
0x182: {  	v14 =	vld [tilespmem:s29+$0xFFFFFD50];
	v12 =	vadd.f32 v13, v12;
	v2 =	vadd.f32 v2, v4  }
0x183: {  	v0 =	vadd.f32 v0, v3;
	v3 =	vld [tilespmem:s29+$0xFFFFFDD0]  }
0x184: {  	v4 =	vld [tilespmem:s29+$0xFFFFFE50];
	v10 =	vadd.f32 v11, v10  }
0x185: {  	[tilespmem:s26+$0xFFFFFFF0] =	vst v0;
	v0 =	vld [tilespmem:s29+$0xFFFFFED0]  }
0x186: {  	v11 =	vld [tilespmem:s29+$0xFFFFFF50];
	v1 =	vadd.f32 v9, v1;
	v9 =	vadd.f32 v10, v12  }
0x187: {  	v10 =	vld [tilespmem:s29+$0xFFFFFFD0]  }
0x188: {  	v3 =	vadd.f32 v3, v14;
	v2 =	vadd.f32 v9, v2;
	v9 =	vld [tilespmem:s29+$0xFFFFBC60]  }
0x189: {  	v12 =	vld [tilespmem:s29+$0xFFFFBCE0]  }
0x18a: {  	v0 =	vadd.f32 v0, v4;
	v1 =	vadd.f32 v3, v1;
	v3 =	vld [tilespmem:s29+$0xFFFFBD60]  }
0x18b: {  	v4 =	vld [tilespmem:s29+$0xFFFFBDE0]  }
0x18c: {  	v10 =	vadd.f32 v10, v11;
	v11 =	vld [tilespmem:s29+$0xFFFFBE60]  }
0x18d: {  	v13 =	vld [tilespmem:s29+$0xFFFFBEE0]  }
0x18e: {  	v0 =	vadd.f32 v10, v0;
	v10 =	vld [tilespmem:s29+$0xFFFFBF60];
	v9 =	vadd.f32 v12, v9  }
0x18f: {  	v12 =	vld [tilespmem:s29+$0xFFFFBFE0]  }
0x190: {  	v0 =	vadd.f32 v0, v1;
	v1 =	vld [tilespmem:s29+$0xFFFFFC60];
	v3 =	vadd.f32 v4, v3  }
0x191: {  	v4 =	vld [tilespmem:s29+$0xFFFFFCE0]  }
0x192: {  	v14 =	vld [tilespmem:s29+$0xFFFFFD60];
	v11 =	vadd.f32 v13, v11;
	v3 =	vadd.f32 v3, v9  }
0x193: {  	v0 =	vadd.f32 v0, v2;
	v2 =	vld [tilespmem:s29+$0xFFFFFDE0]  }
0x194: {  	v9 =	vld [tilespmem:s29+$0xFFFFFE60];
	v10 =	vadd.f32 v12, v10  }
0x195: {  	[tilespmem:s26+$0x0] =	vst v0;
	v0 =	vld [tilespmem:s29+$0xFFFFFEE0]  }
0x196: {  	v12 =	vld [tilespmem:s29+$0xFFFFFF60];
	v1 =	vadd.f32 v4, v1;
	v4 =	vadd.f32 v10, v11  }
0x197: {  	v10 =	vld [tilespmem:s29+$0xFFFFFFE0]  }
0x198: {  	v2 =	vadd.f32 v2, v14;
	v3 =	vadd.f32 v4, v3;
	v4 =	vld [tilespmem:s29+$0xFFFFBC70]  }
0x199: {  	v11 =	vld [tilespmem:s29+$0xFFFFBCF0]  }
0x19a: {  	v0 =	vadd.f32 v0, v9;
	v1 =	vadd.f32 v2, v1;
	v2 =	vld [tilespmem:s29+$0xFFFFBD70]  }
0x19b: {  	v9 =	vld [tilespmem:s29+$0xFFFFBDF0]  }
0x19c: {  	v10 =	vadd.f32 v10, v12;
	v12 =	vld [tilespmem:s29+$0xFFFFBE70]  }
0x19d: {  	v13 =	vld [tilespmem:s29+$0xFFFFBEF0]  }
0x19e: {  	v0 =	vadd.f32 v10, v0;
	v10 =	vld [tilespmem:s29+$0xFFFFBF70];
	v4 =	vadd.f32 v11, v4  }
0x19f: {  	v11 =	vld [tilespmem:s29+$0xFFFFBFF0]  }
0x1a0: {  	v0 =	vadd.f32 v0, v1;
	v1 =	vld [tilespmem:s29+$0xFFFFFC70];
	v2 =	vadd.f32 v9, v2  }
0x1a1: {  	v14 =	vld [tilespmem:s29+$0xFFFFFCF0]  }
0x1a2: {  	v16 =	vld [tilespmem:s29+$0xFFFFFD70];
	v15 =	vadd.f32 v13, v12;
	v2 =	vadd.f32 v2, v4  }
0x1a3: {  	v0 =	vadd.f32 v0, v3;
	v3 =	vld [tilespmem:s29+$0xFFFFFDF0]  }
.Ltmp0:
0x1a4: {  	v9 =	vld [tilespmem:s29+$0xFFFFFE70];
	v4 =	vadd.f32 v11, v10;
	(pc) =	sbr.rel @p1 .LBB2_3-.Ltmp0, $4  }
0x1a5: {  	[tilespmem:s26+$0x10] =	vst v0;
	v11 =	vld [tilespmem:s29+$0xFFFFFEF0]  }
0x1a6: {  	v12 =	vld [tilespmem:s29+$0xFFFFFF70];
	v13 =	vadd.f32 v14, v1;
	v0 =	vadd.f32 v4, v15  }
0x1a7: {  	v14 =	vld [tilespmem:s29+$0xFFFFFFF0]  }
0x1a8: {  	v15 =	vld [tilespmem:s29+$0xFFFFBC10];
	v16 =	vadd.f32 v3, v16;
	v10 =	vadd.f32 v0, v2;
	s29 =	sadd.s32 $0x400, s29  }
0x1a9: {  	_ =	sdelay $0x2  }
0x1aa: {  	v0 =	vadd.f32 v11, v9;
	v1 =	vadd.f32 v14, v12  }
0x1ab: {  	v2 =	vadd.f32 v5, v15  }
0x1ac: {  	v3 =	vadd.f32 v16, v13;
	v0 =	vadd.f32 v1, v0  }
0x1ad: {  	v27 =	vadd.f32 v6, v2  }
0x1ae: {  	v0 =	vadd.f32 v0, v3  }
0x1af: {  	v1 =	vadd.f32 v7, v27  }
0x1b0: {  	v0 =	vadd.f32 v0, v10  }
0x1b1: {  	v1 =	vadd.f32 v8, v1  }
0x1b2: {  	p1 =	seq.s32 s21, $0x3F;
	[tilespmem:s26+$0x20] =	vst v0  }
0x1b3: {  	[tilespmem:s26+$0xFFFFFFC0] =	vst v1;
	s26 =	sshra.s32 @!p1 s28, $0x2  }
0x1b4: {  	v0 =	vld @!p1 [tilespmem:s26+$0x80];
	_ =	sdelay $0x4  }
0x1b5: {  	v1 =	vshll.u32 @!p1 v0, $0x4  }
0x1b6: {  	v2 =	vlaneseq.u32 @!p1;
	v0 =	vand.u32 @!p1 $0x7, v0;
	v1 =	vand.u32 @!p1 $0xFFFFFF80, v1  }
0x1b7: {  	v3 =	vshrl.u32 @!p1 v2, $0x3;
	v0 =	vor.u32 @!p1 v0, v1;
	v1 =	vand.u32 @!p1 $0x7, v2  }
0x1b8: {  	v3 =	vmul.u32 @!p1 $0x8, v3;
	v1 =	vperm.xlane @!p1 v0, v1;
	_ =	sdelay $0x1  }
0x1b9: {  	v1 =	vadd.s32 @!p1 v3, v1;
	_ =	sdelay $0x3  }
0x1ba: {  	vm1 =	vmmov @!p1 $0xffff;
	s25 =	simm.s32 @!p1 $0x0;
	s28 =	simm.s32 @!p1 $0x2000  }
0x1bb: {  	[tilespmem:s28], [sflag:$0x1] =	stream.indirect_vreg.gather @!p1 [hbm4b:s2+s25], $0x80, v1, vm1, $0xb8;
	[tilespmem:$0x1C000] =	vst v63  }
0x1bc: {  	s28 =	simm.s32 @!p1 $0x2800  }
0x1bd: {  	[tilespmem:s28], [sflag:$0x1] =	stream.indirect_vreg.gather @!p1 [hbm4b:s7+s25], $0x80, v1, vm1, $0xb8;
	[tilespmem:$0x1C000] =	vst v63  }
0x1be: {  	s28 =	simm.s32 @!p1 $0x3000  }
0x1bf: {  	[tilespmem:s28], [sflag:$0x1] =	stream.indirect_vreg.gather @!p1 [hbm4b:s8+s25], $0x80, v1, vm1, $0xb8;
	[tilespmem:$0x1C000] =	vst v63  }
0x1c0: {  	s28 =	simm.s32 @!p1 $0x3800  }
0x1c1: {  	[tilespmem:s28], [sflag:$0x1] =	stream.indirect_vreg.gather @!p1 [hbm4b:s9+s25], $0x80, v1, vm1, $0xb8;
	[tilespmem:$0x1C000] =	vst v63  }
0x1c2: {  	s28 =	simm.s32 @!p1 $0x4000  }
0x1c3: {  	v2 =	vor.u32 @!p1 $0x8, v2;
	[tilespmem:s28], [sflag:$0x1] =	stream.indirect_vreg.gather @!p1 [hbm4b:s10+s25], $0x80, v1, vm1, $0xb8;
	[tilespmem:$0x1C000] =	vst v63  }
0x1c4: {  	v0 =	vperm.xlane @!p1 v0, v2;
	s28 =	simm.s32 @!p1 $0x4800  }
0x1c5: {  	[tilespmem:s28], [sflag:$0x1] =	stream.indirect_vreg.gather @!p1 [hbm4b:s11+s25], $0x80, v1, vm1, $0xb8;
	[tilespmem:$0x1C000] =	vst v63  }
0x1c6: {  	v0 =	vadd.s32 @!p1 v3, v0;
	s28 =	simm.s32 @!p1 $0x5000  }
0x1c7: {  	[tilespmem:s28], [sflag:$0x1] =	stream.indirect_vreg.gather @!p1 [hbm4b:s12+s25], $0x80, v1, vm1, $0xb8;
	[tilespmem:$0x1C000] =	vst v63  }
0x1c8: {  	s28 =	simm.s32 @!p1 $0x5800  }
0x1c9: {  	[tilespmem:s28], [sflag:$0x1] =	stream.indirect_vreg.gather @!p1 [hbm4b:s13+s25], $0x80, v1, vm1, $0xb8;
	[tilespmem:$0x1C000] =	vst v63  }
0x1ca: {  	s28 =	simm.s32 @!p1 $0x6000  }
0x1cb: {  	[tilespmem:s28], [sflag:$0x1] =	stream.indirect_vreg.gather @!p1 [hbm4b:s2+s25], $0x80, v0, vm1, $0xb8;
	[tilespmem:$0x1C000] =	vst v63  }
0x1cc: {  	s28 =	simm.s32 @!p1 $0x6800  }
0x1cd: {  	[tilespmem:s28], [sflag:$0x1] =	stream.indirect_vreg.gather @!p1 [hbm4b:s7+s25], $0x80, v0, vm1, $0xb8;
	[tilespmem:$0x1C000] =	vst v63  }
0x1ce: {  	s28 =	simm.s32 @!p1 $0x7000  }
0x1cf: {  	[tilespmem:s28], [sflag:$0x1] =	stream.indirect_vreg.gather @!p1 [hbm4b:s8+s25], $0x80, v0, vm1, $0xb8;
	[tilespmem:$0x1C000] =	vst v63  }
0x1d0: {  	s28 =	simm.s32 @!p1 $0x7800  }
0x1d1: {  	[tilespmem:s28], [sflag:$0x1] =	stream.indirect_vreg.gather @!p1 [hbm4b:s9+s25], $0x80, v0, vm1, $0xb8;
	[tilespmem:$0x1C000] =	vst v63  }
0x1d2: {  	s28 =	simm.s32 @!p1 $0x8000  }
0x1d3: {  	[tilespmem:s28], [sflag:$0x1] =	stream.indirect_vreg.gather @!p1 [hbm4b:s10+s25], $0x80, v0, vm1, $0xb8;
	[tilespmem:$0x1C000] =	vst v63  }
0x1d4: {  	s28 =	simm.s32 @!p1 $0x8800  }
0x1d5: {  	[tilespmem:s28], [sflag:$0x1] =	stream.indirect_vreg.gather @!p1 [hbm4b:s11+s25], $0x80, v0, vm1, $0xb8;
	[tilespmem:$0x1C000] =	vst v63  }
0x1d6: {  	s28 =	simm.s32 @!p1 $0x9000  }
0x1d7: {  	[tilespmem:s28], [sflag:$0x1] =	stream.indirect_vreg.gather @!p1 [hbm4b:s12+s25], $0x80, v0, vm1, $0xb8;
	[tilespmem:$0x1C000] =	vst v63  }
0x1d8: {  	s28 =	simm.s32 @!p1 $0x9800  }
0x1d9: {  	[tilespmem:s28], [sflag:$0x1] =	stream.indirect_vreg.gather @!p1 [hbm4b:s13+s25], $0x80, v0, vm1, $0xb8;
	[tilespmem:$0x1C000] =	vst v63  }
0x1da: {  	_ =	swait.ge [sflag:s16], $0x8000  }
0x1db: {  	[sflag:s16] =	ssyncset.done $0x0  }
0x1dc: {  	s25 =	simm.s32 $0xE3F0;
	[sflag:s16] =	ssyncadd.s32 $0xFFFF8000  }
0x1dd: {  	v0 =	vld [tilespmem:s25+$0xFFFFBC80]  }
0x1de: {  	v1 =	vld [tilespmem:s25+$0xFFFFBD00]  }
0x1df: {  	v2 =	vld [tilespmem:s25+$0xFFFFBD80]  }
0x1e0: {  	v3 =	vld [tilespmem:s25+$0xFFFFBE00]  }
0x1e1: {  	v4 =	vld [tilespmem:s25+$0xFFFFBE80]  }
0x1e2: {  	v5 =	vld [tilespmem:s25+$0xFFFFBF00]  }
0x1e3: {  	v6 =	vld [tilespmem:s25+$0xFFFFBF80]  }
0x1e4: {  	v8 =	vld [tilespmem:s25+$0xFFFFC000]  }
0x1e5: {  	v9 =	vld [tilespmem:s25+$0xFFFFFC80]  }
0x1e6: {  	v10 =	vld [tilespmem:s25+$0xFFFFFD00]  }
0x1e7: {  	v11 =	vld [tilespmem:s25+$0xFFFFFD80]  }
0x1e8: {  	v7 =	vld [tilespmem:s25+$0xFFFFBC90]  }
0x1e9: {  	v12 =	vld [tilespmem:s25+$0xFFFFFE00]  }
0x1ea: {  	v13 =	vld [tilespmem:s25+$0xFFFFFE80]  }
0x1eb: {  	v14 =	vld [tilespmem:s25+$0xFFFFFF00]  }
0x1ec: {  	v15 =	vld [tilespmem:s25+$0xFFFFFF80]  }
0x1ed: {  	v16 =	vld [tilespmem:s25+$0x0];
	[tilespmem:$0x1FF10] =	vst v7  }
0x1ee: {  	v17 =	vld [tilespmem:s25+$0xFFFFBD10]  }
0x1ef: {  	v18 =	vld [tilespmem:s25+$0xFFFFBD90]  }
0x1f0: {  	v19 =	vld [tilespmem:s25+$0xFFFFBE10]  }
0x1f1: {  	v20 =	vld [tilespmem:s25+$0xFFFFBE90]  }
0x1f2: {  	v21 =	vld [tilespmem:s25+$0xFFFFBF10]  }
0x1f3: {  	v22 =	vld [tilespmem:s25+$0xFFFFBF90]  }
0x1f4: {  	v23 =	vld [tilespmem:s25+$0xFFFFFC10]  }
0x1f5: {  	v24 =	vld [tilespmem:s25+$0xFFFFFC90]  }
0x1f6: {  	v25 =	vld [tilespmem:s25+$0xFFFFFD10]  }
0x1f7: {  	v26 =	vld [tilespmem:s25+$0xFFFFFD90]  }
0x1f8: {  	v27 =	vld [tilespmem:s25+$0xFFFFFE10]  }
0x1f9: {  	v28 =	vld [tilespmem:s25+$0xFFFFFE90]  }
0x1fa: {  	v29 =	vld [tilespmem:s25+$0xFFFFFF10]  }
0x1fb: {  	v30 =	vld [tilespmem:s25+$0xFFFFFF90]  }
0x1fc: {  	v31 =	vld [tilespmem:s25+$0xFFFFBC20]  }
0x1fd: {  	v32 =	vld [tilespmem:s25+$0xFFFFBCA0]  }
0x1fe: {  	v33 =	vld [tilespmem:s25+$0xFFFFBD20]  }
0x1ff: {  	v34 =	vld [tilespmem:s25+$0xFFFFBDA0]  }
0x200: {  	v35 =	vld [tilespmem:s25+$0xFFFFBE20]  }
0x201: {  	v36 =	vld [tilespmem:s25+$0xFFFFBEA0]  }
0x202: {  	v37 =	vld [tilespmem:s25+$0xFFFFBF20]  }
0x203: {  	v38 =	vld [tilespmem:s25+$0xFFFFBFA0]  }
0x204: {  	v39 =	vld [tilespmem:s25+$0xFFFFFC20]  }
0x205: {  	v40 =	vld [tilespmem:s25+$0xFFFFFCA0]  }
0x206: {  	v41 =	vld [tilespmem:s25+$0xFFFFFD20]  }
0x207: {  	v42 =	vld [tilespmem:s25+$0xFFFFFDA0]  }
0x208: {  	v43 =	vld [tilespmem:s25+$0xFFFFFE20]  }
0x209: {  	v44 =	vld [tilespmem:s25+$0xFFFFFEA0]  }
0x20a: {  	v45 =	vld [tilespmem:s25+$0xFFFFFF20]  }
0x20b: {  	v46 =	vld [tilespmem:s25+$0xFFFFFFA0]  }
0x20c: {  	v47 =	vld [tilespmem:s25+$0xFFFFBC30]  }
0x20d: {  	v48 =	vld [tilespmem:s25+$0xFFFFBCB0]  }
0x20e: {  	v49 =	vld [tilespmem:s25+$0xFFFFBD30]  }
0x20f: {  	v50 =	vld [tilespmem:s25+$0xFFFFBDB0]  }
0x210: {  	v51 =	vld [tilespmem:s25+$0xFFFFBE30]  }
0x211: {  	v52 =	vld [tilespmem:s25+$0xFFFFBEB0]  }
0x212: {  	v53 =	vld [tilespmem:s25+$0xFFFFBF30]  }
0x213: {  	v54 =	vld [tilespmem:s25+$0xFFFFBFB0]  }
0x214: {  	v55 =	vld [tilespmem:s25+$0xFFFFFC30]  }
0x215: {  	v56 =	vld [tilespmem:s25+$0xFFFFFCB0]  }
0x216: {  	v57 =	vld [tilespmem:s25+$0xFFFFFD30]  }
0x217: {  	v7 =	vld [tilespmem:s25+$0xFFFFBC40]  }
0x218: {  	v58 =	vld [tilespmem:s25+$0xFFFFFDB0]  }
0x219: {  	v59 =	vld [tilespmem:s25+$0xFFFFFE30]  }
0x21a: {  	v60 =	vld [tilespmem:s25+$0xFFFFFEB0]  }
0x21b: {  	v61 =	vld [tilespmem:s25+$0xFFFFFF30]  }
0x21c: {  	v62 =	vld [tilespmem:s25+$0xFFFFFFB0];
	[tilespmem:$0x1FE50] =	vst v7  }
0x21d: {  	v7 =	vld [tilespmem:s25+$0xFFFFBCC0];
	_ =	sdelay $0x4  }
0x21e: {  	[tilespmem:$0x1FE60] =	vst v7  }
0x21f: {  	v7 =	vld [tilespmem:s25+$0xFFFFBD40];
	_ =	sdelay $0x4  }
0x220: {  	[tilespmem:$0x1FE70] =	vst v7  }
0x221: {  	v63 =	vld [tilespmem:s25+$0xFFFFBE40];
	_ =	sdelay $0x4  }
0x222: {  	v7 =	vld [tilespmem:s25+$0xFFFFBDC0];
	[tilespmem:$0x1FE80] =	vst v63  }
0x223: {  	v63 =	vld [tilespmem:s25+$0xFFFFBEC0];
	_ =	sdelay $0x4  }
0x224: {  	[tilespmem:$0x1FE90] =	vst v63  }
0x225: {  	v63 =	vld [tilespmem:s25+$0xFFFFBF40];
	_ =	sdelay $0x4  }
0x226: {  	[tilespmem:$0x1FEA0] =	vst v63  }
0x227: {  	v63 =	vld [tilespmem:s25+$0xFFFFBFC0];
	_ =	sdelay $0x4  }
0x228: {  	[tilespmem:$0x1FEB0] =	vst v63  }
0x229: {  	v63 =	vld [tilespmem:s25+$0xFFFFFC40];
	_ =	sdelay $0x4  }
0x22a: {  	[tilespmem:$0x1FED0] =	vst v63  }
0x22b: {  	v63 =	vld [tilespmem:s25+$0xFFFFFCC0];
	_ =	sdelay $0x2  }
0x22c: {  	v0 =	vadd.f32 v1, v0;
	v1 =	vadd.f32 v3, v2  }
0x22d: {  	v3 =	vadd.f32 v5, v4;
	v4 =	vadd.f32 v8, v6  }
0x22e: {  	v5 =	vadd.f32 v10, v9;
	v6 =	vadd.f32 v12, v11;
	[tilespmem:$0x1FEC0] =	vst v63  }
0x22f: {  	v10 =	vadd.f32 v14, v13;
	v11 =	vadd.f32 v16, v15;
	v63 =	vld [tilespmem:s25+$0xFFFFFD40]  }
0x230: {  	v1 =	vadd.f32 v1, v0;
	v3 =	vadd.f32 v4, v3  }
0x231: {  	v5 =	vadd.f32 v6, v5;
	v6 =	vadd.f32 v11, v10  }
0x232: {  	v36 =	vadd.f32 v36, v35;
	v38 =	vadd.f32 v38, v37  }
0x233: {  	v1 =	vadd.f32 v3, v1;
	v5 =	vadd.f32 v6, v5  }
0x234: {  	v35 =	vadd.f32 v38, v36;
	v38 =	vadd.f32 v48, v47;
	v47 =	vld [tilespmem:$0x1FE50];
	[tilespmem:$0x1FEE0] =	vst v63  }
0x235: {  	v0 =	vadd.f32 v18, v17;
	v6 =	vadd.f32 v20, v19;
	v63 =	vld [tilespmem:s25+$0xFFFFFDC0]  }
0x236: {  	v17 =	vadd.f32 v32, v31;
	v40 =	vadd.f32 v40, v39;
	v48 =	vld [tilespmem:$0x1FE60]  }
0x237: {  	v32 =	vadd.f32 v42, v41;
	v39 =	vadd.f32 v50, v49;
	v49 =	vld [tilespmem:$0x1FE70]  }
0x238: {  	v13 =	vadd.f32 v24, v23;
	v14 =	vadd.f32 v26, v25;
	v50 =	vld [tilespmem:$0x1FE80]  }
0x239: {  	v36 =	vadd.f32 v32, v40;
	v40 =	vadd.f32 v52, v51;
	v51 =	vld [tilespmem:$0x1FE90]  }
0x23a: {  	v28 =	vadd.f32 v28, v27;
	v30 =	vadd.f32 v30, v29;
	v52 =	vld [tilespmem:$0x1FEA0];
	[tilespmem:$0x1FEF0] =	vst v63  }
0x23b: {  	v1 =	vadd.f32 v5, v1;
	v5 =	vadd.f32 v22, v21;
	v63 =	vld [tilespmem:s25+$0xFFFFFE40]  }
0x23c: {  	v41 =	vadd.f32 v54, v53;
	v42 =	vadd.f32 v56, v55;
	v53 =	vld [tilespmem:$0x1FEB0]  }
0x23d: {  	v13 =	vadd.f32 v14, v13;
	v14 =	vadd.f32 v30, v28;
	v55 =	vld [tilespmem:$0x1FED0]  }
0x23e: {  	v5 =	vadd.f32 v5, v6;
	v54 =	vld [tilespmem:$0x1FEC0]  }
0x23f: {  	v6 =	vadd.f32 v14, v13;
	v13 =	vadd.f32 v34, v33;
	v56 =	vld [tilespmem:$0x1FEE0]  }
0x240: {  	v33 =	vadd.f32 v44, v43;
	v43 =	vadd.f32 v58, v57;
	v57 =	vld [tilespmem:$0x1FEF0];
	[tilespmem:$0x1FF00] =	vst v63  }
0x241: {  	v63 =	vld [tilespmem:s25+$0xFFFFFEC0]  }
0x242: {  	v2 =	vld [tilespmem:s25+$0xFFFFFF40]  }
0x243: {  	v8 =	vld [tilespmem:s25+$0xFFFFFFC0]  }
0x244: {  	v9 =	vld [tilespmem:s25+$0xFFFFBC50]  }
0x245: {  	v12 =	vld [tilespmem:s25+$0xFFFFBCD0]  }
0x246: {  	v4 =	vld [tilespmem:s25+$0xFFFFBD50]  }
0x247: {  	v10 =	vld [tilespmem:s25+$0xFFFFBDD0]  }
0x248: {  	v3 =	vld [tilespmem:s25+$0xFFFFBE50]  }
0x249: {  	v11 =	vld [tilespmem:s25+$0xFFFFBED0]  }
0x24a: {  	v15 =	vld [tilespmem:s25+$0xFFFFBF50]  }
0x24b: {  	v18 =	vld [tilespmem:s25+$0xFFFFBFD0]  }
0x24c: {  	v19 =	vld [tilespmem:s25+$0xFFFFFC50]  }
0x24d: {  	v16 =	vld [tilespmem:s25+$0xFFFFFCD0]  }
0x24e: {  	v20 =	vld [tilespmem:s25+$0xFFFFFD50]  }
0x24f: {  	v14 =	vld [tilespmem:s25+$0xFFFFFDD0]  }
0x250: {  	v23 =	vld [tilespmem:s25+$0xFFFFFE50]  }
0x251: {  	v26 =	vld [tilespmem:s25+$0xFFFFFED0]  }
0x252: {  	v29 =	vld [tilespmem:s25+$0xFFFFFF50]  }
0x253: {  	v21 =	vld [tilespmem:s25+$0xFFFFFFD0]  }
0x254: {  	v25 =	vld [tilespmem:s25+$0xFFFFBC60]  }
0x255: {  	v34 =	vadd.f32 v46, v45;
	v27 =	vld [tilespmem:s25+$0xFFFFBCE0]  }
0x256: {  	v28 =	vld [tilespmem:s25+$0xFFFFBD60]  }
0x257: {  	v13 =	vadd.f32 v13, v17;
	v37 =	vadd.f32 v34, v33;
	v32 =	vld [tilespmem:s25+$0xFFFFBDE0]  }
0x258: {  	v33 =	vld [tilespmem:s25+$0xFFFFBE60]  }
0x259: {  	v13 =	vadd.f32 v35, v13;
	v22 =	vadd.f32 v37, v36;
	v34 =	vld [tilespmem:s25+$0xFFFFBEE0]  }
0x25a: {  	v37 =	vld [tilespmem:s25+$0xFFFFBF60]  }
0x25b: {  	v13 =	vadd.f32 v22, v13;
	v22 =	vld [tilespmem:s25+$0xFFFFBFE0]  }
0x25c: {  	v31 =	vld [tilespmem:s25+$0xFFFFFC60]  }
0x25d: {  	v36 =	vld [tilespmem:s25+$0xFFFFFCE0]  }
0x25e: {  	v30 =	vadd.f32 v41, v40;
	v17 =	vadd.f32 v39, v38;
	v38 =	vld [tilespmem:s25+$0xFFFFFD60]  }
0x25f: {  	v44 =	vadd.f32 v60, v59;
	v45 =	vadd.f32 v62, v61;
	v39 =	vld [tilespmem:s25+$0xFFFFFDE0]  }
0x260: {  	v35 =	vadd.f32 v48, v47;
	v7 =	vadd.f32 v7, v49;
	v58 =	vld [tilespmem:s25+$0xFFFFFE60]  }
0x261: {  	v24 =	vadd.f32 v43, v42;
	v46 =	vadd.f32 v45, v44;
	v59 =	vld [tilespmem:$0x1FF00]  }
0x262: {  	v17 =	vadd.f32 v30, v17;
	v7 =	vadd.f32 v7, v35;
	v61 =	vld [tilespmem:s25+$0xFFFFFF60]  }
0x263: {  	v30 =	vadd.f32 v51, v50;
	v35 =	vadd.f32 v53, v52;
	v44 =	vld [tilespmem:s25+$0xFFFFBDF0]  }
0x264: {  	v47 =	vld [tilespmem:s25+$0xFFFFBEF0]  }
0x265: {  	v24 =	vadd.f32 v46, v24;
	v60 =	vadd.f32 v35, v30;
	v50 =	vld [tilespmem:s25+$0xFFFFFC70]  }
0x266: {  	v40 =	vadd.f32 v54, v55;
	v41 =	vadd.f32 v57, v56;
	v51 =	vld [tilespmem:s25+$0xFFFFFCF0]  }
0x267: {  	v17 =	vadd.f32 v24, v17;
	v53 =	vld [tilespmem:s25+$0xFFFFFD70]  }
0x268: {  	v7 =	vadd.f32 v60, v7;
	v56 =	vld [tilespmem:s25+$0xFFFFFDF0];
	v62 =	vadd.f32 v41, v40  }
0x269: {  	v60 =	vld [tilespmem:s25+$0xFFFFFF70];
	v43 =	vadd.f32 v63, v59;
	v2 =	vadd.f32 v8, v2  }
0x26a: {  	[tilespmem:s31+$0x0] =	vst.add.f32.msk $0xffff, v1;
	v9 =	vadd.f32 v12, v9;
	v4 =	vadd.f32 v10, v4  }
0x26b: {  	[tilespmem:s31+$0xFFFFFFA0] =	vst.add.f32.msk $0xffff, v13;
	v3 =	vadd.f32 v11, v3;
	v11 =	vadd.f32 v18, v15  }
0x26c: {  	[tilespmem:s31+$0xFFFFFFB0] =	vst.add.f32.msk $0xffff, v17;
	v45 =	vadd.f32 v26, v23;
	v46 =	vadd.f32 v21, v29  }
0x26d: {  	v8 =	vld [tilespmem:s25+$0xFFFFFEE0];
	v48 =	vadd.f32 v27, v25;
	v49 =	vadd.f32 v32, v28  }
0x26e: {  	v63 =	vld [tilespmem:s25+$0xFFFFFFE0];
	v52 =	vadd.f32 v22, v37;
	v54 =	vadd.f32 v36, v31  }
0x26f: {  	v12 =	vld [tilespmem:s25+$0xFFFFBC70];
	v55 =	vadd.f32 v39, v38;
	v2 =	vadd.f32 v2, v43  }
0x270: {  	v10 =	vld [tilespmem:s25+$0xFFFFBCF0];
	v4 =	vadd.f32 v4, v9;
	v9 =	vadd.f32 v16, v19  }
0x271: {  	v15 =	vld [tilespmem:s25+$0xFFFFBD70];
	v3 =	vadd.f32 v11, v3;
	v11 =	vadd.f32 v14, v20  }
0x272: {  	v14 =	vld [tilespmem:s25+$0xFFFFBE70];
	v18 =	vadd.f32 v49, v48;
	v2 =	vadd.f32 v2, v62  }
0x273: {  	v59 =	vadd.f32 v55, v54;
	v3 =	vadd.f32 v3, v4;
	v4 =	vld [tilespmem:s25+$0xFFFFBF70]  }
0x274: {  	v8 =	vadd.f32 v8, v58;
	v58 =	vld [tilespmem:s25+$0xFFFFFE70];
	v2 =	vadd.f32 v2, v7  }
0x275: {  	v7 =	vadd.f32 v11, v9;
	v9 =	vadd.f32 v46, v45;
	v11 =	vld [tilespmem:s25+$0xFFFFBFF0]  }
0x276: {  	v57 =	vadd.f32 v63, v61;
	v10 =	vadd.f32 v10, v12;
	v12 =	vld [tilespmem:s25+$0xFFFFFFF0]  }
0x277: {  	v61 =	vld [tilespmem:s25+$0xFFFFBC10];
	v7 =	vadd.f32 v9, v7;
	v9 =	vadd.f32 v34, v33  }
0x278: {  	v15 =	vadd.f32 v44, v15;
	v8 =	vadd.f32 v57, v8;
	[tilespmem:s31+$0xFFFFFFC0] =	vst.add.f32.msk $0xffff, v2  }
0x279: {  	v3 =	vadd.f32 v7, v3;
	v7 =	vadd.f32 v52, v9;
	v9 =	vld [tilespmem:s25+$0xFFFFFEF0]  }
0x27a: {  	v14 =	vadd.f32 v47, v14;
	v4 =	vadd.f32 v11, v4;
	v11 =	vld [tilespmem:$0x1FF10]  }
0x27b: {  	v8 =	vadd.f32 v8, v59;
	v7 =	vadd.f32 v7, v18  }
0x27c: {  	v62 =	vadd.f32 v15, v10;
	v10 =	vadd.f32 v56, v53  }
0x27d: {  	v63 =	vadd.f32 v12, v60;
	v7 =	vadd.f32 v8, v7  }
0x27e: {  	v8 =	vadd.f32 v51, v50;
	v9 =	vadd.f32 v9, v58  }
0x27f: {  	v4 =	vadd.f32 v4, v14;
	v12 =	vadd.f32 v11, v61  }
0x280: {  	s30 =	simm.s32 $0xE7F0;
	[tilespmem:s31+$0xFFFFFFD0] =	vst.add.f32.msk $0xffff, v3;
	v11 =	vadd.f32 v10, v8;
	v9 =	vadd.f32 v63, v9  }
0x281: {  	s29 =	smov.u32 s31;
	s28 =	simm.s32 $0x0;
	s25 =	smov.u32 s31;
	v13 =	vadd.f32 v4, v62;
	[tilespmem:s31+$0xFFFFFFE0] =	vst.add.f32.msk $0xffff, v7;
	v8 =	vadd.f32 v0, v12  }
.LBB2_5:
0x282: {  	v0 =	vld [tilespmem:s30+$0xFFFFBC80];
	v1 =	vadd.f32 v9, v11  }
0x283: {  	v2 =	vld [tilespmem:s30+$0xFFFFBD00];
	v3 =	vadd.f32 v5, v8  }
0x284: {  	v4 =	vld [tilespmem:s30+$0xFFFFBD80];
	v7 =	vadd.f32 v1, v13  }
0x285: {  	v1 =	vld [tilespmem:s30+$0xFFFFBE00];
	v8 =	vadd.f32 v6, v3  }
0x286: {  	v3 =	vld [tilespmem:s30+$0xFFFFBE80]  }
0x287: {  	v5 =	vld [tilespmem:s30+$0xFFFFBF00]  }
0x288: {  	v6 =	vld [tilespmem:s30+$0xFFFFBF80]  }
0x289: {  	v10 =	vld [tilespmem:s30+$0xFFFFC000]  }
0x28a: {  	v11 =	vld [tilespmem:s30+$0xFFFFFC80]  }
0x28b: {  	v12 =	vld [tilespmem:s30+$0xFFFFFD00]  }
0x28c: {  	v13 =	vld [tilespmem:s30+$0xFFFFFD80]  }
0x28d: {  	v14 =	vld [tilespmem:s30+$0xFFFFFE00]  }
0x28e: {  	v15 =	vld [tilespmem:s30+$0xFFFFFE80]  }
0x28f: {  	v16 =	vld [tilespmem:s30+$0xFFFFFF00]  }
0x290: {  	v17 =	vld [tilespmem:s30+$0xFFFFFF80]  }
0x291: {  	s28 =	sadd.s32 $0x8, s28;
	v18 =	vld [tilespmem:s30+$0x0]  }
0x292: {  	p2 =	slt.u32 s28, $0x78;
	v9 =	vld [tilespmem:s30+$0xFFFFBC90]  }
0x293: {  	v0 =	vadd.f32 v2, v0;
	v1 =	vadd.f32 v1, v4;
	v19 =	vld [tilespmem:s30+$0xFFFFBD10]  }
0x294: {  	v3 =	vadd.f32 v5, v3;
	v4 =	vadd.f32 v10, v6;
	v2 =	vld [tilespmem:s30+$0xFFFFBD90]  }
0x295: {  	v6 =	vadd.f32 v12, v11;
	v10 =	vadd.f32 v14, v13;
	v5 =	vld [tilespmem:s30+$0xFFFFBE10]  }
0x296: {  	v12 =	vadd.f32 v16, v15;
	v11 =	vld [tilespmem:s30+$0xFFFFBE90];
	v13 =	vadd.f32 v18, v17  }
0x297: {  	v0 =	vadd.f32 v1, v0;
	v1 =	vadd.f32 v4, v3;
	v14 =	vld [tilespmem:s30+$0xFFFFBF10]  }
0x298: {  	v4 =	vadd.f32 v10, v6;
	v3 =	vld [tilespmem:s30+$0xFFFFBF90];
	v6 =	vadd.f32 v13, v12  }
0x299: {  	v12 =	vld [tilespmem:s30+$0xFFFFFC10];
	v10 =	vadd.f32 v2, v19  }
0x29a: {  	v0 =	vadd.f32 v1, v0;
	v2 =	vld [tilespmem:s30+$0xFFFFFC90];
	v1 =	vadd.f32 v6, v4  }
0x29b: {  	v4 =	vld [tilespmem:s30+$0xFFFFFD10];
	v5 =	vadd.f32 v11, v5  }
0x29c: {  	v6 =	vld [tilespmem:s30+$0xFFFFFD90];
	v0 =	vadd.f32 v1, v0  }
0x29d: {  	s29 =	sadd.s32 $0x100, s29;
	v1 =	vld [tilespmem:s30+$0xFFFFFE10];
	v3 =	vadd.f32 v3, v14  }
0x29e: {  	[tilespmem:s29+$0x0] =	vst.add.f32.msk $0xffff, v0  }
0x29f: {  	v0 =	vld [tilespmem:s30+$0xFFFFFE90];
	v2 =	vadd.f32 v2, v12;
	v5 =	vadd.f32 v3, v5  }
0x2a0: {  	v3 =	vld [tilespmem:s30+$0xFFFFFF10]  }
0x2a1: {  	v11 =	vld [tilespmem:s30+$0xFFFFFF90];
	v4 =	vadd.f32 v6, v4  }
0x2a2: {  	v6 =	vld [tilespmem:s30+$0xFFFFBC20]  }
0x2a3: {  	v2 =	vadd.f32 v4, v2;
	v4 =	vld [tilespmem:s30+$0xFFFFBCA0]  }
0x2a4: {  	v0 =	vadd.f32 v0, v1;
	v1 =	vld [tilespmem:s30+$0xFFFFBD20]  }
0x2a5: {  	v12 =	vld [tilespmem:s30+$0xFFFFBDA0]  }
0x2a6: {  	v3 =	vadd.f32 v11, v3;
	v11 =	vld [tilespmem:s30+$0xFFFFBE20]  }
0x2a7: {  	v13 =	vld [tilespmem:s30+$0xFFFFBEA0]  }
0x2a8: {  	v0 =	vadd.f32 v3, v0;
	v3 =	vld [tilespmem:s30+$0xFFFFBF20];
	v4 =	vadd.f32 v4, v6  }
0x2a9: {  	v14 =	vld [tilespmem:s30+$0xFFFFBFA0]  }
0x2aa: {  	v6 =	vadd.f32 v0, v2;
	v0 =	vld [tilespmem:s30+$0xFFFFFC20];
	v1 =	vadd.f32 v12, v1  }
0x2ab: {  	v2 =	vld [tilespmem:s30+$0xFFFFFCA0]  }
0x2ac: {  	v12 =	vld [tilespmem:s30+$0xFFFFFD20];
	v11 =	vadd.f32 v13, v11;
	v1 =	vadd.f32 v1, v4  }
0x2ad: {  	v4 =	vld [tilespmem:s30+$0xFFFFFDA0]  }
0x2ae: {  	v13 =	vld [tilespmem:s30+$0xFFFFFE20];
	v3 =	vadd.f32 v14, v3  }
0x2af: {  	v14 =	vld [tilespmem:s30+$0xFFFFFEA0]  }
0x2b0: {  	v15 =	vld [tilespmem:s30+$0xFFFFFF20];
	v0 =	vadd.f32 v2, v0;
	v2 =	vadd.f32 v3, v11  }
0x2b1: {  	v3 =	vld [tilespmem:s30+$0xFFFFFFA0]  }
0x2b2: {  	v4 =	vadd.f32 v4, v12;
	v1 =	vadd.f32 v2, v1;
	v2 =	vld [tilespmem:s30+$0xFFFFBC30]  }
0x2b3: {  	v11 =	vld [tilespmem:s30+$0xFFFFBCB0]  }
0x2b4: {  	v12 =	vadd.f32 v14, v13;
	v0 =	vadd.f32 v4, v0;
	v4 =	vld [tilespmem:s30+$0xFFFFBD30]  }
0x2b5: {  	v13 =	vld [tilespmem:s30+$0xFFFFBDB0]  }
0x2b6: {  	v3 =	vadd.f32 v3, v15;
	v14 =	vld [tilespmem:s30+$0xFFFFBE30]  }
0x2b7: {  	v15 =	vld [tilespmem:s30+$0xFFFFBEB0]  }
0x2b8: {  	v3 =	vadd.f32 v3, v12;
	v12 =	vld [tilespmem:s30+$0xFFFFBF30];
	v2 =	vadd.f32 v11, v2  }
0x2b9: {  	v16 =	vld [tilespmem:s30+$0xFFFFBFB0]  }
0x2ba: {  	v0 =	vadd.f32 v3, v0;
	v3 =	vld [tilespmem:s30+$0xFFFFFC30];
	v4 =	vadd.f32 v13, v4  }
0x2bb: {  	v13 =	vld [tilespmem:s30+$0xFFFFFCB0]  }
0x2bc: {  	v17 =	vld [tilespmem:s30+$0xFFFFFD30];
	v14 =	vadd.f32 v15, v14;
	v2 =	vadd.f32 v4, v2  }
0x2bd: {  	v11 =	vadd.f32 v0, v1;
	v0 =	vld [tilespmem:s30+$0xFFFFFDB0]  }
0x2be: {  	v1 =	vld [tilespmem:s30+$0xFFFFFE30];
	v4 =	vadd.f32 v16, v12  }
0x2bf: {  	v12 =	vld [tilespmem:s30+$0xFFFFFEB0]  }
0x2c0: {  	v15 =	vld [tilespmem:s30+$0xFFFFFF30];
	v3 =	vadd.f32 v13, v3;
	v4 =	vadd.f32 v4, v14  }
0x2c1: {  	v13 =	vld [tilespmem:s30+$0xFFFFFFB0]  }
0x2c2: {  	v0 =	vadd.f32 v0, v17;
	v2 =	vadd.f32 v4, v2;
	v4 =	vld [tilespmem:s30+$0xFFFFBC40]  }
0x2c3: {  	v14 =	vld [tilespmem:s30+$0xFFFFBCC0]  }
0x2c4: {  	v1 =	vadd.f32 v12, v1;
	v0 =	vadd.f32 v0, v3;
	v3 =	vld [tilespmem:s30+$0xFFFFBD40]  }
0x2c5: {  	v12 =	vld [tilespmem:s30+$0xFFFFBDC0]  }
0x2c6: {  	v13 =	vadd.f32 v13, v15;
	v15 =	vld [tilespmem:s30+$0xFFFFBE40]  }
0x2c7: {  	v16 =	vld [tilespmem:s30+$0xFFFFBEC0]  }
0x2c8: {  	v1 =	vadd.f32 v13, v1;
	v13 =	vld [tilespmem:s30+$0xFFFFBF40];
	v4 =	vadd.f32 v14, v4  }
0x2c9: {  	v14 =	vld [tilespmem:s30+$0xFFFFBFC0]  }
0x2ca: {  	v0 =	vadd.f32 v1, v0;
	v1 =	vld [tilespmem:s30+$0xFFFFFC40];
	v3 =	vadd.f32 v12, v3  }
0x2cb: {  	v17 =	vld [tilespmem:s30+$0xFFFFFCC0]  }
0x2cc: {  	v18 =	vld [tilespmem:s30+$0xFFFFFD40];
	v15 =	vadd.f32 v16, v15;
	v3 =	vadd.f32 v3, v4  }
0x2cd: {  	v12 =	vadd.f32 v0, v2;
	v0 =	vld [tilespmem:s30+$0xFFFFFDC0]  }
0x2ce: {  	v2 =	vld [tilespmem:s30+$0xFFFFFE40];
	v4 =	vadd.f32 v14, v13  }
0x2cf: {  	v13 =	vld [tilespmem:s30+$0xFFFFFEC0]  }
0x2d0: {  	v14 =	vld [tilespmem:s30+$0xFFFFFF40];
	v1 =	vadd.f32 v17, v1;
	v4 =	vadd.f32 v4, v15  }
0x2d1: {  	v15 =	vld [tilespmem:s30+$0xFFFFFFC0]  }
0x2d2: {  	v0 =	vadd.f32 v0, v18;
	v3 =	vadd.f32 v4, v3;
	v4 =	vld [tilespmem:s30+$0xFFFFBC50]  }
0x2d3: {  	v16 =	vld [tilespmem:s30+$0xFFFFBCD0]  }
0x2d4: {  	v2 =	vadd.f32 v13, v2;
	v0 =	vadd.f32 v0, v1;
	v1 =	vld [tilespmem:s30+$0xFFFFBD50]  }
0x2d5: {  	v13 =	vld [tilespmem:s30+$0xFFFFBDD0]  }
0x2d6: {  	v14 =	vadd.f32 v15, v14;
	v15 =	vld [tilespmem:s30+$0xFFFFBE50]  }
0x2d7: {  	v17 =	vld [tilespmem:s30+$0xFFFFBED0]  }
0x2d8: {  	v2 =	vadd.f32 v14, v2;
	v14 =	vld [tilespmem:s30+$0xFFFFBF50];
	v4 =	vadd.f32 v16, v4  }
0x2d9: {  	v16 =	vld [tilespmem:s30+$0xFFFFBFD0]  }
0x2da: {  	v0 =	vadd.f32 v2, v0;
	v2 =	vld [tilespmem:s30+$0xFFFFFC50];
	v1 =	vadd.f32 v13, v1  }
0x2db: {  	v13 =	vld [tilespmem:s30+$0xFFFFFCD0]  }
0x2dc: {  	v18 =	vld [tilespmem:s30+$0xFFFFFD50];
	v15 =	vadd.f32 v17, v15;
	v1 =	vadd.f32 v1, v4  }
0x2dd: {  	v0 =	vadd.f32 v0, v3;
	v3 =	vld [tilespmem:s30+$0xFFFFFDD0]  }
0x2de: {  	v4 =	vld [tilespmem:s30+$0xFFFFFE50];
	v14 =	vadd.f32 v16, v14  }
0x2df: {  	v16 =	vld [tilespmem:s30+$0xFFFFFED0]  }
0x2e0: {  	v17 =	vld [tilespmem:s30+$0xFFFFFF50];
	v2 =	vadd.f32 v13, v2;
	v13 =	vadd.f32 v14, v15  }
0x2e1: {  	v14 =	vld [tilespmem:s30+$0xFFFFFFD0]  }
0x2e2: {  	v3 =	vadd.f32 v3, v18;
	v1 =	vadd.f32 v13, v1;
	v13 =	vld [tilespmem:s30+$0xFFFFBC60]  }
0x2e3: {  	v15 =	vld [tilespmem:s30+$0xFFFFBCE0]  }
0x2e4: {  	v4 =	vadd.f32 v16, v4;
	v2 =	vadd.f32 v3, v2;
	v3 =	vld [tilespmem:s30+$0xFFFFBD60]  }
0x2e5: {  	v16 =	vld [tilespmem:s30+$0xFFFFBDE0]  }
0x2e6: {  	v14 =	vadd.f32 v14, v17;
	v17 =	vld [tilespmem:s30+$0xFFFFBE60]  }
0x2e7: {  	v18 =	vld [tilespmem:s30+$0xFFFFBEE0]  }
0x2e8: {  	v4 =	vadd.f32 v14, v4;
	v14 =	vld [tilespmem:s30+$0xFFFFBF60];
	v13 =	vadd.f32 v15, v13  }
0x2e9: {  	v15 =	vld [tilespmem:s30+$0xFFFFBFE0]  }
0x2ea: {  	v2 =	vadd.f32 v4, v2;
	v4 =	vld [tilespmem:s30+$0xFFFFFC60];
	v3 =	vadd.f32 v16, v3  }
0x2eb: {  	v16 =	vld [tilespmem:s30+$0xFFFFFCE0]  }
0x2ec: {  	v19 =	vld [tilespmem:s30+$0xFFFFFD60];
	v17 =	vadd.f32 v18, v17;
	v3 =	vadd.f32 v3, v13  }
0x2ed: {  	v1 =	vadd.f32 v2, v1;
	v2 =	vld [tilespmem:s30+$0xFFFFFDE0]  }
0x2ee: {  	v13 =	vld [tilespmem:s30+$0xFFFFFE60];
	v14 =	vadd.f32 v15, v14  }
0x2ef: {  	v15 =	vld [tilespmem:s30+$0xFFFFFEE0]  }
0x2f0: {  	v18 =	vld [tilespmem:s30+$0xFFFFFF60];
	v4 =	vadd.f32 v16, v4;
	v14 =	vadd.f32 v14, v17  }
0x2f1: {  	v16 =	vld [tilespmem:s30+$0xFFFFFFE0]  }
0x2f2: {  	v2 =	vadd.f32 v2, v19;
	v3 =	vadd.f32 v14, v3;
	v14 =	vld [tilespmem:s30+$0xFFFFBC70]  }
0x2f3: {  	v17 =	vld [tilespmem:s30+$0xFFFFBCF0]  }
0x2f4: {  	v13 =	vadd.f32 v15, v13;
	v2 =	vadd.f32 v2, v4;
	v4 =	vld [tilespmem:s30+$0xFFFFBD70]  }
0x2f5: {  	v15 =	vld [tilespmem:s30+$0xFFFFBDF0]  }
0x2f6: {  	v16 =	vadd.f32 v16, v18;
	v18 =	vld [tilespmem:s30+$0xFFFFBE70]  }
0x2f7: {  	v19 =	vld [tilespmem:s30+$0xFFFFBEF0]  }
0x2f8: {  	v13 =	vadd.f32 v16, v13;
	v16 =	vld [tilespmem:s30+$0xFFFFBF70];
	v14 =	vadd.f32 v17, v14  }
0x2f9: {  	v17 =	vld [tilespmem:s30+$0xFFFFBFF0]  }
0x2fa: {  	v2 =	vadd.f32 v13, v2;
	v13 =	vld [tilespmem:s30+$0xFFFFFC70];
	v4 =	vadd.f32 v15, v4  }
0x2fb: {  	v15 =	vld [tilespmem:s30+$0xFFFFFCF0]  }
0x2fc: {  	v20 =	vld [tilespmem:s30+$0xFFFFFD70];
	v18 =	vadd.f32 v19, v18;
	v4 =	vadd.f32 v4, v14  }
0x2fd: {  	v2 =	vadd.f32 v2, v3;
	v3 =	vld [tilespmem:s30+$0xFFFFFDF0]  }
0x2fe: {  	v14 =	vld [tilespmem:s30+$0xFFFFFE70];
	v16 =	vadd.f32 v17, v16  }
0x2ff: {  	v17 =	vld [tilespmem:s30+$0xFFFFFEF0]  }
0x300: {  	v19 =	vld [tilespmem:s30+$0xFFFFFF70];
	v15 =	vadd.f32 v15, v13;
	v13 =	vadd.f32 v16, v18  }
0x301: {  	v16 =	vld [tilespmem:s30+$0xFFFFFFF0]  }
0x302: {  	v18 =	vld [tilespmem:s30+$0xFFFFBC10];
	v3 =	vadd.f32 v3, v20;
	v13 =	vadd.f32 v13, v4  }
0x303: {  	[tilespmem:s25+$0xFFFFFF90] =	vst.add.f32.msk $0xffff, v8  }
0x304: {  	[tilespmem:s29+$0xFFFFFFA0] =	vst.add.f32.msk $0xffff, v11;
	v4 =	vadd.f32 v17, v14;
	v11 =	vadd.f32 v3, v15  }
.Ltmp1:
0x305: {  	[tilespmem:s29+$0xFFFFFFB0] =	vst.add.f32.msk $0xffff, v12;
	(pc) =	sbr.rel @p2 .LBB2_5-.Ltmp1, $4  }
0x306: {  	[tilespmem:s29+$0xFFFFFFC0] =	vst.add.f32.msk $0xffff, v0;
	v0 =	vadd.f32 v16, v19  }
0x307: {  	v3 =	vadd.f32 v9, v18;
	[tilespmem:s29+$0xFFFFFFD0] =	vst.add.f32.msk $0xffff, v1  }
0x308: {  	[tilespmem:s29+$0xFFFFFFE0] =	vst.add.f32.msk $0xffff, v2;
	v9 =	vadd.f32 v0, v4  }
0x309: {  	s30 =	sadd.s32 $0x400, s30;
	v8 =	vadd.f32 v10, v3;
	[tilespmem:s25+$0xFFFFFFF0] =	vst.add.f32.msk $0xffff, v7;
	s25 =	smov.u32 s29  }
0x30a: {  	v1 =	vadd.f32 v9, v11  }
0x30b: {  	v0 =	vadd.f32 v5, v8  }
0x30c: {  	v1 =	vadd.f32 v1, v13  }
0x30d: {  	v0 =	vadd.f32 v6, v0  }
0x30e: {  	[tilespmem:s25+$0xFFFFFFF0] =	vst.add.f32.msk $0xffff, v1  }
0x30f: {  	[tilespmem:s25+$0xFFFFFF90] =	vst.add.f32.msk $0xffff, v0  }
0x310: {  	v0 =	vld @!p1 [tilespmem:s26+$0x90];
	_ =	sdelay $0x4  }
0x311: {  	v1 =	vshll.u32 @!p1 v0, $0x4  }
0x312: {  	v2 =	vlaneseq.u32 @!p1;
	v0 =	vand.u32 @!p1 $0x7, v0;
	v1 =	vand.u32 @!p1 $0xFFFFFF80, v1  }
0x313: {  	v3 =	vshrl.u32 @!p1 v2, $0x3;
	v0 =	vor.u32 @!p1 v0, v1;
	v1 =	vand.u32 @!p1 $0x7, v2  }
0x314: {  	v3 =	vmul.u32 @!p1 $0x8, v3;
	v1 =	vperm.xlane @!p1 v0, v1;
	_ =	sdelay $0x1  }
0x315: {  	v1 =	vadd.s32 @!p1 v3, v1;
	_ =	sdelay $0x3  }
0x316: {  	s28 =	simm.s32 @!p1 $0xA000;
	s25 =	simm.s32 @!p1 $0x0  }
0x317: {  	[tilespmem:s28], [sflag:$0x2] =	stream.indirect_vreg.gather @!p1 [hbm4b:s2+s25], $0x80, v1, vm1, $0xb8;
	[tilespmem:$0x1C000] =	vst v63  }
0x318: {  	s28 =	simm.s32 @!p1 $0xA800  }
0x319: {  	[tilespmem:s28], [sflag:$0x2] =	stream.indirect_vreg.gather @!p1 [hbm4b:s7+s25], $0x80, v1, vm1, $0xb8;
	[tilespmem:$0x1C000] =	vst v63  }
0x31a: {  	s28 =	simm.s32 @!p1 $0xB000  }
0x31b: {  	[tilespmem:s28], [sflag:$0x2] =	stream.indirect_vreg.gather @!p1 [hbm4b:s8+s25], $0x80, v1, vm1, $0xb8;
	[tilespmem:$0x1C000] =	vst v63  }
0x31c: {  	s28 =	simm.s32 @!p1 $0xB800  }
0x31d: {  	[tilespmem:s28], [sflag:$0x2] =	stream.indirect_vreg.gather @!p1 [hbm4b:s9+s25], $0x80, v1, vm1, $0xb8;
	[tilespmem:$0x1C000] =	vst v63  }
0x31e: {  	s28 =	simm.s32 @!p1 $0xC000  }
0x31f: {  	v2 =	vor.u32 @!p1 $0x8, v2;
	[tilespmem:s28], [sflag:$0x2] =	stream.indirect_vreg.gather @!p1 [hbm4b:s10+s25], $0x80, v1, vm1, $0xb8;
	[tilespmem:$0x1C000] =	vst v63  }
0x320: {  	v0 =	vperm.xlane @!p1 v0, v2;
	s28 =	simm.s32 @!p1 $0xC800  }
0x321: {  	[tilespmem:s28], [sflag:$0x2] =	stream.indirect_vreg.gather @!p1 [hbm4b:s11+s25], $0x80, v1, vm1, $0xb8;
	[tilespmem:$0x1C000] =	vst v63  }
0x322: {  	v0 =	vadd.s32 @!p1 v3, v0;
	s28 =	simm.s32 @!p1 $0xD000  }
0x323: {  	[tilespmem:s28], [sflag:$0x2] =	stream.indirect_vreg.gather @!p1 [hbm4b:s12+s25], $0x80, v1, vm1, $0xb8;
	[tilespmem:$0x1C000] =	vst v63  }
0x324: {  	s28 =	simm.s32 @!p1 $0xD800  }
0x325: {  	[tilespmem:s28], [sflag:$0x2] =	stream.indirect_vreg.gather @!p1 [hbm4b:s13+s25], $0x80, v1, vm1, $0xb8;
	[tilespmem:$0x1C000] =	vst v63  }
0x326: {  	s28 =	simm.s32 @!p1 $0xE000  }
0x327: {  	[tilespmem:s28], [sflag:$0x2] =	stream.indirect_vreg.gather @!p1 [hbm4b:s2+s25], $0x80, v0, vm1, $0xb8;
	[tilespmem:$0x1C000] =	vst v63  }
0x328: {  	s28 =	simm.s32 @!p1 $0xE800  }
0x329: {  	[tilespmem:s28], [sflag:$0x2] =	stream.indirect_vreg.gather @!p1 [hbm4b:s7+s25], $0x80, v0, vm1, $0xb8;
	[tilespmem:$0x1C000] =	vst v63  }
0x32a: {  	s28 =	simm.s32 @!p1 $0xF000  }
0x32b: {  	[tilespmem:s28], [sflag:$0x2] =	stream.indirect_vreg.gather @!p1 [hbm4b:s8+s25], $0x80, v0, vm1, $0xb8;
	[tilespmem:$0x1C000] =	vst v63  }
0x32c: {  	s28 =	simm.s32 @!p1 $0xF800  }
0x32d: {  	[tilespmem:s28], [sflag:$0x2] =	stream.indirect_vreg.gather @!p1 [hbm4b:s9+s25], $0x80, v0, vm1, $0xb8;
	[tilespmem:$0x1C000] =	vst v63  }
0x32e: {  	s28 =	simm.s32 @!p1 $0x10000  }
0x32f: {  	[tilespmem:s28], [sflag:$0x2] =	stream.indirect_vreg.gather @!p1 [hbm4b:s10+s25], $0x80, v0, vm1, $0xb8;
	[tilespmem:$0x1C000] =	vst v63  }
0x330: {  	s28 =	simm.s32 @!p1 $0x10800  }
0x331: {  	[tilespmem:s28], [sflag:$0x2] =	stream.indirect_vreg.gather @!p1 [hbm4b:s11+s25], $0x80, v0, vm1, $0xb8;
	[tilespmem:$0x1C000] =	vst v63  }
0x332: {  	s28 =	simm.s32 @!p1 $0x11000  }
0x333: {  	[tilespmem:s28], [sflag:$0x2] =	stream.indirect_vreg.gather @!p1 [hbm4b:s12+s25], $0x80, v0, vm1, $0xb8;
	[tilespmem:$0x1C000] =	vst v63  }
0x334: {  	s28 =	simm.s32 @!p1 $0x11800  }
0x335: {  	[tilespmem:s28], [sflag:$0x2] =	stream.indirect_vreg.gather @!p1 [hbm4b:s13+s25], $0x80, v0, vm1, $0xb8;
	[tilespmem:$0x1C000] =	vst v63  }
0x336: {  	_ =	swait.ge [sflag:s17], $0x8000  }
0x337: {  	[sflag:s17] =	ssyncset.done $0x0  }
0x338: {  	s30 =	simm.s32 $0x163F0;
	[sflag:s17] =	ssyncadd.s32 $0xFFFF8000  }
0x339: {  	v0 =	vld [tilespmem:s30+$0xFFFFBC80]  }
0x33a: {  	v1 =	vld [tilespmem:s30+$0xFFFFBD00]  }
0x33b: {  	v2 =	vld [tilespmem:s30+$0xFFFFBD80]  }
0x33c: {  	v3 =	vld [tilespmem:s30+$0xFFFFBE00]  }
0x33d: {  	v4 =	vld [tilespmem:s30+$0xFFFFBE80]  }
0x33e: {  	v5 =	vld [tilespmem:s30+$0xFFFFBF00]  }
0x33f: {  	v6 =	vld [tilespmem:s30+$0xFFFFBF80]  }
0x340: {  	v8 =	vld [tilespmem:s30+$0xFFFFC000]  }
0x341: {  	v9 =	vld [tilespmem:s30+$0xFFFFFC80]  }
0x342: {  	v10 =	vld [tilespmem:s30+$0xFFFFFD00]  }
0x343: {  	v11 =	vld [tilespmem:s30+$0xFFFFFD80]  }
0x344: {  	v7 =	vld [tilespmem:s30+$0xFFFFBC90]  }
0x345: {  	v12 =	vld [tilespmem:s30+$0xFFFFFE00]  }
0x346: {  	v13 =	vld [tilespmem:s30+$0xFFFFFE80]  }
0x347: {  	v14 =	vld [tilespmem:s30+$0xFFFFFF00]  }
0x348: {  	v15 =	vld [tilespmem:s30+$0xFFFFFF80]  }
0x349: {  	v16 =	vld [tilespmem:s30+$0x0];
	[tilespmem:$0x1FE40] =	vst v7  }
0x34a: {  	v17 =	vld [tilespmem:s30+$0xFFFFBD10]  }
0x34b: {  	v18 =	vld [tilespmem:s30+$0xFFFFBD90]  }
0x34c: {  	v19 =	vld [tilespmem:s30+$0xFFFFBE10]  }
0x34d: {  	v20 =	vld [tilespmem:s30+$0xFFFFBE90]  }
0x34e: {  	v21 =	vld [tilespmem:s30+$0xFFFFBF10]  }
0x34f: {  	v22 =	vld [tilespmem:s30+$0xFFFFBF90]  }
0x350: {  	v23 =	vld [tilespmem:s30+$0xFFFFFC10]  }
0x351: {  	v24 =	vld [tilespmem:s30+$0xFFFFFC90]  }
0x352: {  	v25 =	vld [tilespmem:s30+$0xFFFFFD10]  }
0x353: {  	v26 =	vld [tilespmem:s30+$0xFFFFFD90]  }
0x354: {  	v27 =	vld [tilespmem:s30+$0xFFFFFE10]  }
0x355: {  	v28 =	vld [tilespmem:s30+$0xFFFFFE90]  }
0x356: {  	v29 =	vld [tilespmem:s30+$0xFFFFFF10]  }
0x357: {  	v30 =	vld [tilespmem:s30+$0xFFFFFF90]  }
0x358: {  	v31 =	vld [tilespmem:s30+$0xFFFFBC20]  }
0x359: {  	v32 =	vld [tilespmem:s30+$0xFFFFBCA0]  }
0x35a: {  	v33 =	vld [tilespmem:s30+$0xFFFFBD20]  }
0x35b: {  	v34 =	vld [tilespmem:s30+$0xFFFFBDA0]  }
0x35c: {  	v35 =	vld [tilespmem:s30+$0xFFFFBE20]  }
0x35d: {  	v36 =	vld [tilespmem:s30+$0xFFFFBEA0]  }
0x35e: {  	v37 =	vld [tilespmem:s30+$0xFFFFBF20]  }
0x35f: {  	v38 =	vld [tilespmem:s30+$0xFFFFBFA0]  }
0x360: {  	v39 =	vld [tilespmem:s30+$0xFFFFFC20]  }
0x361: {  	v40 =	vld [tilespmem:s30+$0xFFFFFCA0]  }
0x362: {  	v41 =	vld [tilespmem:s30+$0xFFFFFD20]  }
0x363: {  	v42 =	vld [tilespmem:s30+$0xFFFFFDA0]  }
0x364: {  	v43 =	vld [tilespmem:s30+$0xFFFFFE20]  }
0x365: {  	v44 =	vld [tilespmem:s30+$0xFFFFFEA0]  }
0x366: {  	v45 =	vld [tilespmem:s30+$0xFFFFFF20]  }
0x367: {  	v46 =	vld [tilespmem:s30+$0xFFFFFFA0]  }
0x368: {  	v47 =	vld [tilespmem:s30+$0xFFFFBC30]  }
0x369: {  	v48 =	vld [tilespmem:s30+$0xFFFFBCB0]  }
0x36a: {  	v49 =	vld [tilespmem:s30+$0xFFFFBD30]  }
0x36b: {  	v50 =	vld [tilespmem:s30+$0xFFFFBDB0]  }
0x36c: {  	v51 =	vld [tilespmem:s30+$0xFFFFBE30]  }
0x36d: {  	v52 =	vld [tilespmem:s30+$0xFFFFBEB0]  }
0x36e: {  	v53 =	vld [tilespmem:s30+$0xFFFFBF30]  }
0x36f: {  	v54 =	vld [tilespmem:s30+$0xFFFFBFB0]  }
0x370: {  	v55 =	vld [tilespmem:s30+$0xFFFFFC30]  }
0x371: {  	v56 =	vld [tilespmem:s30+$0xFFFFFCB0]  }
0x372: {  	v57 =	vld [tilespmem:s30+$0xFFFFFD30]  }
0x373: {  	v7 =	vld [tilespmem:s30+$0xFFFFBC40]  }
0x374: {  	v58 =	vld [tilespmem:s30+$0xFFFFFDB0]  }
0x375: {  	v59 =	vld [tilespmem:s30+$0xFFFFFE30]  }
0x376: {  	v60 =	vld [tilespmem:s30+$0xFFFFFEB0]  }
0x377: {  	v61 =	vld [tilespmem:s30+$0xFFFFFF30]  }
0x378: {  	v62 =	vld [tilespmem:s30+$0xFFFFFFB0];
	[tilespmem:$0x1FD80] =	vst v7  }
0x379: {  	v7 =	vld [tilespmem:s30+$0xFFFFBCC0];
	_ =	sdelay $0x4  }
0x37a: {  	[tilespmem:$0x1FD90] =	vst v7  }
0x37b: {  	v7 =	vld [tilespmem:s30+$0xFFFFBD40];
	_ =	sdelay $0x4  }
0x37c: {  	[tilespmem:$0x1FDA0] =	vst v7  }
0x37d: {  	v63 =	vld [tilespmem:s30+$0xFFFFBE40];
	_ =	sdelay $0x4  }
0x37e: {  	v7 =	vld [tilespmem:s30+$0xFFFFBDC0];
	[tilespmem:$0x1FDB0] =	vst v63  }
0x37f: {  	v63 =	vld [tilespmem:s30+$0xFFFFBEC0];
	_ =	sdelay $0x4  }
0x380: {  	[tilespmem:$0x1FDC0] =	vst v63  }
0x381: {  	v63 =	vld [tilespmem:s30+$0xFFFFBF40];
	_ =	sdelay $0x4  }
0x382: {  	[tilespmem:$0x1FDD0] =	vst v63  }
0x383: {  	v63 =	vld [tilespmem:s30+$0xFFFFBFC0];
	_ =	sdelay $0x4  }
0x384: {  	[tilespmem:$0x1FDE0] =	vst v63  }
0x385: {  	v63 =	vld [tilespmem:s30+$0xFFFFFC40];
	_ =	sdelay $0x4  }
0x386: {  	[tilespmem:$0x1FE00] =	vst v63  }
0x387: {  	v63 =	vld [tilespmem:s30+$0xFFFFFCC0];
	_ =	sdelay $0x2  }
0x388: {  	v0 =	vadd.f32 v1, v0;
	v1 =	vadd.f32 v3, v2  }
0x389: {  	v3 =	vadd.f32 v5, v4;
	v4 =	vadd.f32 v8, v6  }
0x38a: {  	v5 =	vadd.f32 v10, v9;
	v6 =	vadd.f32 v12, v11;
	[tilespmem:$0x1FDF0] =	vst v63  }
0x38b: {  	v10 =	vadd.f32 v14, v13;
	v11 =	vadd.f32 v16, v15;
	v63 =	vld [tilespmem:s30+$0xFFFFFD40]  }
0x38c: {  	v1 =	vadd.f32 v1, v0;
	v3 =	vadd.f32 v4, v3  }
0x38d: {  	v5 =	vadd.f32 v6, v5;
	v6 =	vadd.f32 v11, v10  }
0x38e: {  	v36 =	vadd.f32 v36, v35;
	v38 =	vadd.f32 v38, v37  }
0x38f: {  	v1 =	vadd.f32 v3, v1;
	v5 =	vadd.f32 v6, v5  }
0x390: {  	v35 =	vadd.f32 v38, v36;
	v38 =	vadd.f32 v48, v47;
	v47 =	vld [tilespmem:$0x1FD80];
	[tilespmem:$0x1FE10] =	vst v63  }
0x391: {  	v0 =	vadd.f32 v18, v17;
	v6 =	vadd.f32 v20, v19;
	v63 =	vld [tilespmem:s30+$0xFFFFFDC0]  }
0x392: {  	v17 =	vadd.f32 v32, v31;
	v40 =	vadd.f32 v40, v39;
	v48 =	vld [tilespmem:$0x1FD90]  }
0x393: {  	v32 =	vadd.f32 v42, v41;
	v39 =	vadd.f32 v50, v49;
	v49 =	vld [tilespmem:$0x1FDA0]  }
0x394: {  	v13 =	vadd.f32 v24, v23;
	v14 =	vadd.f32 v26, v25;
	v50 =	vld [tilespmem:$0x1FDB0]  }
0x395: {  	v36 =	vadd.f32 v32, v40;
	v40 =	vadd.f32 v52, v51;
	v51 =	vld [tilespmem:$0x1FDC0]  }
0x396: {  	v28 =	vadd.f32 v28, v27;
	v30 =	vadd.f32 v30, v29;
	v52 =	vld [tilespmem:$0x1FDD0];
	[tilespmem:$0x1FE20] =	vst v63  }
0x397: {  	v1 =	vadd.f32 v5, v1;
	v5 =	vadd.f32 v22, v21;
	v63 =	vld [tilespmem:s30+$0xFFFFFE40]  }
0x398: {  	v41 =	vadd.f32 v54, v53;
	v42 =	vadd.f32 v56, v55;
	v53 =	vld [tilespmem:$0x1FDE0]  }
0x399: {  	v13 =	vadd.f32 v14, v13;
	v14 =	vadd.f32 v30, v28;
	v55 =	vld [tilespmem:$0x1FE00]  }
0x39a: {  	v5 =	vadd.f32 v5, v6;
	v54 =	vld [tilespmem:$0x1FDF0]  }
0x39b: {  	v6 =	vadd.f32 v14, v13;
	v13 =	vadd.f32 v34, v33;
	v56 =	vld [tilespmem:$0x1FE10]  }
0x39c: {  	v33 =	vadd.f32 v44, v43;
	v43 =	vadd.f32 v58, v57;
	v57 =	vld [tilespmem:$0x1FE20];
	[tilespmem:$0x1FE30] =	vst v63  }
0x39d: {  	v63 =	vld [tilespmem:s30+$0xFFFFFEC0]  }
0x39e: {  	v2 =	vld [tilespmem:s30+$0xFFFFFF40]  }
0x39f: {  	v8 =	vld [tilespmem:s30+$0xFFFFFFC0]  }
0x3a0: {  	v9 =	vld [tilespmem:s30+$0xFFFFBC50]  }
0x3a1: {  	v12 =	vld [tilespmem:s30+$0xFFFFBCD0]  }
0x3a2: {  	v4 =	vld [tilespmem:s30+$0xFFFFBD50]  }
0x3a3: {  	v10 =	vld [tilespmem:s30+$0xFFFFBDD0]  }
0x3a4: {  	v3 =	vld [tilespmem:s30+$0xFFFFBE50]  }
0x3a5: {  	v11 =	vld [tilespmem:s30+$0xFFFFBED0]  }
0x3a6: {  	v15 =	vld [tilespmem:s30+$0xFFFFBF50]  }
0x3a7: {  	v18 =	vld [tilespmem:s30+$0xFFFFBFD0]  }
0x3a8: {  	v19 =	vld [tilespmem:s30+$0xFFFFFC50]  }
0x3a9: {  	v16 =	vld [tilespmem:s30+$0xFFFFFCD0]  }
0x3aa: {  	v20 =	vld [tilespmem:s30+$0xFFFFFD50]  }
0x3ab: {  	v14 =	vld [tilespmem:s30+$0xFFFFFDD0]  }
0x3ac: {  	v23 =	vld [tilespmem:s30+$0xFFFFFE50]  }
0x3ad: {  	v26 =	vld [tilespmem:s30+$0xFFFFFED0]  }
0x3ae: {  	v29 =	vld [tilespmem:s30+$0xFFFFFF50]  }
0x3af: {  	v21 =	vld [tilespmem:s30+$0xFFFFFFD0]  }
0x3b0: {  	v25 =	vld [tilespmem:s30+$0xFFFFBC60]  }
0x3b1: {  	v34 =	vadd.f32 v46, v45;
	v27 =	vld [tilespmem:s30+$0xFFFFBCE0]  }
0x3b2: {  	v28 =	vld [tilespmem:s30+$0xFFFFBD60]  }
0x3b3: {  	v13 =	vadd.f32 v13, v17;
	v37 =	vadd.f32 v34, v33;
	v32 =	vld [tilespmem:s30+$0xFFFFBDE0]  }
0x3b4: {  	v33 =	vld [tilespmem:s30+$0xFFFFBE60]  }
0x3b5: {  	v13 =	vadd.f32 v35, v13;
	v22 =	vadd.f32 v37, v36;
	v34 =	vld [tilespmem:s30+$0xFFFFBEE0]  }
0x3b6: {  	v37 =	vld [tilespmem:s30+$0xFFFFBF60]  }
0x3b7: {  	v13 =	vadd.f32 v22, v13;
	v22 =	vld [tilespmem:s30+$0xFFFFBFE0]  }
0x3b8: {  	v31 =	vld [tilespmem:s30+$0xFFFFFC60]  }
0x3b9: {  	v36 =	vld [tilespmem:s30+$0xFFFFFCE0]  }
0x3ba: {  	v30 =	vadd.f32 v41, v40;
	v17 =	vadd.f32 v39, v38;
	v38 =	vld [tilespmem:s30+$0xFFFFFD60]  }
0x3bb: {  	v44 =	vadd.f32 v60, v59;
	v45 =	vadd.f32 v62, v61;
	v39 =	vld [tilespmem:s30+$0xFFFFFDE0]  }
0x3bc: {  	v35 =	vadd.f32 v48, v47;
	v7 =	vadd.f32 v7, v49;
	v58 =	vld [tilespmem:s30+$0xFFFFFE60]  }
0x3bd: {  	v24 =	vadd.f32 v43, v42;
	v46 =	vadd.f32 v45, v44;
	v59 =	vld [tilespmem:$0x1FE30]  }
0x3be: {  	v17 =	vadd.f32 v30, v17;
	v7 =	vadd.f32 v7, v35;
	v61 =	vld [tilespmem:s30+$0xFFFFFF60]  }
0x3bf: {  	v30 =	vadd.f32 v51, v50;
	v35 =	vadd.f32 v53, v52;
	v44 =	vld [tilespmem:s30+$0xFFFFBDF0]  }
0x3c0: {  	v47 =	vld [tilespmem:s30+$0xFFFFBEF0]  }
0x3c1: {  	v24 =	vadd.f32 v46, v24;
	v60 =	vadd.f32 v35, v30;
	v50 =	vld [tilespmem:s30+$0xFFFFFC70]  }
0x3c2: {  	v40 =	vadd.f32 v54, v55;
	v41 =	vadd.f32 v57, v56;
	v51 =	vld [tilespmem:s30+$0xFFFFFCF0]  }
0x3c3: {  	v17 =	vadd.f32 v24, v17;
	v53 =	vld [tilespmem:s30+$0xFFFFFD70]  }
0x3c4: {  	v7 =	vadd.f32 v60, v7;
	v56 =	vld [tilespmem:s30+$0xFFFFFDF0];
	v62 =	vadd.f32 v41, v40  }
0x3c5: {  	v60 =	vld [tilespmem:s30+$0xFFFFFF70];
	v43 =	vadd.f32 v63, v59;
	v2 =	vadd.f32 v8, v2  }
0x3c6: {  	[tilespmem:s31+$0x0] =	vst.add.f32.msk $0xffff, v1;
	v9 =	vadd.f32 v12, v9;
	v4 =	vadd.f32 v10, v4  }
0x3c7: {  	[tilespmem:s31+$0xFFFFFFA0] =	vst.add.f32.msk $0xffff, v13;
	v3 =	vadd.f32 v11, v3;
	v11 =	vadd.f32 v18, v15  }
0x3c8: {  	[tilespmem:s31+$0xFFFFFFB0] =	vst.add.f32.msk $0xffff, v17;
	v45 =	vadd.f32 v26, v23;
	v46 =	vadd.f32 v21, v29  }
0x3c9: {  	v8 =	vld [tilespmem:s30+$0xFFFFFEE0];
	v48 =	vadd.f32 v27, v25;
	v49 =	vadd.f32 v32, v28  }
0x3ca: {  	v63 =	vld [tilespmem:s30+$0xFFFFFFE0];
	v52 =	vadd.f32 v22, v37;
	v54 =	vadd.f32 v36, v31  }
0x3cb: {  	v12 =	vld [tilespmem:s30+$0xFFFFBC70];
	v55 =	vadd.f32 v39, v38;
	v2 =	vadd.f32 v2, v43  }
0x3cc: {  	v10 =	vld [tilespmem:s30+$0xFFFFBCF0];
	v4 =	vadd.f32 v4, v9;
	v9 =	vadd.f32 v16, v19  }
0x3cd: {  	v15 =	vld [tilespmem:s30+$0xFFFFBD70];
	v3 =	vadd.f32 v11, v3;
	v11 =	vadd.f32 v14, v20  }
0x3ce: {  	v14 =	vld [tilespmem:s30+$0xFFFFBE70];
	v18 =	vadd.f32 v49, v48;
	v2 =	vadd.f32 v2, v62  }
0x3cf: {  	v59 =	vadd.f32 v55, v54;
	v3 =	vadd.f32 v3, v4;
	v4 =	vld [tilespmem:s30+$0xFFFFBF70]  }
0x3d0: {  	v8 =	vadd.f32 v8, v58;
	v58 =	vld [tilespmem:s30+$0xFFFFFE70];
	v2 =	vadd.f32 v2, v7  }
0x3d1: {  	v7 =	vadd.f32 v11, v9;
	v9 =	vadd.f32 v46, v45;
	v11 =	vld [tilespmem:s30+$0xFFFFBFF0]  }
0x3d2: {  	v57 =	vadd.f32 v63, v61;
	v10 =	vadd.f32 v10, v12;
	v12 =	vld [tilespmem:s30+$0xFFFFFFF0]  }
0x3d3: {  	v61 =	vld [tilespmem:s30+$0xFFFFBC10];
	v7 =	vadd.f32 v9, v7;
	v9 =	vadd.f32 v34, v33  }
0x3d4: {  	v15 =	vadd.f32 v44, v15;
	v8 =	vadd.f32 v57, v8;
	[tilespmem:s31+$0xFFFFFFC0] =	vst.add.f32.msk $0xffff, v2  }
0x3d5: {  	v3 =	vadd.f32 v7, v3;
	v7 =	vadd.f32 v52, v9;
	v9 =	vld [tilespmem:s30+$0xFFFFFEF0]  }
0x3d6: {  	v14 =	vadd.f32 v47, v14;
	v4 =	vadd.f32 v11, v4;
	v11 =	vld [tilespmem:$0x1FE40]  }
0x3d7: {  	v8 =	vadd.f32 v8, v59;
	v7 =	vadd.f32 v7, v18  }
0x3d8: {  	v62 =	vadd.f32 v15, v10;
	v10 =	vadd.f32 v56, v53  }
0x3d9: {  	v63 =	vadd.f32 v12, v60;
	v7 =	vadd.f32 v8, v7  }
0x3da: {  	v8 =	vadd.f32 v51, v50;
	v9 =	vadd.f32 v9, v58  }
0x3db: {  	v4 =	vadd.f32 v4, v14;
	v12 =	vadd.f32 v11, v61  }
0x3dc: {  	[tilespmem:s31+$0xFFFFFFD0] =	vst.add.f32.msk $0xffff, v3;
	v11 =	vadd.f32 v10, v8;
	v9 =	vadd.f32 v63, v9  }
0x3dd: {  	s29 =	simm.s32 $0x167F0;
	s28 =	simm.s32 $0x0;
	s25 =	smov.u32 s31;
	v13 =	vadd.f32 v4, v62;
	[tilespmem:s31+$0xFFFFFFE0] =	vst.add.f32.msk $0xffff, v7;
	v8 =	vadd.f32 v0, v12  }
.LBB2_7:
0x3de: {  	v0 =	vld [tilespmem:s29+$0xFFFFBC80];
	v1 =	vadd.f32 v9, v11  }
0x3df: {  	v2 =	vld [tilespmem:s29+$0xFFFFBD00];
	v3 =	vadd.f32 v5, v8  }
0x3e0: {  	v4 =	vld [tilespmem:s29+$0xFFFFBD80];
	v7 =	vadd.f32 v1, v13  }
0x3e1: {  	v1 =	vld [tilespmem:s29+$0xFFFFBE00];
	v8 =	vadd.f32 v6, v3  }
0x3e2: {  	v3 =	vld [tilespmem:s29+$0xFFFFBE80]  }
0x3e3: {  	v5 =	vld [tilespmem:s29+$0xFFFFBF00]  }
0x3e4: {  	v6 =	vld [tilespmem:s29+$0xFFFFBF80]  }
0x3e5: {  	v10 =	vld [tilespmem:s29+$0xFFFFC000]  }
0x3e6: {  	v11 =	vld [tilespmem:s29+$0xFFFFFC80]  }
0x3e7: {  	v12 =	vld [tilespmem:s29+$0xFFFFFD00]  }
0x3e8: {  	v13 =	vld [tilespmem:s29+$0xFFFFFD80]  }
0x3e9: {  	v14 =	vld [tilespmem:s29+$0xFFFFFE00]  }
0x3ea: {  	v15 =	vld [tilespmem:s29+$0xFFFFFE80]  }
0x3eb: {  	v16 =	vld [tilespmem:s29+$0xFFFFFF00]  }
0x3ec: {  	v17 =	vld [tilespmem:s29+$0xFFFFFF80]  }
0x3ed: {  	s28 =	sadd.s32 $0x8, s28;
	v18 =	vld [tilespmem:s29+$0x0]  }
0x3ee: {  	p2 =	slt.u32 s28, $0x78;
	v9 =	vld [tilespmem:s29+$0xFFFFBC90]  }
0x3ef: {  	v0 =	vadd.f32 v2, v0;
	v1 =	vadd.f32 v1, v4;
	v19 =	vld [tilespmem:s29+$0xFFFFBD10]  }
0x3f0: {  	v3 =	vadd.f32 v5, v3;
	v4 =	vadd.f32 v10, v6;
	v2 =	vld [tilespmem:s29+$0xFFFFBD90]  }
0x3f1: {  	v6 =	vadd.f32 v12, v11;
	v10 =	vadd.f32 v14, v13;
	v5 =	vld [tilespmem:s29+$0xFFFFBE10]  }
0x3f2: {  	v12 =	vadd.f32 v16, v15;
	v11 =	vld [tilespmem:s29+$0xFFFFBE90];
	v13 =	vadd.f32 v18, v17  }
0x3f3: {  	v0 =	vadd.f32 v1, v0;
	v1 =	vadd.f32 v4, v3;
	v14 =	vld [tilespmem:s29+$0xFFFFBF10]  }
0x3f4: {  	v4 =	vadd.f32 v10, v6;
	v3 =	vld [tilespmem:s29+$0xFFFFBF90];
	v6 =	vadd.f32 v13, v12  }
0x3f5: {  	v12 =	vld [tilespmem:s29+$0xFFFFFC10];
	v10 =	vadd.f32 v2, v19  }
0x3f6: {  	v0 =	vadd.f32 v1, v0;
	v2 =	vld [tilespmem:s29+$0xFFFFFC90];
	v1 =	vadd.f32 v6, v4  }
0x3f7: {  	v4 =	vld [tilespmem:s29+$0xFFFFFD10];
	v5 =	vadd.f32 v11, v5  }
0x3f8: {  	v6 =	vld [tilespmem:s29+$0xFFFFFD90];
	v0 =	vadd.f32 v1, v0  }
0x3f9: {  	s31 =	sadd.s32 $0x100, s31;
	v1 =	vld [tilespmem:s29+$0xFFFFFE10];
	v3 =	vadd.f32 v3, v14  }
0x3fa: {  	[tilespmem:s31+$0x0] =	vst.add.f32.msk $0xffff, v0  }
0x3fb: {  	v0 =	vld [tilespmem:s29+$0xFFFFFE90];
	v2 =	vadd.f32 v2, v12;
	v5 =	vadd.f32 v3, v5  }
0x3fc: {  	v3 =	vld [tilespmem:s29+$0xFFFFFF10]  }
0x3fd: {  	v11 =	vld [tilespmem:s29+$0xFFFFFF90];
	v4 =	vadd.f32 v6, v4  }
0x3fe: {  	v6 =	vld [tilespmem:s29+$0xFFFFBC20]  }
0x3ff: {  	v2 =	vadd.f32 v4, v2;
	v4 =	vld [tilespmem:s29+$0xFFFFBCA0]  }
0x400: {  	v0 =	vadd.f32 v0, v1;
	v1 =	vld [tilespmem:s29+$0xFFFFBD20]  }
0x401: {  	v12 =	vld [tilespmem:s29+$0xFFFFBDA0]  }
0x402: {  	v3 =	vadd.f32 v11, v3;
	v11 =	vld [tilespmem:s29+$0xFFFFBE20]  }
0x403: {  	v13 =	vld [tilespmem:s29+$0xFFFFBEA0]  }
0x404: {  	v0 =	vadd.f32 v3, v0;
	v3 =	vld [tilespmem:s29+$0xFFFFBF20];
	v4 =	vadd.f32 v4, v6  }
0x405: {  	v14 =	vld [tilespmem:s29+$0xFFFFBFA0]  }
0x406: {  	v6 =	vadd.f32 v0, v2;
	v0 =	vld [tilespmem:s29+$0xFFFFFC20];
	v1 =	vadd.f32 v12, v1  }
0x407: {  	v2 =	vld [tilespmem:s29+$0xFFFFFCA0]  }
0x408: {  	v12 =	vld [tilespmem:s29+$0xFFFFFD20];
	v11 =	vadd.f32 v13, v11;
	v1 =	vadd.f32 v1, v4  }
0x409: {  	v4 =	vld [tilespmem:s29+$0xFFFFFDA0]  }
0x40a: {  	v13 =	vld [tilespmem:s29+$0xFFFFFE20];
	v3 =	vadd.f32 v14, v3  }
0x40b: {  	v14 =	vld [tilespmem:s29+$0xFFFFFEA0]  }
0x40c: {  	v15 =	vld [tilespmem:s29+$0xFFFFFF20];
	v0 =	vadd.f32 v2, v0;
	v2 =	vadd.f32 v3, v11  }
0x40d: {  	v3 =	vld [tilespmem:s29+$0xFFFFFFA0]  }
0x40e: {  	v4 =	vadd.f32 v4, v12;
	v1 =	vadd.f32 v2, v1;
	v2 =	vld [tilespmem:s29+$0xFFFFBC30]  }
0x40f: {  	v11 =	vld [tilespmem:s29+$0xFFFFBCB0]  }
0x410: {  	v12 =	vadd.f32 v14, v13;
	v0 =	vadd.f32 v4, v0;
	v4 =	vld [tilespmem:s29+$0xFFFFBD30]  }
0x411: {  	v13 =	vld [tilespmem:s29+$0xFFFFBDB0]  }
0x412: {  	v3 =	vadd.f32 v3, v15;
	v14 =	vld [tilespmem:s29+$0xFFFFBE30]  }
0x413: {  	v15 =	vld [tilespmem:s29+$0xFFFFBEB0]  }
0x414: {  	v3 =	vadd.f32 v3, v12;
	v12 =	vld [tilespmem:s29+$0xFFFFBF30];
	v2 =	vadd.f32 v11, v2  }
0x415: {  	v16 =	vld [tilespmem:s29+$0xFFFFBFB0]  }
0x416: {  	v0 =	vadd.f32 v3, v0;
	v3 =	vld [tilespmem:s29+$0xFFFFFC30];
	v4 =	vadd.f32 v13, v4  }
0x417: {  	v13 =	vld [tilespmem:s29+$0xFFFFFCB0]  }
0x418: {  	v17 =	vld [tilespmem:s29+$0xFFFFFD30];
	v14 =	vadd.f32 v15, v14;
	v2 =	vadd.f32 v4, v2  }
0x419: {  	v11 =	vadd.f32 v0, v1;
	v0 =	vld [tilespmem:s29+$0xFFFFFDB0]  }
0x41a: {  	v1 =	vld [tilespmem:s29+$0xFFFFFE30];
	v4 =	vadd.f32 v16, v12  }
0x41b: {  	v12 =	vld [tilespmem:s29+$0xFFFFFEB0]  }
0x41c: {  	v15 =	vld [tilespmem:s29+$0xFFFFFF30];
	v3 =	vadd.f32 v13, v3;
	v4 =	vadd.f32 v4, v14  }
0x41d: {  	v13 =	vld [tilespmem:s29+$0xFFFFFFB0]  }
0x41e: {  	v0 =	vadd.f32 v0, v17;
	v2 =	vadd.f32 v4, v2;
	v4 =	vld [tilespmem:s29+$0xFFFFBC40]  }
0x41f: {  	v14 =	vld [tilespmem:s29+$0xFFFFBCC0]  }
0x420: {  	v1 =	vadd.f32 v12, v1;
	v0 =	vadd.f32 v0, v3;
	v3 =	vld [tilespmem:s29+$0xFFFFBD40]  }
0x421: {  	v12 =	vld [tilespmem:s29+$0xFFFFBDC0]  }
0x422: {  	v13 =	vadd.f32 v13, v15;
	v15 =	vld [tilespmem:s29+$0xFFFFBE40]  }
0x423: {  	v16 =	vld [tilespmem:s29+$0xFFFFBEC0]  }
0x424: {  	v1 =	vadd.f32 v13, v1;
	v13 =	vld [tilespmem:s29+$0xFFFFBF40];
	v4 =	vadd.f32 v14, v4  }
0x425: {  	v14 =	vld [tilespmem:s29+$0xFFFFBFC0]  }
0x426: {  	v0 =	vadd.f32 v1, v0;
	v1 =	vld [tilespmem:s29+$0xFFFFFC40];
	v3 =	vadd.f32 v12, v3  }
0x427: {  	v17 =	vld [tilespmem:s29+$0xFFFFFCC0]  }
0x428: {  	v18 =	vld [tilespmem:s29+$0xFFFFFD40];
	v15 =	vadd.f32 v16, v15;
	v3 =	vadd.f32 v3, v4  }
0x429: {  	v12 =	vadd.f32 v0, v2;
	v0 =	vld [tilespmem:s29+$0xFFFFFDC0]  }
0x42a: {  	v2 =	vld [tilespmem:s29+$0xFFFFFE40];
	v4 =	vadd.f32 v14, v13  }
0x42b: {  	v13 =	vld [tilespmem:s29+$0xFFFFFEC0]  }
0x42c: {  	v14 =	vld [tilespmem:s29+$0xFFFFFF40];
	v1 =	vadd.f32 v17, v1;
	v4 =	vadd.f32 v4, v15  }
0x42d: {  	v15 =	vld [tilespmem:s29+$0xFFFFFFC0]  }
0x42e: {  	v0 =	vadd.f32 v0, v18;
	v3 =	vadd.f32 v4, v3;
	v4 =	vld [tilespmem:s29+$0xFFFFBC50]  }
0x42f: {  	v16 =	vld [tilespmem:s29+$0xFFFFBCD0]  }
0x430: {  	v2 =	vadd.f32 v13, v2;
	v0 =	vadd.f32 v0, v1;
	v1 =	vld [tilespmem:s29+$0xFFFFBD50]  }
0x431: {  	v13 =	vld [tilespmem:s29+$0xFFFFBDD0]  }
0x432: {  	v14 =	vadd.f32 v15, v14;
	v15 =	vld [tilespmem:s29+$0xFFFFBE50]  }
0x433: {  	v17 =	vld [tilespmem:s29+$0xFFFFBED0]  }
0x434: {  	v2 =	vadd.f32 v14, v2;
	v14 =	vld [tilespmem:s29+$0xFFFFBF50];
	v4 =	vadd.f32 v16, v4  }
0x435: {  	v16 =	vld [tilespmem:s29+$0xFFFFBFD0]  }
0x436: {  	v0 =	vadd.f32 v2, v0;
	v2 =	vld [tilespmem:s29+$0xFFFFFC50];
	v1 =	vadd.f32 v13, v1  }
0x437: {  	v13 =	vld [tilespmem:s29+$0xFFFFFCD0]  }
0x438: {  	v18 =	vld [tilespmem:s29+$0xFFFFFD50];
	v15 =	vadd.f32 v17, v15;
	v1 =	vadd.f32 v1, v4  }
0x439: {  	v0 =	vadd.f32 v0, v3;
	v3 =	vld [tilespmem:s29+$0xFFFFFDD0]  }
0x43a: {  	v4 =	vld [tilespmem:s29+$0xFFFFFE50];
	v14 =	vadd.f32 v16, v14  }
0x43b: {  	v16 =	vld [tilespmem:s29+$0xFFFFFED0]  }
0x43c: {  	v17 =	vld [tilespmem:s29+$0xFFFFFF50];
	v2 =	vadd.f32 v13, v2;
	v13 =	vadd.f32 v14, v15  }
0x43d: {  	v14 =	vld [tilespmem:s29+$0xFFFFFFD0]  }
0x43e: {  	v3 =	vadd.f32 v3, v18;
	v1 =	vadd.f32 v13, v1;
	v13 =	vld [tilespmem:s29+$0xFFFFBC60]  }
0x43f: {  	v15 =	vld [tilespmem:s29+$0xFFFFBCE0]  }
0x440: {  	v4 =	vadd.f32 v16, v4;
	v2 =	vadd.f32 v3, v2;
	v3 =	vld [tilespmem:s29+$0xFFFFBD60]  }
0x441: {  	v16 =	vld [tilespmem:s29+$0xFFFFBDE0]  }
0x442: {  	v14 =	vadd.f32 v14, v17;
	v17 =	vld [tilespmem:s29+$0xFFFFBE60]  }
0x443: {  	v18 =	vld [tilespmem:s29+$0xFFFFBEE0]  }
0x444: {  	v4 =	vadd.f32 v14, v4;
	v14 =	vld [tilespmem:s29+$0xFFFFBF60];
	v13 =	vadd.f32 v15, v13  }
0x445: {  	v15 =	vld [tilespmem:s29+$0xFFFFBFE0]  }
0x446: {  	v2 =	vadd.f32 v4, v2;
	v4 =	vld [tilespmem:s29+$0xFFFFFC60];
	v3 =	vadd.f32 v16, v3  }
0x447: {  	v16 =	vld [tilespmem:s29+$0xFFFFFCE0]  }
0x448: {  	v19 =	vld [tilespmem:s29+$0xFFFFFD60];
	v17 =	vadd.f32 v18, v17;
	v3 =	vadd.f32 v3, v13  }
0x449: {  	v1 =	vadd.f32 v2, v1;
	v2 =	vld [tilespmem:s29+$0xFFFFFDE0]  }
0x44a: {  	v13 =	vld [tilespmem:s29+$0xFFFFFE60];
	v14 =	vadd.f32 v15, v14  }
0x44b: {  	v15 =	vld [tilespmem:s29+$0xFFFFFEE0]  }
0x44c: {  	v18 =	vld [tilespmem:s29+$0xFFFFFF60];
	v4 =	vadd.f32 v16, v4;
	v14 =	vadd.f32 v14, v17  }
0x44d: {  	v16 =	vld [tilespmem:s29+$0xFFFFFFE0]  }
0x44e: {  	v2 =	vadd.f32 v2, v19;
	v3 =	vadd.f32 v14, v3;
	v14 =	vld [tilespmem:s29+$0xFFFFBC70]  }
0x44f: {  	v17 =	vld [tilespmem:s29+$0xFFFFBCF0]  }
0x450: {  	v13 =	vadd.f32 v15, v13;
	v2 =	vadd.f32 v2, v4;
	v4 =	vld [tilespmem:s29+$0xFFFFBD70]  }
0x451: {  	v15 =	vld [tilespmem:s29+$0xFFFFBDF0]  }
0x452: {  	v16 =	vadd.f32 v16, v18;
	v18 =	vld [tilespmem:s29+$0xFFFFBE70]  }
0x453: {  	v19 =	vld [tilespmem:s29+$0xFFFFBEF0]  }
0x454: {  	v13 =	vadd.f32 v16, v13;
	v16 =	vld [tilespmem:s29+$0xFFFFBF70];
	v14 =	vadd.f32 v17, v14  }
0x455: {  	v17 =	vld [tilespmem:s29+$0xFFFFBFF0]  }
0x456: {  	v2 =	vadd.f32 v13, v2;
	v13 =	vld [tilespmem:s29+$0xFFFFFC70];
	v4 =	vadd.f32 v15, v4  }
0x457: {  	v15 =	vld [tilespmem:s29+$0xFFFFFCF0]  }
0x458: {  	v20 =	vld [tilespmem:s29+$0xFFFFFD70];
	v18 =	vadd.f32 v19, v18;
	v4 =	vadd.f32 v4, v14  }
0x459: {  	v2 =	vadd.f32 v2, v3;
	v3 =	vld [tilespmem:s29+$0xFFFFFDF0]  }
0x45a: {  	v14 =	vld [tilespmem:s29+$0xFFFFFE70];
	v16 =	vadd.f32 v17, v16  }
0x45b: {  	v17 =	vld [tilespmem:s29+$0xFFFFFEF0]  }
0x45c: {  	v19 =	vld [tilespmem:s29+$0xFFFFFF70];
	v15 =	vadd.f32 v15, v13;
	v13 =	vadd.f32 v16, v18  }
0x45d: {  	v16 =	vld [tilespmem:s29+$0xFFFFFFF0]  }
0x45e: {  	v18 =	vld [tilespmem:s29+$0xFFFFBC10];
	v3 =	vadd.f32 v3, v20;
	v13 =	vadd.f32 v13, v4  }
0x45f: {  	[tilespmem:s25+$0xFFFFFF90] =	vst.add.f32.msk $0xffff, v8  }
0x460: {  	[tilespmem:s31+$0xFFFFFFA0] =	vst.add.f32.msk $0xffff, v11;
	v4 =	vadd.f32 v17, v14;
	v11 =	vadd.f32 v3, v15  }
.Ltmp2:
0x461: {  	[tilespmem:s31+$0xFFFFFFB0] =	vst.add.f32.msk $0xffff, v12;
	(pc) =	sbr.rel @p2 .LBB2_7-.Ltmp2, $4  }
0x462: {  	[tilespmem:s31+$0xFFFFFFC0] =	vst.add.f32.msk $0xffff, v0;
	v0 =	vadd.f32 v16, v19  }
0x463: {  	v3 =	vadd.f32 v9, v18;
	[tilespmem:s31+$0xFFFFFFD0] =	vst.add.f32.msk $0xffff, v1  }
0x464: {  	[tilespmem:s31+$0xFFFFFFE0] =	vst.add.f32.msk $0xffff, v2;
	v9 =	vadd.f32 v0, v4  }
0x465: {  	s29 =	sadd.s32 $0x400, s29;
	v8 =	vadd.f32 v10, v3;
	[tilespmem:s25+$0xFFFFFFF0] =	vst.add.f32.msk $0xffff, v7;
	s25 =	smov.u32 s31  }
0x466: {  	v1 =	vadd.f32 v9, v11  }
0x467: {  	v0 =	vadd.f32 v5, v8  }
0x468: {  	v1 =	vadd.f32 v1, v13  }
0x469: {  	v0 =	vadd.f32 v6, v0  }
0x46a: {  	[tilespmem:s25+$0xFFFFFFF0] =	vst.add.f32.msk $0xffff, v1  }
0x46b: {  	[tilespmem:s25+$0xFFFFFF90] =	vst.add.f32.msk $0xffff, v0  }
0x46c: {  	v0 =	vld @!p1 [tilespmem:s26+$0xA0];
	_ =	sdelay $0x4  }
0x46d: {  	v1 =	vshll.u32 @!p1 v0, $0x4  }
0x46e: {  	v2 =	vlaneseq.u32 @!p1;
	v0 =	vand.u32 @!p1 $0x7, v0;
	v1 =	vand.u32 @!p1 $0xFFFFFF80, v1  }
0x46f: {  	v3 =	vshrl.u32 @!p1 v2, $0x3;
	v0 =	vor.u32 @!p1 v0, v1;
	v1 =	vand.u32 @!p1 $0x7, v2  }
0x470: {  	v3 =	vmul.u32 @!p1 $0x8, v3;
	v1 =	vperm.xlane @!p1 v0, v1;
	_ =	sdelay $0x1  }
0x471: {  	v1 =	vadd.s32 @!p1 v3, v1;
	_ =	sdelay $0x3  }
0x472: {  	s28 =	simm.s32 @!p1 $0x12000;
	s25 =	simm.s32 @!p1 $0x0  }
0x473: {  	[tilespmem:s28], [sflag:$0x3] =	stream.indirect_vreg.gather @!p1 [hbm4b:s2+s25], $0x80, v1, vm1, $0xb8;
	[tilespmem:$0x1C000] =	vst v63  }
0x474: {  	s28 =	simm.s32 @!p1 $0x12800  }
0x475: {  	[tilespmem:s28], [sflag:$0x3] =	stream.indirect_vreg.gather @!p1 [hbm4b:s7+s25], $0x80, v1, vm1, $0xb8;
	[tilespmem:$0x1C000] =	vst v63  }
0x476: {  	s28 =	simm.s32 @!p1 $0x13000  }
0x477: {  	[tilespmem:s28], [sflag:$0x3] =	stream.indirect_vreg.gather @!p1 [hbm4b:s8+s25], $0x80, v1, vm1, $0xb8;
	[tilespmem:$0x1C000] =	vst v63  }
0x478: {  	s28 =	simm.s32 @!p1 $0x13800  }
0x479: {  	[tilespmem:s28], [sflag:$0x3] =	stream.indirect_vreg.gather @!p1 [hbm4b:s9+s25], $0x80, v1, vm1, $0xb8;
	[tilespmem:$0x1C000] =	vst v63  }
0x47a: {  	s28 =	simm.s32 @!p1 $0x14000  }
0x47b: {  	v2 =	vor.u32 @!p1 $0x8, v2;
	[tilespmem:s28], [sflag:$0x3] =	stream.indirect_vreg.gather @!p1 [hbm4b:s10+s25], $0x80, v1, vm1, $0xb8;
	[tilespmem:$0x1C000] =	vst v63  }
0x47c: {  	v0 =	vperm.xlane @!p1 v0, v2;
	s28 =	simm.s32 @!p1 $0x14800  }
0x47d: {  	[tilespmem:s28], [sflag:$0x3] =	stream.indirect_vreg.gather @!p1 [hbm4b:s11+s25], $0x80, v1, vm1, $0xb8;
	[tilespmem:$0x1C000] =	vst v63  }
0x47e: {  	v0 =	vadd.s32 @!p1 v3, v0;
	s28 =	simm.s32 @!p1 $0x15000  }
0x47f: {  	[tilespmem:s28], [sflag:$0x3] =	stream.indirect_vreg.gather @!p1 [hbm4b:s12+s25], $0x80, v1, vm1, $0xb8;
	[tilespmem:$0x1C000] =	vst v63  }
0x480: {  	s28 =	simm.s32 @!p1 $0x15800  }
0x481: {  	[tilespmem:s28], [sflag:$0x3] =	stream.indirect_vreg.gather @!p1 [hbm4b:s13+s25], $0x80, v1, vm1, $0xb8;
	[tilespmem:$0x1C000] =	vst v63  }
0x482: {  	s28 =	simm.s32 @!p1 $0x16000  }
0x483: {  	[tilespmem:s28], [sflag:$0x3] =	stream.indirect_vreg.gather @!p1 [hbm4b:s2+s25], $0x80, v0, vm1, $0xb8;
	[tilespmem:$0x1C000] =	vst v63  }
0x484: {  	s28 =	simm.s32 @!p1 $0x16800  }
0x485: {  	[tilespmem:s28], [sflag:$0x3] =	stream.indirect_vreg.gather @!p1 [hbm4b:s7+s25], $0x80, v0, vm1, $0xb8;
	[tilespmem:$0x1C000] =	vst v63  }
0x486: {  	s28 =	simm.s32 @!p1 $0x17000  }
0x487: {  	[tilespmem:s28], [sflag:$0x3] =	stream.indirect_vreg.gather @!p1 [hbm4b:s8+s25], $0x80, v0, vm1, $0xb8;
	[tilespmem:$0x1C000] =	vst v63  }
0x488: {  	s28 =	simm.s32 @!p1 $0x17800  }
0x489: {  	[tilespmem:s28], [sflag:$0x3] =	stream.indirect_vreg.gather @!p1 [hbm4b:s9+s25], $0x80, v0, vm1, $0xb8;
	[tilespmem:$0x1C000] =	vst v63  }
0x48a: {  	s28 =	simm.s32 @!p1 $0x18000  }
0x48b: {  	[tilespmem:s28], [sflag:$0x3] =	stream.indirect_vreg.gather @!p1 [hbm4b:s10+s25], $0x80, v0, vm1, $0xb8;
	[tilespmem:$0x1C000] =	vst v63  }
0x48c: {  	s28 =	simm.s32 @!p1 $0x18800  }
0x48d: {  	[tilespmem:s28], [sflag:$0x3] =	stream.indirect_vreg.gather @!p1 [hbm4b:s11+s25], $0x80, v0, vm1, $0xb8;
	[tilespmem:$0x1C000] =	vst v63  }
0x48e: {  	s28 =	simm.s32 @!p1 $0x19000  }
0x48f: {  	[tilespmem:s28], [sflag:$0x3] =	stream.indirect_vreg.gather @!p1 [hbm4b:s12+s25], $0x80, v0, vm1, $0xb8;
	[tilespmem:$0x1C000] =	vst v63  }
0x490: {  	s28 =	simm.s32 @!p1 $0x19800  }
0x491: {  	[tilespmem:s28], [sflag:$0x3] =	stream.indirect_vreg.gather @!p1 [hbm4b:s13+s25], $0x80, v0, vm1, $0xb8;
	[tilespmem:$0x1C000] =	vst v63  }
0x492: {  	_ =	swait.ge [sflag:s18], $0x1000  }
0x493: {  	[sflag:s18] =	ssyncset.done $0x0  }
0x494: {  	s28 =	simm.s32 $0x0;
	[sflag:s18] =	ssyncadd.s32 $0xFFFFF000  }
0x495: {  	v55 =	vld [tilespmem:s28+$0x1A070]  }
0x496: {  	v56 =	vld [tilespmem:s28+$0x1A0F0]  }
0x497: {  	v57 =	vld [tilespmem:s28+$0x1A000]  }
0x498: {  	v3 =	vld [tilespmem:s28+$0x1A080]  }
0x499: {  	v4 =	vld [tilespmem:s28+$0x1A010]  }
0x49a: {  	v5 =	vld [tilespmem:s28+$0x1A090]  }
0x49b: {  	v6 =	vld [tilespmem:s28+$0x1A020]  }
0x49c: {  	v58 =	vld [tilespmem:s28+$0x1A0A0]  }
0x49d: {  	v59 =	vld [tilespmem:s28+$0x1A030]  }
0x49e: {  	v7 =	vld [tilespmem:s28+$0x1A0B0]  }
0x49f: {  	v60 =	vld [tilespmem:s28+$0x1A040]  }
0x4a0: {  	v61 =	vld [tilespmem:s28+$0x1A050]  }
0x4a1: {  	v62 =	vld [tilespmem:s28+$0x1A0D0]  }
0x4a2: {  	v2 =	vadd.f32 v3, v57;
	v3 =	vld [tilespmem:s28+$0x1A0C0]  }
0x4a3: {  	v0 =	vadd.f32 v56, v55;
	v4 =	vadd.f32 v5, v4;
	v5 =	vld [tilespmem:s28+$0x1A060]  }
0x4a4: {  	s25 =	sadd.s32 $0x0, s24;
	v1 =	vadd.f32 v58, v6;
	v6 =	vld [tilespmem:s28+$0x1A0E0]  }
0x4a5: {  	[tilespmem:s25+$0x70] =	vst.add.f32.msk $0xffff, v0  }
0x4a6: {  	[tilespmem:s25+$0x0] =	vst.add.f32.msk $0xffff, v2  }
0x4a7: {  	v63 =	vadd.f32 v62, v61;
	[tilespmem:s25+$0x10] =	vst.add.f32.msk $0xffff, v4  }
0x4a8: {  	v0 =	vadd.f32 v7, v59;
	[tilespmem:s25+$0x20] =	vst.add.f32.msk $0xffff, v1  }
0x4a9: {  	[tilespmem:s25+$0x50] =	vst.add.f32.msk $0xffff, v63;
	v3 =	vadd.f32 v3, v60  }
0x4aa: {  	[tilespmem:s25+$0x30] =	vst.add.f32.msk $0xffff, v0;
	v5 =	vadd.f32 v6, v5  }
0x4ab: {  	s29 =	simm.s32 $0x400;
	s28 =	simm.s32 $0x0;
	[tilespmem:s25+$0x40] =	vst.add.f32.msk $0xffff, v3  }
.LBB2_9:
0x4ac: {  	s30 =	sshra.s32 s29, $0x2;
	[tilespmem:s25+$0x60] =	vst.add.f32.msk $0xffff, v5  }
0x4ad: {  	s28 =	sadd.s32 $0x8, s28;
	v0 =	vld [tilespmem:s30+$0x1A070]  }
0x4ae: {  	p2 =	slt.u32 s28, $0x78;
	v1 =	vld [tilespmem:s30+$0x1A0F0]  }
0x4af: {  	v2 =	vld [tilespmem:s30+$0x1A000]  }
0x4b0: {  	v3 =	vld [tilespmem:s30+$0x1A080]  }
0x4b1: {  	v4 =	vld [tilespmem:s30+$0x1A010]  }
0x4b2: {  	v5 =	vld [tilespmem:s30+$0x1A090]  }
0x4b3: {  	v6 =	vld [tilespmem:s30+$0x1A020];
	v0 =	vadd.f32 v1, v0  }
0x4b4: {  	s25 =	sadd.s32 s30, s24;
	v1 =	vld [tilespmem:s30+$0x1A0A0]  }
0x4b5: {  	v2 =	vadd.f32 v3, v2;
	[tilespmem:s25+$0x70] =	vst.add.f32.msk $0xffff, v0  }
0x4b6: {  	v0 =	vld [tilespmem:s30+$0x1A030]  }
0x4b7: {  	v3 =	vadd.f32 v5, v4;
	v4 =	vld [tilespmem:s30+$0x1A0B0]  }
0x4b8: {  	v5 =	vld [tilespmem:s30+$0x1A040]  }
0x4b9: {  	v1 =	vadd.f32 v1, v6;
	v6 =	vld [tilespmem:s30+$0x1A0C0]  }
0x4ba: {  	v7 =	vld [tilespmem:s30+$0x1A050]  }
0x4bb: {  	v8 =	vld [tilespmem:s30+$0x1A0D0]  }
0x4bc: {  	v0 =	vadd.f32 v4, v0;
	v4 =	vld [tilespmem:s30+$0x1A060]  }
0x4bd: {  	v9 =	vld [tilespmem:s30+$0x1A0E0]  }
0x4be: {  	[tilespmem:s25+$0x0] =	vst.add.f32.msk $0xffff, v2;
	v2 =	vadd.f32 v6, v5  }
.Ltmp3:
0x4bf: {  	[tilespmem:s25+$0x10] =	vst.add.f32.msk $0xffff, v3;
	(pc) =	sbr.rel @p2 .LBB2_9-.Ltmp3, $4  }
0x4c0: {  	[tilespmem:s25+$0x20] =	vst.add.f32.msk $0xffff, v1;
	v1 =	vadd.f32 v8, v7  }
0x4c1: {  	[tilespmem:s25+$0x30] =	vst.add.f32.msk $0xffff, v0  }
0x4c2: {  	[tilespmem:s25+$0x40] =	vst.add.f32.msk $0xffff, v2;
	v5 =	vadd.f32 v9, v4  }
0x4c3: {  	s29 =	sadd.s32 $0x400, s29;
	[tilespmem:s25+$0x50] =	vst.add.f32.msk $0xffff, v1  }
0x4c4: {  	[tilespmem:s25+$0x60] =	vst.add.f32.msk $0xffff, v5  }
0x4c5: {  	v0 =	vld.msk @!p1 [tilespmem:s26+$0xB0], $0x3;
	_ =	sdelay $0x4  }
0x4c6: {  	v1 =	vshll.u32 @!p1 v0, $0x4  }
0x4c7: {  	v2 =	vlaneseq.u32 @!p1;
	v0 =	vand.u32 @!p1 $0x7, v0;
	v1 =	vand.u32 @!p1 $0xFFFFFF80, v1  }
0x4c8: {  	v0 =	vor.u32 @!p1 v0, v1;
	v1 =	vand.u32 @!p1 $0x1, v2;
	v2 =	vshrl.u32 @!p1 v2, $0x1  }
0x4c9: {  	v0 =	vperm.xlane @!p1 v0, v1;
	v1 =	vmul.u32 @!p1 $0x8, v2;
	_ =	sdelay $0x1  }
0x4ca: {  	v0 =	vadd.s32 @!p1 v1, v0;
	_ =	sdelay $0x3  }
0x4cb: {  	s24 =	simm.s32 @!p1 $0x0;
	s25 =	simm.s32 @!p1 $0x1A000  }
0x4cc: {  	[tilespmem:s25], [sflag:$0x4] =	stream.indirect_vreg.gather @!p1 [hbm4b:s2+s24], $0x80, v0, vm1, $0xb8;
	[tilespmem:$0x1C000] =	vst v63  }
0x4cd: {  	s30 =	sadd.s32 s4, s21;
	s31 =	sshll.u32 s21, $0x4;
	s25 =	simm.s32 @!p1 $0x1A800  }
0x4ce: {  	[tilespmem:s25], [sflag:$0x4] =	stream.indirect_vreg.gather @!p1 [hbm4b:s10+s24], $0x80, v0, vm1, $0xb8;
	[tilespmem:$0x1C000] =	vst v63  }
0x4cf: {  	s24 =	sshll.u32 s30, $0x8;
	s25 =	sand.u32 $0x70, s31  }
0x4d0: {  	s24 =	sand.u32 $0x7F800, s24;
	s25 =	sadd.s32 s5, s25  }
0x4d1: {  	s24 =	sadd.s32 s24, s25  }
0x4d2: {  	[hbm4b:s24+s3] =	stream.linear.scatter [tilespmem:s23], [sflag:$0x5], $0x80, $0x38;
	[tilespmem:$0x1C000] =	vst v63  }
0x4d3: {  	s26 =	sor.u32 $0x1B100, s22;
	s25 =	sadd.s32 $0x80, s24  }
0x4d4: {  	[hbm4b:s25+s3] =	stream.linear.scatter [tilespmem:s26], [sflag:$0x5], $0x80, $0x38;
	[tilespmem:$0x1C000] =	vst v63  }
0x4d5: {  	s28 =	sor.u32 $0x1B200, s22;
	s29 =	sadd.s32 $0x100, s24  }
0x4d6: {  	[hbm4b:s29+s3] =	stream.linear.scatter [tilespmem:s28], [sflag:$0x5], $0x80, $0x38;
	[tilespmem:$0x1C000] =	vst v63  }
0x4d7: {  	s30 =	sor.u32 $0x1B300, s22;
	s31 =	sadd.s32 $0x180, s24  }
0x4d8: {  	[hbm4b:s31+s3] =	stream.linear.scatter [tilespmem:s30], [sflag:$0x5], $0x80, $0x38;
	[tilespmem:$0x1C000] =	vst v63  }
0x4d9: {  	s25 =	sor.u32 $0x1B400, s22;
	s26 =	sadd.s32 $0x200, s24  }
0x4da: {  	[hbm4b:s26+s3] =	stream.linear.scatter [tilespmem:s25], [sflag:$0x5], $0x80, $0x38;
	[tilespmem:$0x1C000] =	vst v63  }
0x4db: {  	s28 =	sor.u32 $0x1B500, s22;
	s29 =	sadd.s32 $0x280, s24  }
0x4dc: {  	[hbm4b:s29+s3] =	stream.linear.scatter [tilespmem:s28], [sflag:$0x5], $0x80, $0x38;
	[tilespmem:$0x1C000] =	vst v63  }
0x4dd: {  	s30 =	sor.u32 $0x1B600, s22;
	s31 =	sadd.s32 $0x300, s24  }
0x4de: {  	[hbm4b:s31+s3] =	stream.linear.scatter [tilespmem:s30], [sflag:$0x5], $0x80, $0x38;
	[tilespmem:$0x1C000] =	vst v63  }
0x4df: {  	s25 =	sor.u32 $0x1B700, s22;
	s26 =	sadd.s32 $0x380, s24  }
0x4e0: {  	[hbm4b:s26+s3] =	stream.linear.scatter [tilespmem:s25], [sflag:$0x5], $0x80, $0x38;
	[tilespmem:$0x1C000] =	vst v63  }
0x4e1: {  	s28 =	sor.u32 $0x1B800, s22;
	s29 =	sadd.s32 $0x400, s24  }
0x4e2: {  	[hbm4b:s29+s3] =	stream.linear.scatter [tilespmem:s28], [sflag:$0x5], $0x80, $0x38;
	[tilespmem:$0x1C000] =	vst v63  }
0x4e3: {  	s30 =	sor.u32 $0x1B900, s22;
	s31 =	sadd.s32 $0x480, s24  }
0x4e4: {  	[hbm4b:s31+s3] =	stream.linear.scatter [tilespmem:s30], [sflag:$0x5], $0x80, $0x38;
	[tilespmem:$0x1C000] =	vst v63  }
0x4e5: {  	s25 =	sor.u32 $0x1BA00, s22;
	s26 =	sadd.s32 $0x500, s24  }
0x4e6: {  	[hbm4b:s26+s3] =	stream.linear.scatter [tilespmem:s25], [sflag:$0x5], $0x80, $0x38;
	[tilespmem:$0x1C000] =	vst v63  }
0x4e7: {  	s28 =	sor.u32 $0x1BB00, s22;
	s29 =	sadd.s32 $0x580, s24  }
0x4e8: {  	[hbm4b:s29+s3] =	stream.linear.scatter [tilespmem:s28], [sflag:$0x5], $0x80, $0x38;
	[tilespmem:$0x1C000] =	vst v63  }
0x4e9: {  	s21 =	sadd.s32 $0x1, s21;
	s30 =	sor.u32 $0x1BC00, s22;
	s31 =	sadd.s32 $0x600, s24  }
0x4ea: {  	[hbm4b:s31+s3] =	stream.linear.scatter [tilespmem:s30], [sflag:$0x5], $0x80, $0x38;
	[tilespmem:$0x1C000] =	vst v63  }
0x4eb: {  	p1 =	sne.s32 s21, $0x40;
	s25 =	sor.u32 $0x1BD00, s22;
	s26 =	sadd.s32 $0x680, s24  }
0x4ec: {  	[hbm4b:s26+s3] =	stream.linear.scatter [tilespmem:s25], [sflag:$0x5], $0x80, $0x38;
	[tilespmem:$0x1C000] =	vst v63  }
.Ltmp4:
0x4ed: {  	_ = 	snop;
	(pc) =	sbr.rel @p1 .LBB2_2-.Ltmp4, $4  }
0x4ee: {  	s28 =	sor.u32 $0x1BE00, s22;
	s29 =	sadd.s32 $0x700, s24  }
0x4ef: {  	[hbm4b:s29+s3] =	stream.linear.scatter [tilespmem:s28], [sflag:$0x5], $0x80, $0x38;
	[tilespmem:$0x1C000] =	vst v63  }
0x4f0: {  	p0 =	por !p0, !p0;
	s30 =	sor.u32 $0x1BF00, s22;
	s31 =	sadd.s32 $0x780, s24  }
0x4f1: {  	[hbm4b:s31+s3] =	stream.linear.scatter [tilespmem:s30], [sflag:$0x5], $0x80, $0x38;
	[tilespmem:$0x1C000] =	vst v63  }
0x4f2: {  	s20 =	sadd.s32 $0x1, s20  }
0x4f3: {  	_ =	swait.ge [sflag:s19], $0x800;
	p0 =	sne.s32 s20, s14  }
.Ltmp5:
0x4f4: {  	[sflag:s19] =	ssyncset.done $0x0;
	(pc) =	sbr.rel @p0 .LBB2_1-.Ltmp5, $4  }
0x4f5: {  	[sflag:s19] =	ssyncadd.s32 $0xFFFFF800  }
0x4f6: {  	_ =	swait.ge [sflag:s19], $0x800  }
0x4f7: {  	[sflag:s19] =	ssyncset.done $0x0  }
0x4f8: {  	[sflag:s19] =	ssyncadd.s32 $0xFFFFF800  }
0x4f9: {  	_ =	sfence.sel $0x180000  }
0x4fa: {  	[bflag:$0x0] =	sbarrier.arrive $0xFFFF  }
0x4fb: {  	_ =	strace $0x90000047  }
0x4fc: {  	s0 =	stileid.u32;
	[bflag:$0x2] =	sbarrier.arrive $0xFFFF  }
0x4fd: {  	p0 =	sne.s32 s0, $0x0;
	s0 =	rddreg [dreg:$0x2]  }
0x4fe: {  	s0 =	sadd.s32 @!p0 $0x100000, s0  }
0x4ff: {  	[sflag:s0] =	ssyncadd.tile.s32 @!p0 $0x1;
	_ =	shalt  }
.Lfunc_end2:
_tile_overlayer_lowered:
.L_overlay_start_2:
0x500: {  	(tag) =	ssettag $0x2  }
0x501: {  	s0 =	rddreg [dreg:$0x0];
	s2 =	stileid.u32  }
0x502: {  	s1 =	rddreg [dreg:$0x1];
	p0 =	sne.s32 s2, $0x0  }
0x503: {  	s3 =	rddreg [dreg:$0x2];
	[bflag:$0x3] =	sbarrier.arrive $0xFFFF;
	s2 =	simm.s32 @!p0 $0x1C06  }
0x504: {  	[timem:s3], [sflag:s2] =	dma.local @!p0 [hbm:s0], s1  }
0x505: {  	s0 =	simm.s32 @!p0 $0x6  }
0x506: {  	_ =	swait.ge @!p0 [sflag:s0], s1  }
0x507: {  	s1 =	ssub.s32 @!p0 $0x0, s1;
	[sflag:s0] =	ssyncset.done @!p0 $0x0  }
0x508: {  	[sflag:s0] =	ssyncadd.s32 @!p0 s1  }
0x509: {  	[bflag:$0x3] =	sbarrier.arrive $0xFFFF  }
0x50a: {  	_ =	shalt  }

</sc_bundles>
